<compile_context>
chip_gen: v7x
topology: tpu7x:2x2x1
jax: 0.10.2.dev20260603
libtpu: 0.0.44.dev20260713+nightly
codegen_flags: <defaults>
</compile_context>

<pallas_src>
import functools
import numpy as np
import jax
import jax.numpy as jnp
from jax.experimental import pallas as pl
from jax.experimental.pallas import tpu as pltpu
from jax.experimental.pallas import tpu_sc as plsc

_M0 = 32
_M1 = 32
_NUM_BASIS = 10
_MAX_RADIUS = 4.5
_BLOCK_E = 2048

_NC = 2
_NS = 16
_NW = _NC * _NS
_SCAT_CHUNK = 128
_N_PAD = 10112


def _dense_body(evT_ref, xs_ref, w1_ref, w2t_ref, out_ref):
    evT = evT_ref[...]
    d2 = jnp.sum(evT * evT, axis=0, keepdims=True)
    d = jnp.sqrt(d2)
    step = _MAX_RADIUS / (_NUM_BASIS + 1)
    B = evT.shape[1]
    basis = (jax.lax.broadcasted_iota(jnp.int32, (_NUM_BASIS, B), 0) + 1
             ).astype(jnp.float32) * step
    diff = (d - basis) * (1.0 / step)

    def sus(t):
        ts = jnp.where(t > 0.0, t, 1.0)
        return jnp.where(t > 0.0, jnp.exp(-1.0 / ts), 0.0)

    g = sus(diff + 1.0) * sus(1.0 - diff)
    h = jax.nn.relu(
        jax.lax.dot_general(w1_ref[...], g, (((0,), (0,)), ((), ())),
                            preferred_element_type=jnp.float32))
    w = jax.lax.dot_general(w2t_ref[...], h.astype(jnp.bfloat16),
                            (((1,), (0,)), ((), ())),
                            preferred_element_type=jnp.float32)

    xsT = xs_ref[...].T
    x0 = xsT[:_M0]
    x1k = [xsT[_M0 + 32 * k:_M0 + 32 * (k + 1)] for k in range(3)]
    dinv = 1.0 / jnp.maximum(d, 1e-12)
    n = [evT[k:k + 1] * dinv for k in range(3)]
    dot = x1k[0] * n[0] + x1k[1] * n[1] + x1k[2] * n[2]

    def contract(wblk, vec):
        p = wblk.reshape(_M0, _M0, B) * vec[:, None, :]
        return jnp.sum(p, axis=0)

    t1 = contract(w[0:1024], x0)
    t2 = contract(w[1024:2048], x0)
    t4 = contract(w[3072:4096], dot)
    out0 = t1 + t4
    w3 = w[2048:3072].reshape(_M0, _M0, B)
    outs = [out0]
    for k in range(3):
        t3k = jnp.sum(w3 * x1k[k][:, None, :], axis=0)
        outs.append(t2 * n[k] + t3k)
    out_ref[...] = jnp.concatenate(outs, axis=0).T


def _dense_edges(evT, xs, w1s, w2ts, e_pad):
    nblk = e_pad // _BLOCK_E
    return pl.pallas_call(
        _dense_body,
        grid=(nblk,),
        in_specs=[
            pl.BlockSpec((3, _BLOCK_E), lambda i: (0, i)),
            pl.BlockSpec((_BLOCK_E, 128), lambda i: (i, 0)),
            pl.BlockSpec((_NUM_BASIS, 64), lambda i: (0, 0)),
            pl.BlockSpec((4096, 64), lambda i: (0, 0)),
        ],
        out_specs=pl.BlockSpec((_BLOCK_E, 128), lambda i: (i, 0)),
        out_shape=jax.ShapeDtypeStruct((e_pad, 128), jnp.float32),
    )(evT, xs, w1s, w2ts)


def _gather_rows(table, src3d, e_pad):
    per_w = e_pad // _NW
    nchunk = per_w // _SCAT_CHUNK
    mesh = plsc.VectorSubcoreMesh(core_axis_name="c", subcore_axis_name="s")

    nbuf = 4
    @functools.partial(
        pl.kernel, mesh=mesh,
        out_type=jax.ShapeDtypeStruct((e_pad, 128), jnp.float32),
        scratch_types=(
            [pltpu.VMEM((nchunk, _SCAT_CHUNK), jnp.int32)]
            + [pltpu.VMEM((_SCAT_CHUNK, 128), jnp.float32)] * nbuf
            + [pltpu.SemaphoreType.DMA] * (2 * nbuf)
        ),
    )
    def gat(table_hbm, src_hbm, out_hbm, idx_v, *rest):
        bufs = rest[:nbuf]
        gsem = rest[nbuf:2 * nbuf]
        wsem = rest[2 * nbuf:]
        c = jax.lax.axis_index("c")
        s = jax.lax.axis_index("s")
        wid = c * _NS + s
        pltpu.sync_copy(src_hbm.at[wid], idx_v)
        base = wid * per_w
        copies = [None] * nchunk
        writes = [None] * nchunk
        for j in range(min(nbuf, nchunk)):
            copies[j] = pltpu.async_copy(
                table_hbm.at[idx_v.at[j]], bufs[j % nbuf], gsem[j % nbuf])
        for j in range(nchunk):
            copies[j].wait()
            writes[j] = pltpu.async_copy(
                bufs[j % nbuf],
                out_hbm.at[pl.ds(base + j * _SCAT_CHUNK, _SCAT_CHUNK)],
                wsem[j % nbuf])
            k = j + nbuf
            if k < nchunk:
                writes[j].wait()
                copies[k] = pltpu.async_copy(
                    table_hbm.at[idx_v.at[k]], bufs[k % nbuf], gsem[k % nbuf])
        for j in range(max(0, nchunk - nbuf), nchunk):
            writes[j].wait()

    return gat(table, src3d)


def _scatter_add(summand, dst3d, zeros, e_pad):
    per_w = e_pad // _NW
    nchunk = per_w // _SCAT_CHUNK
    rpt = _N_PAD // _NS
    mesh = plsc.VectorSubcoreMesh(core_axis_name="c", subcore_axis_name="s")

    @functools.partial(
        pl.kernel, mesh=mesh,
        out_type=jax.ShapeDtypeStruct((_NC, _N_PAD, 128), jnp.float32),
        scratch_types=[
            pltpu.VMEM((nchunk, _SCAT_CHUNK), jnp.int32),
            pltpu.VMEM((_SCAT_CHUNK, 128), jnp.float32),
            pltpu.VMEM((_SCAT_CHUNK, 128), jnp.float32),
            pltpu.VMEM_SHARED((_N_PAD, 128), jnp.float32),
        ],
    )
    def scat(summand_hbm, dst_hbm, zeros_hbm, out_hbm, idx_v, data0, data1, acc):
        c = jax.lax.axis_index("c")
        s = jax.lax.axis_index("s")
        pltpu.sync_copy(zeros_hbm, acc.at[pl.ds(s * rpt, rpt)])
        plsc.subcore_barrier()
        wid = c * _NS + s
        pltpu.sync_copy(dst_hbm.at[wid], idx_v)
        base = wid * per_w
        data = (data0, data1)
        for j in range(nchunk):
            pltpu.sync_copy(
                summand_hbm.at[pl.ds(base + j * _SCAT_CHUNK, _SCAT_CHUNK)],
                data[j % 2])
            pltpu.sync_copy(data[j % 2], acc.at[idx_v.at[j]], add=True)
        plsc.subcore_barrier()
        pltpu.sync_copy(acc.at[pl.ds(s * rpt, rpt)],
                        out_hbm.at[c, pl.ds(s * rpt, rpt)])

    return scat(summand, dst3d, zeros)


def _combine_body(a_ref, b_ref, o_ref):
    o_ref[...] = a_ref[...] + b_ref[...]


def _combine(parts):
    return pl.pallas_call(
        _combine_body,
        out_shape=jax.ShapeDtypeStruct((_N_PAD, 128), jnp.float32),
    )(parts[0], parts[1])


@jax.jit
def kernel(x, src, dst, edge_vec, W1, W2):
    N = x.shape[0]
    E = src.shape[0]
    grain = _NW * _SCAT_CHUNK
    e_pad = ((E + grain - 1) // grain) * grain

    c_out = (1.0 / (_M0 + _M1)) ** 0.5
    w1s = W1 * np.float32(1.14136 * np.exp(2.0))
    scale = np.float32((2.0 ** 0.5) / (64.0 ** 0.5) * c_out / (E / N))
    w2s = W2 * scale
    o1, o2 = _M0 * _M0, _M0 * _M0 + _M0 * _M1
    w2s = w2s.at[:, o1:o2].mul(np.float32(3.0 ** 0.5))
    w2ts = w2s.T.astype(jnp.bfloat16)

    u = np.arange(_M1)
    perm_in = np.concatenate(
        [np.arange(_M0)] + [_M0 + 3 * u + k for k in range(3)]).astype(np.int32)
    x_perm = x[:, perm_in]

    src3d = jnp.pad(src, (0, e_pad - E)).reshape(
        _NW, e_pad // (_NW * _SCAT_CHUNK), _SCAT_CHUNK)
    evT = jnp.pad(edge_vec[:, np.array([1, 2, 0])],
                  ((0, e_pad - E), (0, 0)), constant_values=1.0).T
    xs = _gather_rows(x_perm, src3d, e_pad)
    summand = _dense_edges(evT, xs, w1s, w2ts, e_pad)

    dst3d = jnp.pad(dst, (0, e_pad - E), constant_values=_N_PAD - 8
                    ).reshape(_NW, e_pad // (_NW * _SCAT_CHUNK), _SCAT_CHUNK)
    zeros = jnp.zeros((_N_PAD // _NS, 128), jnp.float32)
    parts = _scatter_add(summand, dst3d, zeros, e_pad)
    out_km = _combine(parts)[:N]

    perm_out = np.concatenate(
        [np.arange(_M0)] + [_M0 + 3 * u + k for k in range(3)]).astype(np.int32)
    inv = np.empty_like(perm_out)
    inv[perm_out] = np.arange(128, dtype=np.int32)
    return out_km[:, inv]

# --- scband reference (transcript-rebuilt; emitter-appended) ---
"""Pipeline reference for scband-se3-equiv-layer-77738908058317 (READ-ONLY COPY).

The authoritative reference and input builder live on the scoring server;
editing this copy changes nothing except your own understanding.
"""

import jax, jax.numpy as jnp
import numpy as np

M0 = 32
M1 = 32
NUM_BASIS = 10
MAX_RADIUS = 4.5


def soft_unit_step(x):
    xs = jnp.where(x > 0.0, x, 1.0)
    return jnp.where(x > 0.0, jnp.exp(-1.0 / xs), 0.0)


def setup_inputs(seed: int = 0):
    key = jax.random.key(seed)
    ks = jax.random.split(key, 6)
    N, E = 10000, 60000
    x = jax.random.normal(ks[0], (N, 128), dtype=jnp.float32)
    src = jax.random.randint(ks[1], (E,), 0, N, dtype=jnp.int32)
    dst = jax.random.randint(ks[2], (E,), 0, N, dtype=jnp.int32)
    edge_vec = jax.random.normal(ks[3], (E, 3), dtype=jnp.float32)
    weight_numel = M0 * M0 + M0 * M1 + M1 * M1 + M1 * M0  # 4096 (paths 0e*0e->0e, 0e*1o->1o, 1o*0e->1o, 1o*1o->0e)
    W1 = jax.random.normal(ks[4], (NUM_BASIS, 64), dtype=jnp.float32)
    W2 = jax.random.normal(ks[5], (64, weight_numel), dtype=jnp.float32)
    return {"x": x, "src": src, "dst": dst, "edge_vec": edge_vec, "W1": W1, "W2": W2}


def _forward(x, edge_vec, W1, W2, src, dst):
    N = x.shape[0]
    E = src.shape[0]
    # edge length embedding: soft_one_hot_linspace(basis='smooth_finite', cutoff=True)
    d = jnp.linalg.norm(edge_vec, axis=1)
    values = jnp.linspace(0.0, MAX_RADIUS, NUM_BASIS + 2)[1:-1]
    step = MAX_RADIUS / (NUM_BASIS + 1)
    diff = (d[:, None] - values) / step
    emb = 1.14136 * np.exp(2.0) * soft_unit_step(diff + 1.0) * soft_unit_step(1.0 - diff)
    emb = emb * (NUM_BASIS ** 0.5)
    # e3nn FullyConnectedNet([10, 64, weight_numel], relu): x @ W / sqrt(h_in), normalized relu (*sqrt(2))
    h = jax.nn.relu(emb @ W1 / (NUM_BASIS ** 0.5)) * (2.0 ** 0.5)
    w = (h @ W2) / (64.0 ** 0.5)
    # spherical harmonics lmax=1, normalize=True, normalization='component': sh0=1, sh1=sqrt(3)*unit_vec (y,z,x order)
    n = edge_vec / jnp.maximum(d[:, None], 1e-12)
    n = n[:, jnp.array([1, 2, 0])]
    xs = x[src]
    x0 = xs[:, :M0]
    x1 = xs[:, M0:].reshape(E, M1, 3)
    o1 = M0 * M0
    o2 = o1 + M0 * M1
    o3 = o2 + M1 * M1
    w1 = w[:, :o1].reshape(E, M0, M0)
    w2 = w[:, o1:o2].reshape(E, M0, M1)
    w3 = w[:, o2:o3].reshape(E, M1, M1)
    w4 = w[:, o3:].reshape(E, M1, M0)
    # FullyConnectedTensorProduct path norm (component/element): c0 = sqrt(1/(m0+m1)), c1 = sqrt(3/(m0+m1)); w3j folded in
    c = (1.0 / (M0 + M1)) ** 0.5
    t1 = jnp.einsum('eu,euw->ew', x0, w1)
    dot = jnp.einsum('euk,ek->eu', x1, n)
    t4 = jnp.einsum('eu,euw->ew', dot, w4)
    out0 = c * (t1 + t4)
    t2 = jnp.einsum('eu,euw->ew', x0, w2)
    t3 = jnp.einsum('euk,euw->ewk', x1, w3)
    out1 = c * ((3.0 ** 0.5) * t2[:, :, None] * n[:, None, :] + t3)
    summand = jnp.concatenate([out0, out1.reshape(E, M1 * 3)], axis=1)
    out = jax.ops.segment_sum(summand, dst, num_segments=N)
    return out / (E / N)


def reference(x, src, dst, edge_vec, W1, W2):
    return _forward(x, edge_vec, W1, W2, src, dst)

if __name__ == "__main__":
    import jax
    _d = setup_inputs()
    print(jax.jit(kernel)(*tuple(_d.values())))

</pallas_src>

<mosaic_0001>
#map = affine_map<(d0, d1) -> (0, 0)>
#map1 = affine_map<(d0, d1) -> (0, 0, 0)>
module attributes {stable_mosaic.version = 14 : i64} {
  func.func @gat(%arg0: i32, %arg1: i32, %arg2: memref<10000x128xf32, #tpu.memory_space<hbm>>, %arg3: memref<32x15x128xi32, #tpu.memory_space<hbm>>, %arg4: memref<61440x128xf32, #tpu.memory_space<hbm>>, %arg5: memref<15x128xi32, #tpu.memory_space<vmem>>, %arg6: memref<128x128xf32, #tpu.memory_space<vmem>>, %arg7: memref<128x128xf32, #tpu.memory_space<vmem>>, %arg8: memref<128x128xf32, #tpu.memory_space<vmem>>, %arg9: memref<128x128xf32, #tpu.memory_space<vmem>>, %arg10: memref<!tpu.dma_semaphore, #tpu.memory_space<semaphore_mem>>, %arg11: memref<!tpu.dma_semaphore, #tpu.memory_space<semaphore_mem>>, %arg12: memref<!tpu.dma_semaphore, #tpu.memory_space<semaphore_mem>>, %arg13: memref<!tpu.dma_semaphore, #tpu.memory_space<semaphore_mem>>, %arg14: memref<!tpu.dma_semaphore, #tpu.memory_space<semaphore_mem>>, %arg15: memref<!tpu.dma_semaphore, #tpu.memory_space<semaphore_mem>>, %arg16: memref<!tpu.dma_semaphore, #tpu.memory_space<semaphore_mem>>, %arg17: memref<!tpu.dma_semaphore, #tpu.memory_space<semaphore_mem>>) attributes {dimension_semantics = [#tpu.dimension_semantics<core_parallel>, #tpu.dimension_semantics<subcore_parallel>], iteration_bounds = array<i64: 2, 16>, scalar_prefetch = 0 : i64, scratch_operands = 13 : i64, tpu.core_type = #tpu.core_type<sc_vector_subcore>, window_params = [{transform_indices = #map}, {transform_indices = #map1}, {transform_indices = #map}]} {
    %mul3A = arith.constant 16 : i32
    %mul3A_0 = arith.muli %arg0, %mul3A : i32
    %add3A = arith.addi %mul3A_0, %arg1 : i32
    "tpu.region"() ({
      %run_scoped3A = tpu.sem_alloc : memref<!tpu.dma_semaphore, #tpu.memory_space<semaphore_mem>>
      %dma_start3A_361 = arith.constant 0 : i32
      %dma_start3A_362 = arith.constant 0 : i32
      %dma_start3A_363 = tpu.memref_slice %arg3[%add3A, %dma_start3A_361, %dma_start3A_362] : memref<32x15x128xi32, #tpu.memory_space<hbm>> -> memref<1x15x128xi32, #tpu.memory_space<hbm>>
      %dma_start3A_364 = tpu.memref_squeeze %dma_start3A_363 : memref<1x15x128xi32, #tpu.memory_space<hbm>> -> memref<15x128xi32, #tpu.memory_space<hbm>>
      %dma_start3A_365 = arith.constant 0 : i32
      %dma_start3A_366 = arith.constant 0 : i32
      %dma_start3A_367 = tpu.memref_slice %arg3[%add3A, %dma_start3A_365, %dma_start3A_366] : memref<32x15x128xi32, #tpu.memory_space<hbm>> -> memref<1x15x128xi32, #tpu.memory_space<hbm>>
      %dma_start3A_368 = tpu.memref_squeeze %dma_start3A_367 : memref<1x15x128xi32, #tpu.memory_space<hbm>> -> memref<15x128xi32, #tpu.memory_space<hbm>>
      tpu.enqueue_dma source(%dma_start3A_368 : memref<15x128xi32, #tpu.memory_space<hbm>>) target(%arg5 : memref<15x128xi32, #tpu.memory_space<vmem>>) target_semaphore(%run_scoped3A : memref<!tpu.dma_semaphore, #tpu.memory_space<semaphore_mem>>)
      %dma_wait3A_369 = arith.constant 0 : i32
      %dma_wait3A_370 = arith.constant 0 : i32
      %dma_wait3A_371 = tpu.memref_slice %arg3[%add3A, %dma_wait3A_369, %dma_wait3A_370] : memref<32x15x128xi32, #tpu.memory_space<hbm>> -> memref<1x15x128xi32, #tpu.memory_space<hbm>>
      %dma_wait3A_372 = tpu.memref_squeeze %dma_wait3A_371 : memref<1x15x128xi32, #tpu.memory_space<hbm>> -> memref<15x128xi32, #tpu.memory_space<hbm>>
      %dma_wait3A_373 = arith.constant 0 : i32
      %dma_wait3A_374 = arith.constant 0 : i32
      %dma_wait3A_375 = tpu.memref_slice %arg3[%add3A, %dma_wait3A_373, %dma_wait3A_374] : memref<32x15x128xi32, #tpu.memory_space<hbm>> -> memref<1x15x128xi32, #tpu.memory_space<hbm>>
      %dma_wait3A_376 = tpu.memref_squeeze %dma_wait3A_375 : memref<1x15x128xi32, #tpu.memory_space<hbm>> -> memref<15x128xi32, #tpu.memory_space<hbm>>
      tpu.wait_dma2 semaphore(%run_scoped3A : memref<!tpu.dma_semaphore, #tpu.memory_space<semaphore_mem>>) src(%dma_wait3A_376 : memref<15x128xi32, #tpu.memory_space<hbm>>) dst(%arg5 : memref<15x128xi32, #tpu.memory_space<vmem>>)
      tpu.yield
    }) : () -> ()
    %mul3A_1 = arith.constant 1920 : i32
    %mul3A_2 = arith.muli %add3A, %mul3A_1 : i32
    %dma_start3A = arith.constant 0 : i32
    %dma_start3A_3 = arith.constant 0 : i32
    %dma_start3A_4 = tpu.memref_slice %arg5[%dma_start3A, %dma_start3A_3] : memref<15x128xi32, #tpu.memory_space<vmem>> -> memref<1x128xi32, #tpu.memory_space<vmem>>
    %dma_start3A_5 = tpu.memref_squeeze %dma_start3A_4 : memref<1x128xi32, #tpu.memory_space<vmem>> -> memref<128xi32, #tpu.memory_space<vmem>>
    %dma_start3A_6 = arith.constant 0 : i32
    %dma_start3A_7 = arith.constant 0 : i32
    %dma_start3A_8 = tpu.memref_slice %arg2[%dma_start3A_6, %dma_start3A_7] : memref<10000x128xf32, #tpu.memory_space<hbm>> -> memref<10000x128xf32, #tpu.memory_space<hbm>>
    tpu.enqueue_indirect_dma source(%dma_start3A_8 : memref<10000x128xf32, #tpu.memory_space<hbm>>) target(%arg6 : memref<128x128xf32, #tpu.memory_space<vmem>>) offsets(%dma_start3A_5 : memref<128xi32, #tpu.memory_space<vmem>>) semaphore(%arg10 : memref<!tpu.dma_semaphore, #tpu.memory_space<semaphore_mem>>)
    %dma_start3A_9 = arith.constant 1 : i32
    %dma_start3A_10 = arith.constant 0 : i32
    %dma_start3A_11 = tpu.memref_slice %arg5[%dma_start3A_9, %dma_start3A_10] : memref<15x128xi32, #tpu.memory_space<vmem>> -> memref<1x128xi32, #tpu.memory_space<vmem>>
    %dma_start3A_12 = tpu.memref_squeeze %dma_start3A_11 : memref<1x128xi32, #tpu.memory_space<vmem>> -> memref<128xi32, #tpu.memory_space<vmem>>
    %dma_start3A_13 = arith.constant 0 : i32
    %dma_start3A_14 = arith.constant 0 : i32
    %dma_start3A_15 = tpu.memref_slice %arg2[%dma_start3A_13, %dma_start3A_14] : memref<10000x128xf32, #tpu.memory_space<hbm>> -> memref<10000x128xf32, #tpu.memory_space<hbm>>
    tpu.enqueue_indirect_dma source(%dma_start3A_15 : memref<10000x128xf32, #tpu.memory_space<hbm>>) target(%arg7 : memref<128x128xf32, #tpu.memory_space<vmem>>) offsets(%dma_start3A_12 : memref<128xi32, #tpu.memory_space<vmem>>) semaphore(%arg11 : memref<!tpu.dma_semaphore, #tpu.memory_space<semaphore_mem>>)
    %dma_start3A_16 = arith.constant 2 : i32
    %dma_start3A_17 = arith.constant 0 : i32
    %dma_start3A_18 = tpu.memref_slice %arg5[%dma_start3A_16, %dma_start3A_17] : memref<15x128xi32, #tpu.memory_space<vmem>> -> memref<1x128xi32, #tpu.memory_space<vmem>>
    %dma_start3A_19 = tpu.memref_squeeze %dma_start3A_18 : memref<1x128xi32, #tpu.memory_space<vmem>> -> memref<128xi32, #tpu.memory_space<vmem>>
    %dma_start3A_20 = arith.constant 0 : i32
    %dma_start3A_21 = arith.constant 0 : i32
    %dma_start3A_22 = tpu.memref_slice %arg2[%dma_start3A_20, %dma_start3A_21] : memref<10000x128xf32, #tpu.memory_space<hbm>> -> memref<10000x128xf32, #tpu.memory_space<hbm>>
    tpu.enqueue_indirect_dma source(%dma_start3A_22 : memref<10000x128xf32, #tpu.memory_space<hbm>>) target(%arg8 : memref<128x128xf32, #tpu.memory_space<vmem>>) offsets(%dma_start3A_19 : memref<128xi32, #tpu.memory_space<vmem>>) semaphore(%arg12 : memref<!tpu.dma_semaphore, #tpu.memory_space<semaphore_mem>>)
    %dma_start3A_23 = arith.constant 3 : i32
    %dma_start3A_24 = arith.constant 0 : i32
    %dma_start3A_25 = tpu.memref_slice %arg5[%dma_start3A_23, %dma_start3A_24] : memref<15x128xi32, #tpu.memory_space<vmem>> -> memref<1x128xi32, #tpu.memory_space<vmem>>
    %dma_start3A_26 = tpu.memref_squeeze %dma_start3A_25 : memref<1x128xi32, #tpu.memory_space<vmem>> -> memref<128xi32, #tpu.memory_space<vmem>>
    %dma_start3A_27 = arith.constant 0 : i32
    %dma_start3A_28 = arith.constant 0 : i32
    %dma_start3A_29 = tpu.memref_slice %arg2[%dma_start3A_27, %dma_start3A_28] : memref<10000x128xf32, #tpu.memory_space<hbm>> -> memref<10000x128xf32, #tpu.memory_space<hbm>>
    tpu.enqueue_indirect_dma source(%dma_start3A_29 : memref<10000x128xf32, #tpu.memory_space<hbm>>) target(%arg9 : memref<128x128xf32, #tpu.memory_space<vmem>>) offsets(%dma_start3A_26 : memref<128xi32, #tpu.memory_space<vmem>>) semaphore(%arg13 : memref<!tpu.dma_semaphore, #tpu.memory_space<semaphore_mem>>)
    %dma_wait3A = arith.constant 0 : i32
    %dma_wait3A_30 = arith.constant 0 : i32
    %dma_wait3A_31 = tpu.memref_slice %arg5[%dma_wait3A, %dma_wait3A_30] : memref<15x128xi32, #tpu.memory_space<vmem>> -> memref<1x128xi32, #tpu.memory_space<vmem>>
    %dma_wait3A_32 = tpu.memref_squeeze %dma_wait3A_31 : memref<1x128xi32, #tpu.memory_space<vmem>> -> memref<128xi32, #tpu.memory_space<vmem>>
    %dma_wait3A_33 = arith.constant 0 : i32
    %dma_wait3A_34 = arith.constant 0 : i32
    %dma_wait3A_35 = tpu.memref_slice %arg2[%dma_wait3A_33, %dma_wait3A_34] : memref<10000x128xf32, #tpu.memory_space<hbm>> -> memref<10000x128xf32, #tpu.memory_space<hbm>>
    tpu.wait_indirect_dma semaphore(%arg10 : memref<!tpu.dma_semaphore, #tpu.memory_space<semaphore_mem>>) src(%dma_wait3A_35 : memref<10000x128xf32, #tpu.memory_space<hbm>>) dst(%arg6 : memref<128x128xf32, #tpu.memory_space<vmem>>)
    %add3A_36 = arith.constant 0 : i32
    %add3A_37 = arith.addi %mul3A_2, %add3A_36 : i32
    %dma_start3A_38 = arith.constant 0 : i32
    %dma_start3A_39 = tpu.memref_slice %arg4[%add3A_37, %dma_start3A_38] : memref<61440x128xf32, #tpu.memory_space<hbm>> -> memref<128x128xf32, #tpu.memory_space<hbm>>
    %dma_start3A_40 = arith.constant 0 : i32
    %dma_start3A_41 = tpu.memref_slice %arg4[%add3A_37, %dma_start3A_40] : memref<61440x128xf32, #tpu.memory_space<hbm>> -> memref<128x128xf32, #tpu.memory_space<hbm>>
    tpu.enqueue_dma source(%arg6 : memref<128x128xf32, #tpu.memory_space<vmem>>) target(%dma_start3A_41 : memref<128x128xf32, #tpu.memory_space<hbm>>) target_semaphore(%arg14 : memref<!tpu.dma_semaphore, #tpu.memory_space<semaphore_mem>>)
    %dma_wait3A_42 = arith.constant 0 : i32
    %dma_wait3A_43 = tpu.memref_slice %arg4[%add3A_37, %dma_wait3A_42] : memref<61440x128xf32, #tpu.memory_space<hbm>> -> memref<128x128xf32, #tpu.memory_space<hbm>>
    %dma_wait3A_44 = arith.constant 0 : i32
    %dma_wait3A_45 = tpu.memref_slice %arg4[%add3A_37, %dma_wait3A_44] : memref<61440x128xf32, #tpu.memory_space<hbm>> -> memref<128x128xf32, #tpu.memory_space<hbm>>
    tpu.wait_dma2 semaphore(%arg14 : memref<!tpu.dma_semaphore, #tpu.memory_space<semaphore_mem>>) src(%arg6 : memref<128x128xf32, #tpu.memory_space<vmem>>) dst(%dma_wait3A_45 : memref<128x128xf32, #tpu.memory_space<hbm>>)
    %dma_start3A_46 = arith.constant 4 : i32
    %dma_start3A_47 = arith.constant 0 : i32
    %dma_start3A_48 = tpu.memref_slice %arg5[%dma_start3A_46, %dma_start3A_47] : memref<15x128xi32, #tpu.memory_space<vmem>> -> memref<1x128xi32, #tpu.memory_space<vmem>>
    %dma_start3A_49 = tpu.memref_squeeze %dma_start3A_48 : memref<1x128xi32, #tpu.memory_space<vmem>> -> memref<128xi32, #tpu.memory_space<vmem>>
    %dma_start3A_50 = arith.constant 0 : i32
    %dma_start3A_51 = arith.constant 0 : i32
    %dma_start3A_52 = tpu.memref_slice %arg2[%dma_start3A_50, %dma_start3A_51] : memref<10000x128xf32, #tpu.memory_space<hbm>> -> memref<10000x128xf32, #tpu.memory_space<hbm>>
    tpu.enqueue_indirect_dma source(%dma_start3A_52 : memref<10000x128xf32, #tpu.memory_space<hbm>>) target(%arg6 : memref<128x128xf32, #tpu.memory_space<vmem>>) offsets(%dma_start3A_49 : memref<128xi32, #tpu.memory_space<vmem>>) semaphore(%arg10 : memref<!tpu.dma_semaphore, #tpu.memory_space<semaphore_mem>>)
    %dma_wait3A_53 = arith.constant 1 : i32
    %dma_wait3A_54 = arith.constant 0 : i32
    %dma_wait3A_55 = tpu.memref_slice %arg5[%dma_wait3A_53, %dma_wait3A_54] : memref<15x128xi32, #tpu.memory_space<vmem>> -> memref<1x128xi32, #tpu.memory_space<vmem>>
    %dma_wait3A_56 = tpu.memref_squeeze %dma_wait3A_55 : memref<1x128xi32, #tpu.memory_space<vmem>> -> memref<128xi32, #tpu.memory_space<vmem>>
    %dma_wait3A_57 = arith.constant 0 : i32
    %dma_wait3A_58 = arith.constant 0 : i32
    %dma_wait3A_59 = tpu.memref_slice %arg2[%dma_wait3A_57, %dma_wait3A_58] : memref<10000x128xf32, #tpu.memory_space<hbm>> -> memref<10000x128xf32, #tpu.memory_space<hbm>>
    tpu.wait_indirect_dma semaphore(%arg11 : memref<!tpu.dma_semaphore, #tpu.memory_space<semaphore_mem>>) src(%dma_wait3A_59 : memref<10000x128xf32, #tpu.memory_space<hbm>>) dst(%arg7 : memref<128x128xf32, #tpu.memory_space<vmem>>)
    %add3A_60 = arith.constant 128 : i32
    %add3A_61 = arith.addi %mul3A_2, %add3A_60 : i32
    %dma_start3A_62 = arith.constant 0 : i32
    %dma_start3A_63 = tpu.memref_slice %arg4[%add3A_61, %dma_start3A_62] : memref<61440x128xf32, #tpu.memory_space<hbm>> -> memref<128x128xf32, #tpu.memory_space<hbm>>
    %dma_start3A_64 = arith.constant 0 : i32
    %dma_start3A_65 = tpu.memref_slice %arg4[%add3A_61, %dma_start3A_64] : memref<61440x128xf32, #tpu.memory_space<hbm>> -> memref<128x128xf32, #tpu.memory_space<hbm>>
    tpu.enqueue_dma source(%arg7 : memref<128x128xf32, #tpu.memory_space<vmem>>) target(%dma_start3A_65 : memref<128x128xf32, #tpu.memory_space<hbm>>) target_semaphore(%arg15 : memref<!tpu.dma_semaphore, #tpu.memory_space<semaphore_mem>>)
    %dma_wait3A_66 = arith.constant 0 : i32
    %dma_wait3A_67 = tpu.memref_slice %arg4[%add3A_61, %dma_wait3A_66] : memref<61440x128xf32, #tpu.memory_space<hbm>> -> memref<128x128xf32, #tpu.memory_space<hbm>>
    %dma_wait3A_68 = arith.constant 0 : i32
    %dma_wait3A_69 = tpu.memref_slice %arg4[%add3A_61, %dma_wait3A_68] : memref<61440x128xf32, #tpu.memory_space<hbm>> -> memref<128x128xf32, #tpu.memory_space<hbm>>
    tpu.wait_dma2 semaphore(%arg15 : memref<!tpu.dma_semaphore, #tpu.memory_space<semaphore_mem>>) src(%arg7 : memref<128x128xf32, #tpu.memory_space<vmem>>) dst(%dma_wait3A_69 : memref<128x128xf32, #tpu.memory_space<hbm>>)
    %dma_start3A_70 = arith.constant 5 : i32
    %dma_start3A_71 = arith.constant 0 : i32
    %dma_start3A_72 = tpu.memref_slice %arg5[%dma_start3A_70, %dma_start3A_71] : memref<15x128xi32, #tpu.memory_space<vmem>> -> memref<1x128xi32, #tpu.memory_space<vmem>>
    %dma_start3A_73 = tpu.memref_squeeze %dma_start3A_72 : memref<1x128xi32, #tpu.memory_space<vmem>> -> memref<128xi32, #tpu.memory_space<vmem>>
    %dma_start3A_74 = arith.constant 0 : i32
    %dma_start3A_75 = arith.constant 0 : i32
    %dma_start3A_76 = tpu.memref_slice %arg2[%dma_start3A_74, %dma_start3A_75] : memref<10000x128xf32, #tpu.memory_space<hbm>> -> memref<10000x128xf32, #tpu.memory_space<hbm>>
    tpu.enqueue_indirect_dma source(%dma_start3A_76 : memref<10000x128xf32, #tpu.memory_space<hbm>>) target(%arg7 : memref<128x128xf32, #tpu.memory_space<vmem>>) offsets(%dma_start3A_73 : memref<128xi32, #tpu.memory_space<vmem>>) semaphore(%arg11 : memref<!tpu.dma_semaphore, #tpu.memory_space<semaphore_mem>>)
    %dma_wait3A_77 = arith.constant 2 : i32
    %dma_wait3A_78 = arith.constant 0 : i32
    %dma_wait3A_79 = tpu.memref_slice %arg5[%dma_wait3A_77, %dma_wait3A_78] : memref<15x128xi32, #tpu.memory_space<vmem>> -> memref<1x128xi32, #tpu.memory_space<vmem>>
    %dma_wait3A_80 = tpu.memref_squeeze %dma_wait3A_79 : memref<1x128xi32, #tpu.memory_space<vmem>> -> memref<128xi32, #tpu.memory_space<vmem>>
    %dma_wait3A_81 = arith.constant 0 : i32
    %dma_wait3A_82 = arith.constant 0 : i32
    %dma_wait3A_83 = tpu.memref_slice %arg2[%dma_wait3A_81, %dma_wait3A_82] : memref<10000x128xf32, #tpu.memory_space<hbm>> -> memref<10000x128xf32, #tpu.memory_space<hbm>>
    tpu.wait_indirect_dma semaphore(%arg12 : memref<!tpu.dma_semaphore, #tpu.memory_space<semaphore_mem>>) src(%dma_wait3A_83 : memref<10000x128xf32, #tpu.memory_space<hbm>>) dst(%arg8 : memref<128x128xf32, #tpu.memory_space<vmem>>)
    %add3A_84 = arith.constant 256 : i32
    %add3A_85 = arith.addi %mul3A_2, %add3A_84 : i32
    %dma_start3A_86 = arith.constant 0 : i32
    %dma_start3A_87 = tpu.memref_slice %arg4[%add3A_85, %dma_start3A_86] : memref<61440x128xf32, #tpu.memory_space<hbm>> -> memref<128x128xf32, #tpu.memory_space<hbm>>
    %dma_start3A_88 = arith.constant 0 : i32
    %dma_start3A_89 = tpu.memref_slice %arg4[%add3A_85, %dma_start3A_88] : memref<61440x128xf32, #tpu.memory_space<hbm>> -> memref<128x128xf32, #tpu.memory_space<hbm>>
    tpu.enqueue_dma source(%arg8 : memref<128x128xf32, #tpu.memory_space<vmem>>) target(%dma_start3A_89 : memref<128x128xf32, #tpu.memory_space<hbm>>) target_semaphore(%arg16 : memref<!tpu.dma_semaphore, #tpu.memory_space<semaphore_mem>>)
    %dma_wait3A_90 = arith.constant 0 : i32
    %dma_wait3A_91 = tpu.memref_slice %arg4[%add3A_85, %dma_wait3A_90] : memref<61440x128xf32, #tpu.memory_space<hbm>> -> memref<128x128xf32, #tpu.memory_space<hbm>>
    %dma_wait3A_92 = arith.constant 0 : i32
    %dma_wait3A_93 = tpu.memref_slice %arg4[%add3A_85, %dma_wait3A_92] : memref<61440x128xf32, #tpu.memory_space<hbm>> -> memref<128x128xf32, #tpu.memory_space<hbm>>
    tpu.wait_dma2 semaphore(%arg16 : memref<!tpu.dma_semaphore, #tpu.memory_space<semaphore_mem>>) src(%arg8 : memref<128x128xf32, #tpu.memory_space<vmem>>) dst(%dma_wait3A_93 : memref<128x128xf32, #tpu.memory_space<hbm>>)
    %dma_start3A_94 = arith.constant 6 : i32
    %dma_start3A_95 = arith.constant 0 : i32
    %dma_start3A_96 = tpu.memref_slice %arg5[%dma_start3A_94, %dma_start3A_95] : memref<15x128xi32, #tpu.memory_space<vmem>> -> memref<1x128xi32, #tpu.memory_space<vmem>>
    %dma_start3A_97 = tpu.memref_squeeze %dma_start3A_96 : memref<1x128xi32, #tpu.memory_space<vmem>> -> memref<128xi32, #tpu.memory_space<vmem>>
    %dma_start3A_98 = arith.constant 0 : i32
    %dma_start3A_99 = arith.constant 0 : i32
    %dma_start3A_100 = tpu.memref_slice %arg2[%dma_start3A_98, %dma_start3A_99] : memref<10000x128xf32, #tpu.memory_space<hbm>> -> memref<10000x128xf32, #tpu.memory_space<hbm>>
    tpu.enqueue_indirect_dma source(%dma_start3A_100 : memref<10000x128xf32, #tpu.memory_space<hbm>>) target(%arg8 : memref<128x128xf32, #tpu.memory_space<vmem>>) offsets(%dma_start3A_97 : memref<128xi32, #tpu.memory_space<vmem>>) semaphore(%arg12 : memref<!tpu.dma_semaphore, #tpu.memory_space<semaphore_mem>>)
    %dma_wait3A_101 = arith.constant 3 : i32
    %dma_wait3A_102 = arith.constant 0 : i32
    %dma_wait3A_103 = tpu.memref_slice %arg5[%dma_wait3A_101, %dma_wait3A_102] : memref<15x128xi32, #tpu.memory_space<vmem>> -> memref<1x128xi32, #tpu.memory_space<vmem>>
    %dma_wait3A_104 = tpu.memref_squeeze %dma_wait3A_103 : memref<1x128xi32, #tpu.memory_space<vmem>> -> memref<128xi32, #tpu.memory_space<vmem>>
    %dma_wait3A_105 = arith.constant 0 : i32
    %dma_wait3A_106 = arith.constant 0 : i32
    %dma_wait3A_107 = tpu.memref_slice %arg2[%dma_wait3A_105, %dma_wait3A_106] : memref<10000x128xf32, #tpu.memory_space<hbm>> -> memref<10000x128xf32, #tpu.memory_space<hbm>>
    tpu.wait_indirect_dma semaphore(%arg13 : memref<!tpu.dma_semaphore, #tpu.memory_space<semaphore_mem>>) src(%dma_wait3A_107 : memref<10000x128xf32, #tpu.memory_space<hbm>>) dst(%arg9 : memref<128x128xf32, #tpu.memory_space<vmem>>)
    %add3A_108 = arith.constant 384 : i32
    %add3A_109 = arith.addi %mul3A_2, %add3A_108 : i32
    %dma_start3A_110 = arith.constant 0 : i32
    %dma_start3A_111 = tpu.memref_slice %arg4[%add3A_109, %dma_start3A_110] : memref<61440x128xf32, #tpu.memory_space<hbm>> -> memref<128x128xf32, #tpu.memory_space<hbm>>
    %dma_start3A_112 = arith.constant 0 : i32
    %dma_start3A_113 = tpu.memref_slice %arg4[%add3A_109, %dma_start3A_112] : memref<61440x128xf32, #tpu.memory_space<hbm>> -> memref<128x128xf32, #tpu.memory_space<hbm>>
    tpu.enqueue_dma source(%arg9 : memref<128x128xf32, #tpu.memory_space<vmem>>) target(%dma_start3A_113 : memref<128x128xf32, #tpu.memory_space<hbm>>) target_semaphore(%arg17 : memref<!tpu.dma_semaphore, #tpu.memory_space<semaphore_mem>>)
    %dma_wait3A_114 = arith.constant 0 : i32
    %dma_wait3A_115 = tpu.memref_slice %arg4[%add3A_109, %dma_wait3A_114] : memref<61440x128xf32, #tpu.memory_space<hbm>> -> memref<128x128xf32, #tpu.memory_space<hbm>>
    %dma_wait3A_116 = arith.constant 0 : i32
    %dma_wait3A_117 = tpu.memref_slice %arg4[%add3A_109, %dma_wait3A_116] : memref<61440x128xf32, #tpu.memory_space<hbm>> -> memref<128x128xf32, #tpu.memory_space<hbm>>
    tpu.wait_dma2 semaphore(%arg17 : memref<!tpu.dma_semaphore, #tpu.memory_space<semaphore_mem>>) src(%arg9 : memref<128x128xf32, #tpu.memory_space<vmem>>) dst(%dma_wait3A_117 : memref<128x128xf32, #tpu.memory_space<hbm>>)
    %dma_start3A_118 = arith.constant 7 : i32
    %dma_start3A_119 = arith.constant 0 : i32
    %dma_start3A_120 = tpu.memref_slice %arg5[%dma_start3A_118, %dma_start3A_119] : memref<15x128xi32, #tpu.memory_space<vmem>> -> memref<1x128xi32, #tpu.memory_space<vmem>>
    %dma_start3A_121 = tpu.memref_squeeze %dma_start3A_120 : memref<1x128xi32, #tpu.memory_space<vmem>> -> memref<128xi32, #tpu.memory_space<vmem>>
    %dma_start3A_122 = arith.constant 0 : i32
    %dma_start3A_123 = arith.constant 0 : i32
    %dma_start3A_124 = tpu.memref_slice %arg2[%dma_start3A_122, %dma_start3A_123] : memref<10000x128xf32, #tpu.memory_space<hbm>> -> memref<10000x128xf32, #tpu.memory_space<hbm>>
    tpu.enqueue_indirect_dma source(%dma_start3A_124 : memref<10000x128xf32, #tpu.memory_space<hbm>>) target(%arg9 : memref<128x128xf32, #tpu.memory_space<vmem>>) offsets(%dma_start3A_121 : memref<128xi32, #tpu.memory_space<vmem>>) semaphore(%arg13 : memref<!tpu.dma_semaphore, #tpu.memory_space<semaphore_mem>>)
    %dma_wait3A_125 = arith.constant 4 : i32
    %dma_wait3A_126 = arith.constant 0 : i32
    %dma_wait3A_127 = tpu.memref_slice %arg5[%dma_wait3A_125, %dma_wait3A_126] : memref<15x128xi32, #tpu.memory_space<vmem>> -> memref<1x128xi32, #tpu.memory_space<vmem>>
    %dma_wait3A_128 = tpu.memref_squeeze %dma_wait3A_127 : memref<1x128xi32, #tpu.memory_space<vmem>> -> memref<128xi32, #tpu.memory_space<vmem>>
    %dma_wait3A_129 = arith.constant 0 : i32
    %dma_wait3A_130 = arith.constant 0 : i32
    %dma_wait3A_131 = tpu.memref_slice %arg2[%dma_wait3A_129, %dma_wait3A_130] : memref<10000x128xf32, #tpu.memory_space<hbm>> -> memref<10000x128xf32, #tpu.memory_space<hbm>>
    tpu.wait_indirect_dma semaphore(%arg10 : memref<!tpu.dma_semaphore, #tpu.memory_space<semaphore_mem>>) src(%dma_wait3A_131 : memref<10000x128xf32, #tpu.memory_space<hbm>>) dst(%arg6 : memref<128x128xf32, #tpu.memory_space<vmem>>)
    %add3A_132 = arith.constant 512 : i32
    %add3A_133 = arith.addi %mul3A_2, %add3A_132 : i32
    %dma_start3A_134 = arith.constant 0 : i32
    %dma_start3A_135 = tpu.memref_slice %arg4[%add3A_133, %dma_start3A_134] : memref<61440x128xf32, #tpu.memory_space<hbm>> -> memref<128x128xf32, #tpu.memory_space<hbm>>
    %dma_start3A_136 = arith.constant 0 : i32
    %dma_start3A_137 = tpu.memref_slice %arg4[%add3A_133, %dma_start3A_136] : memref<61440x128xf32, #tpu.memory_space<hbm>> -> memref<128x128xf32, #tpu.memory_space<hbm>>
    tpu.enqueue_dma source(%arg6 : memref<128x128xf32, #tpu.memory_space<vmem>>) target(%dma_start3A_137 : memref<128x128xf32, #tpu.memory_space<hbm>>) target_semaphore(%arg14 : memref<!tpu.dma_semaphore, #tpu.memory_space<semaphore_mem>>)
    %dma_wait3A_138 = arith.constant 0 : i32
    %dma_wait3A_139 = tpu.memref_slice %arg4[%add3A_133, %dma_wait3A_138] : memref<61440x128xf32, #tpu.memory_space<hbm>> -> memref<128x128xf32, #tpu.memory_space<hbm>>
    %dma_wait3A_140 = arith.constant 0 : i32
    %dma_wait3A_141 = tpu.memref_slice %arg4[%add3A_133, %dma_wait3A_140] : memref<61440x128xf32, #tpu.memory_space<hbm>> -> memref<128x128xf32, #tpu.memory_space<hbm>>
    tpu.wait_dma2 semaphore(%arg14 : memref<!tpu.dma_semaphore, #tpu.memory_space<semaphore_mem>>) src(%arg6 : memref<128x128xf32, #tpu.memory_space<vmem>>) dst(%dma_wait3A_141 : memref<128x128xf32, #tpu.memory_space<hbm>>)
    %dma_start3A_142 = arith.constant 8 : i32
    %dma_start3A_143 = arith.constant 0 : i32
    %dma_start3A_144 = tpu.memref_slice %arg5[%dma_start3A_142, %dma_start3A_143] : memref<15x128xi32, #tpu.memory_space<vmem>> -> memref<1x128xi32, #tpu.memory_space<vmem>>
    %dma_start3A_145 = tpu.memref_squeeze %dma_start3A_144 : memref<1x128xi32, #tpu.memory_space<vmem>> -> memref<128xi32, #tpu.memory_space<vmem>>
    %dma_start3A_146 = arith.constant 0 : i32
    %dma_start3A_147 = arith.constant 0 : i32
    %dma_start3A_148 = tpu.memref_slice %arg2[%dma_start3A_146, %dma_start3A_147] : memref<10000x128xf32, #tpu.memory_space<hbm>> -> memref<10000x128xf32, #tpu.memory_space<hbm>>
    tpu.enqueue_indirect_dma source(%dma_start3A_148 : memref<10000x128xf32, #tpu.memory_space<hbm>>) target(%arg6 : memref<128x128xf32, #tpu.memory_space<vmem>>) offsets(%dma_start3A_145 : memref<128xi32, #tpu.memory_space<vmem>>) semaphore(%arg10 : memref<!tpu.dma_semaphore, #tpu.memory_space<semaphore_mem>>)
    %dma_wait3A_149 = arith.constant 5 : i32
    %dma_wait3A_150 = arith.constant 0 : i32
    %dma_wait3A_151 = tpu.memref_slice %arg5[%dma_wait3A_149, %dma_wait3A_150] : memref<15x128xi32, #tpu.memory_space<vmem>> -> memref<1x128xi32, #tpu.memory_space<vmem>>
    %dma_wait3A_152 = tpu.memref_squeeze %dma_wait3A_151 : memref<1x128xi32, #tpu.memory_space<vmem>> -> memref<128xi32, #tpu.memory_space<vmem>>
    %dma_wait3A_153 = arith.constant 0 : i32
    %dma_wait3A_154 = arith.constant 0 : i32
    %dma_wait3A_155 = tpu.memref_slice %arg2[%dma_wait3A_153, %dma_wait3A_154] : memref<10000x128xf32, #tpu.memory_space<hbm>> -> memref<10000x128xf32, #tpu.memory_space<hbm>>
    tpu.wait_indirect_dma semaphore(%arg11 : memref<!tpu.dma_semaphore, #tpu.memory_space<semaphore_mem>>) src(%dma_wait3A_155 : memref<10000x128xf32, #tpu.memory_space<hbm>>) dst(%arg7 : memref<128x128xf32, #tpu.memory_space<vmem>>)
    %add3A_156 = arith.constant 640 : i32
    %add3A_157 = arith.addi %mul3A_2, %add3A_156 : i32
    %dma_start3A_158 = arith.constant 0 : i32
    %dma_start3A_159 = tpu.memref_slice %arg4[%add3A_157, %dma_start3A_158] : memref<61440x128xf32, #tpu.memory_space<hbm>> -> memref<128x128xf32, #tpu.memory_space<hbm>>
    %dma_start3A_160 = arith.constant 0 : i32
    %dma_start3A_161 = tpu.memref_slice %arg4[%add3A_157, %dma_start3A_160] : memref<61440x128xf32, #tpu.memory_space<hbm>> -> memref<128x128xf32, #tpu.memory_space<hbm>>
    tpu.enqueue_dma source(%arg7 : memref<128x128xf32, #tpu.memory_space<vmem>>) target(%dma_start3A_161 : memref<128x128xf32, #tpu.memory_space<hbm>>) target_semaphore(%arg15 : memref<!tpu.dma_semaphore, #tpu.memory_space<semaphore_mem>>)
    %dma_wait3A_162 = arith.constant 0 : i32
    %dma_wait3A_163 = tpu.memref_slice %arg4[%add3A_157, %dma_wait3A_162] : memref<61440x128xf32, #tpu.memory_space<hbm>> -> memref<128x128xf32, #tpu.memory_space<hbm>>
    %dma_wait3A_164 = arith.constant 0 : i32
    %dma_wait3A_165 = tpu.memref_slice %arg4[%add3A_157, %dma_wait3A_164] : memref<61440x128xf32, #tpu.memory_space<hbm>> -> memref<128x128xf32, #tpu.memory_space<hbm>>
    tpu.wait_dma2 semaphore(%arg15 : memref<!tpu.dma_semaphore, #tpu.memory_space<semaphore_mem>>) src(%arg7 : memref<128x128xf32, #tpu.memory_space<vmem>>) dst(%dma_wait3A_165 : memref<128x128xf32, #tpu.memory_space<hbm>>)
    %dma_start3A_166 = arith.constant 9 : i32
    %dma_start3A_167 = arith.constant 0 : i32
    %dma_start3A_168 = tpu.memref_slice %arg5[%dma_start3A_166, %dma_start3A_167] : memref<15x128xi32, #tpu.memory_space<vmem>> -> memref<1x128xi32, #tpu.memory_space<vmem>>
    %dma_start3A_169 = tpu.memref_squeeze %dma_start3A_168 : memref<1x128xi32, #tpu.memory_space<vmem>> -> memref<128xi32, #tpu.memory_space<vmem>>
    %dma_start3A_170 = arith.constant 0 : i32
    %dma_start3A_171 = arith.constant 0 : i32
    %dma_start3A_172 = tpu.memref_slice %arg2[%dma_start3A_170, %dma_start3A_171] : memref<10000x128xf32, #tpu.memory_space<hbm>> -> memref<10000x128xf32, #tpu.memory_space<hbm>>
    tpu.enqueue_indirect_dma source(%dma_start3A_172 : memref<10000x128xf32, #tpu.memory_space<hbm>>) target(%arg7 : memref<128x128xf32, #tpu.memory_space<vmem>>) offsets(%dma_start3A_169 : memref<128xi32, #tpu.memory_space<vmem>>) semaphore(%arg11 : memref<!tpu.dma_semaphore, #tpu.memory_space<semaphore_mem>>)
    %dma_wait3A_173 = arith.constant 6 : i32
    %dma_wait3A_174 = arith.constant 0 : i32
    %dma_wait3A_175 = tpu.memref_slice %arg5[%dma_wait3A_173, %dma_wait3A_174] : memref<15x128xi32, #tpu.memory_space<vmem>> -> memref<1x128xi32, #tpu.memory_space<vmem>>
    %dma_wait3A_176 = tpu.memref_squeeze %dma_wait3A_175 : memref<1x128xi32, #tpu.memory_space<vmem>> -> memref<128xi32, #tpu.memory_space<vmem>>
    %dma_wait3A_177 = arith.constant 0 : i32
    %dma_wait3A_178 = arith.constant 0 : i32
    %dma_wait3A_179 = tpu.memref_slice %arg2[%dma_wait3A_177, %dma_wait3A_178] : memref<10000x128xf32, #tpu.memory_space<hbm>> -> memref<10000x128xf32, #tpu.memory_space<hbm>>
    tpu.wait_indirect_dma semaphore(%arg12 : memref<!tpu.dma_semaphore, #tpu.memory_space<semaphore_mem>>) src(%dma_wait3A_179 : memref<10000x128xf32, #tpu.memory_space<hbm>>) dst(%arg8 : memref<128x128xf32, #tpu.memory_space<vmem>>)
    %add3A_180 = arith.constant 768 : i32
    %add3A_181 = arith.addi %mul3A_2, %add3A_180 : i32
    %dma_start3A_182 = arith.constant 0 : i32
    %dma_start3A_183 = tpu.memref_slice %arg4[%add3A_181, %dma_start3A_182] : memref<61440x128xf32, #tpu.memory_space<hbm>> -> memref<128x128xf32, #tpu.memory_space<hbm>>
    %dma_start3A_184 = arith.constant 0 : i32
    %dma_start3A_185 = tpu.memref_slice %arg4[%add3A_181, %dma_start3A_184] : memref<61440x128xf32, #tpu.memory_space<hbm>> -> memref<128x128xf32, #tpu.memory_space<hbm>>
    tpu.enqueue_dma source(%arg8 : memref<128x128xf32, #tpu.memory_space<vmem>>) target(%dma_start3A_185 : memref<128x128xf32, #tpu.memory_space<hbm>>) target_semaphore(%arg16 : memref<!tpu.dma_semaphore, #tpu.memory_space<semaphore_mem>>)
    %dma_wait3A_186 = arith.constant 0 : i32
    %dma_wait3A_187 = tpu.memref_slice %arg4[%add3A_181, %dma_wait3A_186] : memref<61440x128xf32, #tpu.memory_space<hbm>> -> memref<128x128xf32, #tpu.memory_space<hbm>>
    %dma_wait3A_188 = arith.constant 0 : i32
    %dma_wait3A_189 = tpu.memref_slice %arg4[%add3A_181, %dma_wait3A_188] : memref<61440x128xf32, #tpu.memory_space<hbm>> -> memref<128x128xf32, #tpu.memory_space<hbm>>
    tpu.wait_dma2 semaphore(%arg16 : memref<!tpu.dma_semaphore, #tpu.memory_space<semaphore_mem>>) src(%arg8 : memref<128x128xf32, #tpu.memory_space<vmem>>) dst(%dma_wait3A_189 : memref<128x128xf32, #tpu.memory_space<hbm>>)
    %dma_start3A_190 = arith.constant 10 : i32
    %dma_start3A_191 = arith.constant 0 : i32
    %dma_start3A_192 = tpu.memref_slice %arg5[%dma_start3A_190, %dma_start3A_191] : memref<15x128xi32, #tpu.memory_space<vmem>> -> memref<1x128xi32, #tpu.memory_space<vmem>>
    %dma_start3A_193 = tpu.memref_squeeze %dma_start3A_192 : memref<1x128xi32, #tpu.memory_space<vmem>> -> memref<128xi32, #tpu.memory_space<vmem>>
    %dma_start3A_194 = arith.constant 0 : i32
    %dma_start3A_195 = arith.constant 0 : i32
    %dma_start3A_196 = tpu.memref_slice %arg2[%dma_start3A_194, %dma_start3A_195] : memref<10000x128xf32, #tpu.memory_space<hbm>> -> memref<10000x128xf32, #tpu.memory_space<hbm>>
    tpu.enqueue_indirect_dma source(%dma_start3A_196 : memref<10000x128xf32, #tpu.memory_space<hbm>>) target(%arg8 : memref<128x128xf32, #tpu.memory_space<vmem>>) offsets(%dma_start3A_193 : memref<128xi32, #tpu.memory_space<vmem>>) semaphore(%arg12 : memref<!tpu.dma_semaphore, #tpu.memory_space<semaphore_mem>>)
    %dma_wait3A_197 = arith.constant 7 : i32
    %dma_wait3A_198 = arith.constant 0 : i32
    %dma_wait3A_199 = tpu.memref_slice %arg5[%dma_wait3A_197, %dma_wait3A_198] : memref<15x128xi32, #tpu.memory_space<vmem>> -> memref<1x128xi32, #tpu.memory_space<vmem>>
    %dma_wait3A_200 = tpu.memref_squeeze %dma_wait3A_199 : memref<1x128xi32, #tpu.memory_space<vmem>> -> memref<128xi32, #tpu.memory_space<vmem>>
    %dma_wait3A_201 = arith.constant 0 : i32
    %dma_wait3A_202 = arith.constant 0 : i32
    %dma_wait3A_203 = tpu.memref_slice %arg2[%dma_wait3A_201, %dma_wait3A_202] : memref<10000x128xf32, #tpu.memory_space<hbm>> -> memref<10000x128xf32, #tpu.memory_space<hbm>>
    tpu.wait_indirect_dma semaphore(%arg13 : memref<!tpu.dma_semaphore, #tpu.memory_space<semaphore_mem>>) src(%dma_wait3A_203 : memref<10000x128xf32, #tpu.memory_space<hbm>>) dst(%arg9 : memref<128x128xf32, #tpu.memory_space<vmem>>)
    %add3A_204 = arith.constant 896 : i32
    %add3A_205 = arith.addi %mul3A_2, %add3A_204 : i32
    %dma_start3A_206 = arith.constant 0 : i32
    %dma_start3A_207 = tpu.memref_slice %arg4[%add3A_205, %dma_start3A_206] : memref<61440x128xf32, #tpu.memory_space<hbm>> -> memref<128x128xf32, #tpu.memory_space<hbm>>
    %dma_start3A_208 = arith.constant 0 : i32
    %dma_start3A_209 = tpu.memref_slice %arg4[%add3A_205, %dma_start3A_208] : memref<61440x128xf32, #tpu.memory_space<hbm>> -> memref<128x128xf32, #tpu.memory_space<hbm>>
    tpu.enqueue_dma source(%arg9 : memref<128x128xf32, #tpu.memory_space<vmem>>) target(%dma_start3A_209 : memref<128x128xf32, #tpu.memory_space<hbm>>) target_semaphore(%arg17 : memref<!tpu.dma_semaphore, #tpu.memory_space<semaphore_mem>>)
    %dma_wait3A_210 = arith.constant 0 : i32
    %dma_wait3A_211 = tpu.memref_slice %arg4[%add3A_205, %dma_wait3A_210] : memref<61440x128xf32, #tpu.memory_space<hbm>> -> memref<128x128xf32, #tpu.memory_space<hbm>>
    %dma_wait3A_212 = arith.constant 0 : i32
    %dma_wait3A_213 = tpu.memref_slice %arg4[%add3A_205, %dma_wait3A_212] : memref<61440x128xf32, #tpu.memory_space<hbm>> -> memref<128x128xf32, #tpu.memory_space<hbm>>
    tpu.wait_dma2 semaphore(%arg17 : memref<!tpu.dma_semaphore, #tpu.memory_space<semaphore_mem>>) src(%arg9 : memref<128x128xf32, #tpu.memory_space<vmem>>) dst(%dma_wait3A_213 : memref<128x128xf32, #tpu.memory_space<hbm>>)
    %dma_start3A_214 = arith.constant 11 : i32
    %dma_start3A_215 = arith.constant 0 : i32
    %dma_start3A_216 = tpu.memref_slice %arg5[%dma_start3A_214, %dma_start3A_215] : memref<15x128xi32, #tpu.memory_space<vmem>> -> memref<1x128xi32, #tpu.memory_space<vmem>>
    %dma_start3A_217 = tpu.memref_squeeze %dma_start3A_216 : memref<1x128xi32, #tpu.memory_space<vmem>> -> memref<128xi32, #tpu.memory_space<vmem>>
    %dma_start3A_218 = arith.constant 0 : i32
    %dma_start3A_219 = arith.constant 0 : i32
    %dma_start3A_220 = tpu.memref_slice %arg2[%dma_start3A_218, %dma_start3A_219] : memref<10000x128xf32, #tpu.memory_space<hbm>> -> memref<10000x128xf32, #tpu.memory_space<hbm>>
    tpu.enqueue_indirect_dma source(%dma_start3A_220 : memref<10000x128xf32, #tpu.memory_space<hbm>>) target(%arg9 : memref<128x128xf32, #tpu.memory_space<vmem>>) offsets(%dma_start3A_217 : memref<128xi32, #tpu.memory_space<vmem>>) semaphore(%arg13 : memref<!tpu.dma_semaphore, #tpu.memory_space<semaphore_mem>>)
    %dma_wait3A_221 = arith.constant 8 : i32
    %dma_wait3A_222 = arith.constant 0 : i32
    %dma_wait3A_223 = tpu.memref_slice %arg5[%dma_wait3A_221, %dma_wait3A_222] : memref<15x128xi32, #tpu.memory_space<vmem>> -> memref<1x128xi32, #tpu.memory_space<vmem>>
    %dma_wait3A_224 = tpu.memref_squeeze %dma_wait3A_223 : memref<1x128xi32, #tpu.memory_space<vmem>> -> memref<128xi32, #tpu.memory_space<vmem>>
    %dma_wait3A_225 = arith.constant 0 : i32
    %dma_wait3A_226 = arith.constant 0 : i32
    %dma_wait3A_227 = tpu.memref_slice %arg2[%dma_wait3A_225, %dma_wait3A_226] : memref<10000x128xf32, #tpu.memory_space<hbm>> -> memref<10000x128xf32, #tpu.memory_space<hbm>>
    tpu.wait_indirect_dma semaphore(%arg10 : memref<!tpu.dma_semaphore, #tpu.memory_space<semaphore_mem>>) src(%dma_wait3A_227 : memref<10000x128xf32, #tpu.memory_space<hbm>>) dst(%arg6 : memref<128x128xf32, #tpu.memory_space<vmem>>)
    %add3A_228 = arith.constant 1024 : i32
    %add3A_229 = arith.addi %mul3A_2, %add3A_228 : i32
    %dma_start3A_230 = arith.constant 0 : i32
    %dma_start3A_231 = tpu.memref_slice %arg4[%add3A_229, %dma_start3A_230] : memref<61440x128xf32, #tpu.memory_space<hbm>> -> memref<128x128xf32, #tpu.memory_space<hbm>>
    %dma_start3A_232 = arith.constant 0 : i32
    %dma_start3A_233 = tpu.memref_slice %arg4[%add3A_229, %dma_start3A_232] : memref<61440x128xf32, #tpu.memory_space<hbm>> -> memref<128x128xf32, #tpu.memory_space<hbm>>
    tpu.enqueue_dma source(%arg6 : memref<128x128xf32, #tpu.memory_space<vmem>>) target(%dma_start3A_233 : memref<128x128xf32, #tpu.memory_space<hbm>>) target_semaphore(%arg14 : memref<!tpu.dma_semaphore, #tpu.memory_space<semaphore_mem>>)
    %dma_wait3A_234 = arith.constant 0 : i32
    %dma_wait3A_235 = tpu.memref_slice %arg4[%add3A_229, %dma_wait3A_234] : memref<61440x128xf32, #tpu.memory_space<hbm>> -> memref<128x128xf32, #tpu.memory_space<hbm>>
    %dma_wait3A_236 = arith.constant 0 : i32
    %dma_wait3A_237 = tpu.memref_slice %arg4[%add3A_229, %dma_wait3A_236] : memref<61440x128xf32, #tpu.memory_space<hbm>> -> memref<128x128xf32, #tpu.memory_space<hbm>>
    tpu.wait_dma2 semaphore(%arg14 : memref<!tpu.dma_semaphore, #tpu.memory_space<semaphore_mem>>) src(%arg6 : memref<128x128xf32, #tpu.memory_space<vmem>>) dst(%dma_wait3A_237 : memref<128x128xf32, #tpu.memory_space<hbm>>)
    %dma_start3A_238 = arith.constant 12 : i32
    %dma_start3A_239 = arith.constant 0 : i32
    %dma_start3A_240 = tpu.memref_slice %arg5[%dma_start3A_238, %dma_start3A_239] : memref<15x128xi32, #tpu.memory_space<vmem>> -> memref<1x128xi32, #tpu.memory_space<vmem>>
    %dma_start3A_241 = tpu.memref_squeeze %dma_start3A_240 : memref<1x128xi32, #tpu.memory_space<vmem>> -> memref<128xi32, #tpu.memory_space<vmem>>
    %dma_start3A_242 = arith.constant 0 : i32
    %dma_start3A_243 = arith.constant 0 : i32
    %dma_start3A_244 = tpu.memref_slice %arg2[%dma_start3A_242, %dma_start3A_243] : memref<10000x128xf32, #tpu.memory_space<hbm>> -> memref<10000x128xf32, #tpu.memory_space<hbm>>
    tpu.enqueue_indirect_dma source(%dma_start3A_244 : memref<10000x128xf32, #tpu.memory_space<hbm>>) target(%arg6 : memref<128x128xf32, #tpu.memory_space<vmem>>) offsets(%dma_start3A_241 : memref<128xi32, #tpu.memory_space<vmem>>) semaphore(%arg10 : memref<!tpu.dma_semaphore, #tpu.memory_space<semaphore_mem>>)
    %dma_wait3A_245 = arith.constant 9 : i32
    %dma_wait3A_246 = arith.constant 0 : i32
    %dma_wait3A_247 = tpu.memref_slice %arg5[%dma_wait3A_245, %dma_wait3A_246] : memref<15x128xi32, #tpu.memory_space<vmem>> -> memref<1x128xi32, #tpu.memory_space<vmem>>
    %dma_wait3A_248 = tpu.memref_squeeze %dma_wait3A_247 : memref<1x128xi32, #tpu.memory_space<vmem>> -> memref<128xi32, #tpu.memory_space<vmem>>
    %dma_wait3A_249 = arith.constant 0 : i32
    %dma_wait3A_250 = arith.constant 0 : i32
    %dma_wait3A_251 = tpu.memref_slice %arg2[%dma_wait3A_249, %dma_wait3A_250] : memref<10000x128xf32, #tpu.memory_space<hbm>> -> memref<10000x128xf32, #tpu.memory_space<hbm>>
    tpu.wait_indirect_dma semaphore(%arg11 : memref<!tpu.dma_semaphore, #tpu.memory_space<semaphore_mem>>) src(%dma_wait3A_251 : memref<10000x128xf32, #tpu.memory_space<hbm>>) dst(%arg7 : memref<128x128xf32, #tpu.memory_space<vmem>>)
    %add3A_252 = arith.constant 1152 : i32
    %add3A_253 = arith.addi %mul3A_2, %add3A_252 : i32
    %dma_start3A_254 = arith.constant 0 : i32
    %dma_start3A_255 = tpu.memref_slice %arg4[%add3A_253, %dma_start3A_254] : memref<61440x128xf32, #tpu.memory_space<hbm>> -> memref<128x128xf32, #tpu.memory_space<hbm>>
    %dma_start3A_256 = arith.constant 0 : i32
    %dma_start3A_257 = tpu.memref_slice %arg4[%add3A_253, %dma_start3A_256] : memref<61440x128xf32, #tpu.memory_space<hbm>> -> memref<128x128xf32, #tpu.memory_space<hbm>>
    tpu.enqueue_dma source(%arg7 : memref<128x128xf32, #tpu.memory_space<vmem>>) target(%dma_start3A_257 : memref<128x128xf32, #tpu.memory_space<hbm>>) target_semaphore(%arg15 : memref<!tpu.dma_semaphore, #tpu.memory_space<semaphore_mem>>)
    %dma_wait3A_258 = arith.constant 0 : i32
    %dma_wait3A_259 = tpu.memref_slice %arg4[%add3A_253, %dma_wait3A_258] : memref<61440x128xf32, #tpu.memory_space<hbm>> -> memref<128x128xf32, #tpu.memory_space<hbm>>
    %dma_wait3A_260 = arith.constant 0 : i32
    %dma_wait3A_261 = tpu.memref_slice %arg4[%add3A_253, %dma_wait3A_260] : memref<61440x128xf32, #tpu.memory_space<hbm>> -> memref<128x128xf32, #tpu.memory_space<hbm>>
    tpu.wait_dma2 semaphore(%arg15 : memref<!tpu.dma_semaphore, #tpu.memory_space<semaphore_mem>>) src(%arg7 : memref<128x128xf32, #tpu.memory_space<vmem>>) dst(%dma_wait3A_261 : memref<128x128xf32, #tpu.memory_space<hbm>>)
    %dma_start3A_262 = arith.constant 13 : i32
    %dma_start3A_263 = arith.constant 0 : i32
    %dma_start3A_264 = tpu.memref_slice %arg5[%dma_start3A_262, %dma_start3A_263] : memref<15x128xi32, #tpu.memory_space<vmem>> -> memref<1x128xi32, #tpu.memory_space<vmem>>
    %dma_start3A_265 = tpu.memref_squeeze %dma_start3A_264 : memref<1x128xi32, #tpu.memory_space<vmem>> -> memref<128xi32, #tpu.memory_space<vmem>>
    %dma_start3A_266 = arith.constant 0 : i32
    %dma_start3A_267 = arith.constant 0 : i32
    %dma_start3A_268 = tpu.memref_slice %arg2[%dma_start3A_266, %dma_start3A_267] : memref<10000x128xf32, #tpu.memory_space<hbm>> -> memref<10000x128xf32, #tpu.memory_space<hbm>>
    tpu.enqueue_indirect_dma source(%dma_start3A_268 : memref<10000x128xf32, #tpu.memory_space<hbm>>) target(%arg7 : memref<128x128xf32, #tpu.memory_space<vmem>>) offsets(%dma_start3A_265 : memref<128xi32, #tpu.memory_space<vmem>>) semaphore(%arg11 : memref<!tpu.dma_semaphore, #tpu.memory_space<semaphore_mem>>)
    %dma_wait3A_269 = arith.constant 10 : i32
    %dma_wait3A_270 = arith.constant 0 : i32
    %dma_wait3A_271 = tpu.memref_slice %arg5[%dma_wait3A_269, %dma_wait3A_270] : memref<15x128xi32, #tpu.memory_space<vmem>> -> memref<1x128xi32, #tpu.memory_space<vmem>>
    %dma_wait3A_272 = tpu.memref_squeeze %dma_wait3A_271 : memref<1x128xi32, #tpu.memory_space<vmem>> -> memref<128xi32, #tpu.memory_space<vmem>>
    %dma_wait3A_273 = arith.constant 0 : i32
    %dma_wait3A_274 = arith.constant 0 : i32
    %dma_wait3A_275 = tpu.memref_slice %arg2[%dma_wait3A_273, %dma_wait3A_274] : memref<10000x128xf32, #tpu.memory_space<hbm>> -> memref<10000x128xf32, #tpu.memory_space<hbm>>
    tpu.wait_indirect_dma semaphore(%arg12 : memref<!tpu.dma_semaphore, #tpu.memory_space<semaphore_mem>>) src(%dma_wait3A_275 : memref<10000x128xf32, #tpu.memory_space<hbm>>) dst(%arg8 : memref<128x128xf32, #tpu.memory_space<vmem>>)
    %add3A_276 = arith.constant 1280 : i32
    %add3A_277 = arith.addi %mul3A_2, %add3A_276 : i32
    %dma_start3A_278 = arith.constant 0 : i32
    %dma_start3A_279 = tpu.memref_slice %arg4[%add3A_277, %dma_start3A_278] : memref<61440x128xf32, #tpu.memory_space<hbm>> -> memref<128x128xf32, #tpu.memory_space<hbm>>
    %dma_start3A_280 = arith.constant 0 : i32
    %dma_start3A_281 = tpu.memref_slice %arg4[%add3A_277, %dma_start3A_280] : memref<61440x128xf32, #tpu.memory_space<hbm>> -> memref<128x128xf32, #tpu.memory_space<hbm>>
    tpu.enqueue_dma source(%arg8 : memref<128x128xf32, #tpu.memory_space<vmem>>) target(%dma_start3A_281 : memref<128x128xf32, #tpu.memory_space<hbm>>) target_semaphore(%arg16 : memref<!tpu.dma_semaphore, #tpu.memory_space<semaphore_mem>>)
    %dma_wait3A_282 = arith.constant 0 : i32
    %dma_wait3A_283 = tpu.memref_slice %arg4[%add3A_277, %dma_wait3A_282] : memref<61440x128xf32, #tpu.memory_space<hbm>> -> memref<128x128xf32, #tpu.memory_space<hbm>>
    %dma_wait3A_284 = arith.constant 0 : i32
    %dma_wait3A_285 = tpu.memref_slice %arg4[%add3A_277, %dma_wait3A_284] : memref<61440x128xf32, #tpu.memory_space<hbm>> -> memref<128x128xf32, #tpu.memory_space<hbm>>
    tpu.wait_dma2 semaphore(%arg16 : memref<!tpu.dma_semaphore, #tpu.memory_space<semaphore_mem>>) src(%arg8 : memref<128x128xf32, #tpu.memory_space<vmem>>) dst(%dma_wait3A_285 : memref<128x128xf32, #tpu.memory_space<hbm>>)
    %dma_start3A_286 = arith.constant 14 : i32
    %dma_start3A_287 = arith.constant 0 : i32
    %dma_start3A_288 = tpu.memref_slice %arg5[%dma_start3A_286, %dma_start3A_287] : memref<15x128xi32, #tpu.memory_space<vmem>> -> memref<1x128xi32, #tpu.memory_space<vmem>>
    %dma_start3A_289 = tpu.memref_squeeze %dma_start3A_288 : memref<1x128xi32, #tpu.memory_space<vmem>> -> memref<128xi32, #tpu.memory_space<vmem>>
    %dma_start3A_290 = arith.constant 0 : i32
    %dma_start3A_291 = arith.constant 0 : i32
    %dma_start3A_292 = tpu.memref_slice %arg2[%dma_start3A_290, %dma_start3A_291] : memref<10000x128xf32, #tpu.memory_space<hbm>> -> memref<10000x128xf32, #tpu.memory_space<hbm>>
    tpu.enqueue_indirect_dma source(%dma_start3A_292 : memref<10000x128xf32, #tpu.memory_space<hbm>>) target(%arg8 : memref<128x128xf32, #tpu.memory_space<vmem>>) offsets(%dma_start3A_289 : memref<128xi32, #tpu.memory_space<vmem>>) semaphore(%arg12 : memref<!tpu.dma_semaphore, #tpu.memory_space<semaphore_mem>>)
    %dma_wait3A_293 = arith.constant 11 : i32
    %dma_wait3A_294 = arith.constant 0 : i32
    %dma_wait3A_295 = tpu.memref_slice %arg5[%dma_wait3A_293, %dma_wait3A_294] : memref<15x128xi32, #tpu.memory_space<vmem>> -> memref<1x128xi32, #tpu.memory_space<vmem>>
    %dma_wait3A_296 = tpu.memref_squeeze %dma_wait3A_295 : memref<1x128xi32, #tpu.memory_space<vmem>> -> memref<128xi32, #tpu.memory_space<vmem>>
    %dma_wait3A_297 = arith.constant 0 : i32
    %dma_wait3A_298 = arith.constant 0 : i32
    %dma_wait3A_299 = tpu.memref_slice %arg2[%dma_wait3A_297, %dma_wait3A_298] : memref<10000x128xf32, #tpu.memory_space<hbm>> -> memref<10000x128xf32, #tpu.memory_space<hbm>>
    tpu.wait_indirect_dma semaphore(%arg13 : memref<!tpu.dma_semaphore, #tpu.memory_space<semaphore_mem>>) src(%dma_wait3A_299 : memref<10000x128xf32, #tpu.memory_space<hbm>>) dst(%arg9 : memref<128x128xf32, #tpu.memory_space<vmem>>)
    %add3A_300 = arith.constant 1408 : i32
    %add3A_301 = arith.addi %mul3A_2, %add3A_300 : i32
    %dma_start3A_302 = arith.constant 0 : i32
    %dma_start3A_303 = tpu.memref_slice %arg4[%add3A_301, %dma_start3A_302] : memref<61440x128xf32, #tpu.memory_space<hbm>> -> memref<128x128xf32, #tpu.memory_space<hbm>>
    %dma_start3A_304 = arith.constant 0 : i32
    %dma_start3A_305 = tpu.memref_slice %arg4[%add3A_301, %dma_start3A_304] : memref<61440x128xf32, #tpu.memory_space<hbm>> -> memref<128x128xf32, #tpu.memory_space<hbm>>
    tpu.enqueue_dma source(%arg9 : memref<128x128xf32, #tpu.memory_space<vmem>>) target(%dma_start3A_305 : memref<128x128xf32, #tpu.memory_space<hbm>>) target_semaphore(%arg17 : memref<!tpu.dma_semaphore, #tpu.memory_space<semaphore_mem>>)
    %dma_wait3A_306 = arith.constant 12 : i32
    %dma_wait3A_307 = arith.constant 0 : i32
    %dma_wait3A_308 = tpu.memref_slice %arg5[%dma_wait3A_306, %dma_wait3A_307] : memref<15x128xi32, #tpu.memory_space<vmem>> -> memref<1x128xi32, #tpu.memory_space<vmem>>
    %dma_wait3A_309 = tpu.memref_squeeze %dma_wait3A_308 : memref<1x128xi32, #tpu.memory_space<vmem>> -> memref<128xi32, #tpu.memory_space<vmem>>
    %dma_wait3A_310 = arith.constant 0 : i32
    %dma_wait3A_311 = arith.constant 0 : i32
    %dma_wait3A_312 = tpu.memref_slice %arg2[%dma_wait3A_310, %dma_wait3A_311] : memref<10000x128xf32, #tpu.memory_space<hbm>> -> memref<10000x128xf32, #tpu.memory_space<hbm>>
    tpu.wait_indirect_dma semaphore(%arg10 : memref<!tpu.dma_semaphore, #tpu.memory_space<semaphore_mem>>) src(%dma_wait3A_312 : memref<10000x128xf32, #tpu.memory_space<hbm>>) dst(%arg6 : memref<128x128xf32, #tpu.memory_space<vmem>>)
    %add3A_313 = arith.constant 1536 : i32
    %add3A_314 = arith.addi %mul3A_2, %add3A_313 : i32
    %dma_start3A_315 = arith.constant 0 : i32
    %dma_start3A_316 = tpu.memref_slice %arg4[%add3A_314, %dma_start3A_315] : memref<61440x128xf32, #tpu.memory_space<hbm>> -> memref<128x128xf32, #tpu.memory_space<hbm>>
    %dma_start3A_317 = arith.constant 0 : i32
    %dma_start3A_318 = tpu.memref_slice %arg4[%add3A_314, %dma_start3A_317] : memref<61440x128xf32, #tpu.memory_space<hbm>> -> memref<128x128xf32, #tpu.memory_space<hbm>>
    tpu.enqueue_dma source(%arg6 : memref<128x128xf32, #tpu.memory_space<vmem>>) target(%dma_start3A_318 : memref<128x128xf32, #tpu.memory_space<hbm>>) target_semaphore(%arg14 : memref<!tpu.dma_semaphore, #tpu.memory_space<semaphore_mem>>)
    %dma_wait3A_319 = arith.constant 13 : i32
    %dma_wait3A_320 = arith.constant 0 : i32
    %dma_wait3A_321 = tpu.memref_slice %arg5[%dma_wait3A_319, %dma_wait3A_320] : memref<15x128xi32, #tpu.memory_space<vmem>> -> memref<1x128xi32, #tpu.memory_space<vmem>>
    %dma_wait3A_322 = tpu.memref_squeeze %dma_wait3A_321 : memref<1x128xi32, #tpu.memory_space<vmem>> -> memref<128xi32, #tpu.memory_space<vmem>>
    %dma_wait3A_323 = arith.constant 0 : i32
    %dma_wait3A_324 = arith.constant 0 : i32
    %dma_wait3A_325 = tpu.memref_slice %arg2[%dma_wait3A_323, %dma_wait3A_324] : memref<10000x128xf32, #tpu.memory_space<hbm>> -> memref<10000x128xf32, #tpu.memory_space<hbm>>
    tpu.wait_indirect_dma semaphore(%arg11 : memref<!tpu.dma_semaphore, #tpu.memory_space<semaphore_mem>>) src(%dma_wait3A_325 : memref<10000x128xf32, #tpu.memory_space<hbm>>) dst(%arg7 : memref<128x128xf32, #tpu.memory_space<vmem>>)
    %add3A_326 = arith.constant 1664 : i32
    %add3A_327 = arith.addi %mul3A_2, %add3A_326 : i32
    %dma_start3A_328 = arith.constant 0 : i32
    %dma_start3A_329 = tpu.memref_slice %arg4[%add3A_327, %dma_start3A_328] : memref<61440x128xf32, #tpu.memory_space<hbm>> -> memref<128x128xf32, #tpu.memory_space<hbm>>
    %dma_start3A_330 = arith.constant 0 : i32
    %dma_start3A_331 = tpu.memref_slice %arg4[%add3A_327, %dma_start3A_330] : memref<61440x128xf32, #tpu.memory_space<hbm>> -> memref<128x128xf32, #tpu.memory_space<hbm>>
    tpu.enqueue_dma source(%arg7 : memref<128x128xf32, #tpu.memory_space<vmem>>) target(%dma_start3A_331 : memref<128x128xf32, #tpu.memory_space<hbm>>) target_semaphore(%arg15 : memref<!tpu.dma_semaphore, #tpu.memory_space<semaphore_mem>>)
    %dma_wait3A_332 = arith.constant 14 : i32
    %dma_wait3A_333 = arith.constant 0 : i32
    %dma_wait3A_334 = tpu.memref_slice %arg5[%dma_wait3A_332, %dma_wait3A_333] : memref<15x128xi32, #tpu.memory_space<vmem>> -> memref<1x128xi32, #tpu.memory_space<vmem>>
    %dma_wait3A_335 = tpu.memref_squeeze %dma_wait3A_334 : memref<1x128xi32, #tpu.memory_space<vmem>> -> memref<128xi32, #tpu.memory_space<vmem>>
    %dma_wait3A_336 = arith.constant 0 : i32
    %dma_wait3A_337 = arith.constant 0 : i32
    %dma_wait3A_338 = tpu.memref_slice %arg2[%dma_wait3A_336, %dma_wait3A_337] : memref<10000x128xf32, #tpu.memory_space<hbm>> -> memref<10000x128xf32, #tpu.memory_space<hbm>>
    tpu.wait_indirect_dma semaphore(%arg12 : memref<!tpu.dma_semaphore, #tpu.memory_space<semaphore_mem>>) src(%dma_wait3A_338 : memref<10000x128xf32, #tpu.memory_space<hbm>>) dst(%arg8 : memref<128x128xf32, #tpu.memory_space<vmem>>)
    %add3A_339 = arith.constant 1792 : i32
    %add3A_340 = arith.addi %mul3A_2, %add3A_339 : i32
    %dma_start3A_341 = arith.constant 0 : i32
    %dma_start3A_342 = tpu.memref_slice %arg4[%add3A_340, %dma_start3A_341] : memref<61440x128xf32, #tpu.memory_space<hbm>> -> memref<128x128xf32, #tpu.memory_space<hbm>>
    %dma_start3A_343 = arith.constant 0 : i32
    %dma_start3A_344 = tpu.memref_slice %arg4[%add3A_340, %dma_start3A_343] : memref<61440x128xf32, #tpu.memory_space<hbm>> -> memref<128x128xf32, #tpu.memory_space<hbm>>
    tpu.enqueue_dma source(%arg8 : memref<128x128xf32, #tpu.memory_space<vmem>>) target(%dma_start3A_344 : memref<128x128xf32, #tpu.memory_space<hbm>>) target_semaphore(%arg16 : memref<!tpu.dma_semaphore, #tpu.memory_space<semaphore_mem>>)
    %dma_wait3A_345 = arith.constant 0 : i32
    %dma_wait3A_346 = tpu.memref_slice %arg4[%add3A_301, %dma_wait3A_345] : memref<61440x128xf32, #tpu.memory_space<hbm>> -> memref<128x128xf32, #tpu.memory_space<hbm>>
    %dma_wait3A_347 = arith.constant 0 : i32
    %dma_wait3A_348 = tpu.memref_slice %arg4[%add3A_301, %dma_wait3A_347] : memref<61440x128xf32, #tpu.memory_space<hbm>> -> memref<128x128xf32, #tpu.memory_space<hbm>>
    tpu.wait_dma2 semaphore(%arg17 : memref<!tpu.dma_semaphore, #tpu.memory_space<semaphore_mem>>) src(%arg9 : memref<128x128xf32, #tpu.memory_space<vmem>>) dst(%dma_wait3A_348 : memref<128x128xf32, #tpu.memory_space<hbm>>)
    %dma_wait3A_349 = arith.constant 0 : i32
    %dma_wait3A_350 = tpu.memref_slice %arg4[%add3A_314, %dma_wait3A_349] : memref<61440x128xf32, #tpu.memory_space<hbm>> -> memref<128x128xf32, #tpu.memory_space<hbm>>
    %dma_wait3A_351 = arith.constant 0 : i32
    %dma_wait3A_352 = tpu.memref_slice %arg4[%add3A_314, %dma_wait3A_351] : memref<61440x128xf32, #tpu.memory_space<hbm>> -> memref<128x128xf32, #tpu.memory_space<hbm>>
    tpu.wait_dma2 semaphore(%arg14 : memref<!tpu.dma_semaphore, #tpu.memory_space<semaphore_mem>>) src(%arg6 : memref<128x128xf32, #tpu.memory_space<vmem>>) dst(%dma_wait3A_352 : memref<128x128xf32, #tpu.memory_space<hbm>>)
    %dma_wait3A_353 = arith.constant 0 : i32
    %dma_wait3A_354 = tpu.memref_slice %arg4[%add3A_327, %dma_wait3A_353] : memref<61440x128xf32, #tpu.memory_space<hbm>> -> memref<128x128xf32, #tpu.memory_space<hbm>>
    %dma_wait3A_355 = arith.constant 0 : i32
    %dma_wait3A_356 = tpu.memref_slice %arg4[%add3A_327, %dma_wait3A_355] : memref<61440x128xf32, #tpu.memory_space<hbm>> -> memref<128x128xf32, #tpu.memory_space<hbm>>
    tpu.wait_dma2 semaphore(%arg15 : memref<!tpu.dma_semaphore, #tpu.memory_space<semaphore_mem>>) src(%arg7 : memref<128x128xf32, #tpu.memory_space<vmem>>) dst(%dma_wait3A_356 : memref<128x128xf32, #tpu.memory_space<hbm>>)
    %dma_wait3A_357 = arith.constant 0 : i32
    %dma_wait3A_358 = tpu.memref_slice %arg4[%add3A_340, %dma_wait3A_357] : memref<61440x128xf32, #tpu.memory_space<hbm>> -> memref<128x128xf32, #tpu.memory_space<hbm>>
    %dma_wait3A_359 = arith.constant 0 : i32
    %dma_wait3A_360 = tpu.memref_slice %arg4[%add3A_340, %dma_wait3A_359] : memref<61440x128xf32, #tpu.memory_space<hbm>> -> memref<128x128xf32, #tpu.memory_space<hbm>>
    tpu.wait_dma2 semaphore(%arg16 : memref<!tpu.dma_semaphore, #tpu.memory_space<semaphore_mem>>) src(%arg8 : memref<128x128xf32, #tpu.memory_space<vmem>>) dst(%dma_wait3A_360 : memref<128x128xf32, #tpu.memory_space<hbm>>)
    return
  }
}

#map = affine_map<(d0, d1) -> (0, 0)>
#map1 = affine_map<(d0, d1) -> (0, 0, 0)>
module attributes {stable_mosaic.version = 14 : i64} {
  func.func @scat(%arg0: i32, %arg1: i32, %arg2: memref<61440x128xf32, #tpu.memory_space<hbm>>, %arg3: memref<32x15x128xi32, #tpu.memory_space<hbm>>, %arg4: memref<632x128xf32, #tpu.memory_space<hbm>>, %arg5: memref<2x10112x128xf32, #tpu.memory_space<hbm>>, %arg6: memref<15x128xi32, #tpu.memory_space<vmem>>, %arg7: memref<128x128xf32, #tpu.memory_space<vmem>>, %arg8: memref<128x128xf32, #tpu.memory_space<vmem>>, %arg9: memref<10112x128xf32, #tpu.memory_space<vmem_shared>>) attributes {dimension_semantics = [#tpu.dimension_semantics<core_parallel>, #tpu.dimension_semantics<subcore_parallel>], iteration_bounds = array<i64: 2, 16>, scalar_prefetch = 0 : i64, scratch_operands = 4 : i64, tpu.core_type = #tpu.core_type<sc_vector_subcore>, window_params = [{transform_indices = #map}, {transform_indices = #map1}, {transform_indices = #map}, {transform_indices = #map1}]} {
    %mul3A = arith.constant 632 : i32
    %mul3A_0 = arith.muli %arg1, %mul3A : i32
    "tpu.region"() ({
      %run_scoped3A_54 = tpu.sem_alloc : memref<!tpu.dma_semaphore, #tpu.memory_space<semaphore_mem>>
      %dma_start3A = arith.constant 0 : i32
      %dma_start3A_55 = tpu.memref_slice %arg9[%mul3A_0, %dma_start3A] : memref<10112x128xf32, #tpu.memory_space<vmem_shared>> -> memref<632x128xf32, #tpu.memory_space<vmem_shared>>
      tpu.enqueue_dma source(%arg4 : memref<632x128xf32, #tpu.memory_space<hbm>>) target(%dma_start3A_55 : memref<632x128xf32, #tpu.memory_space<vmem_shared>>) target_semaphore(%run_scoped3A_54 : memref<!tpu.dma_semaphore, #tpu.memory_space<semaphore_mem>>)
      %dma_wait3A = arith.constant 0 : i32
      %dma_wait3A_56 = tpu.memref_slice %arg9[%mul3A_0, %dma_wait3A] : memref<10112x128xf32, #tpu.memory_space<vmem_shared>> -> memref<632x128xf32, #tpu.memory_space<vmem_shared>>
      tpu.wait_dma2 semaphore(%run_scoped3A_54 : memref<!tpu.dma_semaphore, #tpu.memory_space<semaphore_mem>>) src(%arg4 : memref<632x128xf32, #tpu.memory_space<hbm>>) dst(%dma_wait3A_56 : memref<632x128xf32, #tpu.memory_space<vmem_shared>>)
      tpu.yield
    }) : () -> ()
    %barrier3A = arith.constant 0 : index
    tpu.barrier barrier_id(%barrier3A)
    %mul3A_1 = arith.constant 16 : i32
    %mul3A_2 = arith.muli %arg0, %mul3A_1 : i32
    %add3A = arith.addi %mul3A_2, %arg1 : i32
    "tpu.region"() ({
      %run_scoped3A_54 = tpu.sem_alloc : memref<!tpu.dma_semaphore, #tpu.memory_space<semaphore_mem>>
      %dma_start3A = arith.constant 0 : i32
      %dma_start3A_55 = arith.constant 0 : i32
      %dma_start3A_56 = tpu.memref_slice %arg3[%add3A, %dma_start3A, %dma_start3A_55] : memref<32x15x128xi32, #tpu.memory_space<hbm>> -> memref<1x15x128xi32, #tpu.memory_space<hbm>>
      %dma_start3A_57 = tpu.memref_squeeze %dma_start3A_56 : memref<1x15x128xi32, #tpu.memory_space<hbm>> -> memref<15x128xi32, #tpu.memory_space<hbm>>
      %dma_start3A_58 = arith.constant 0 : i32
      %dma_start3A_59 = arith.constant 0 : i32
      %dma_start3A_60 = tpu.memref_slice %arg3[%add3A, %dma_start3A_58, %dma_start3A_59] : memref<32x15x128xi32, #tpu.memory_space<hbm>> -> memref<1x15x128xi32, #tpu.memory_space<hbm>>
      %dma_start3A_61 = tpu.memref_squeeze %dma_start3A_60 : memref<1x15x128xi32, #tpu.memory_space<hbm>> -> memref<15x128xi32, #tpu.memory_space<hbm>>
      tpu.enqueue_dma source(%dma_start3A_61 : memref<15x128xi32, #tpu.memory_space<hbm>>) target(%arg6 : memref<15x128xi32, #tpu.memory_space<vmem>>) target_semaphore(%run_scoped3A_54 : memref<!tpu.dma_semaphore, #tpu.memory_space<semaphore_mem>>)
      %dma_wait3A = arith.constant 0 : i32
      %dma_wait3A_62 = arith.constant 0 : i32
      %dma_wait3A_63 = tpu.memref_slice %arg3[%add3A, %dma_wait3A, %dma_wait3A_62] : memref<32x15x128xi32, #tpu.memory_space<hbm>> -> memref<1x15x128xi32, #tpu.memory_space<hbm>>
      %dma_wait3A_64 = tpu.memref_squeeze %dma_wait3A_63 : memref<1x15x128xi32, #tpu.memory_space<hbm>> -> memref<15x128xi32, #tpu.memory_space<hbm>>
      %dma_wait3A_65 = arith.constant 0 : i32
      %dma_wait3A_66 = arith.constant 0 : i32
      %dma_wait3A_67 = tpu.memref_slice %arg3[%add3A, %dma_wait3A_65, %dma_wait3A_66] : memref<32x15x128xi32, #tpu.memory_space<hbm>> -> memref<1x15x128xi32, #tpu.memory_space<hbm>>
      %dma_wait3A_68 = tpu.memref_squeeze %dma_wait3A_67 : memref<1x15x128xi32, #tpu.memory_space<hbm>> -> memref<15x128xi32, #tpu.memory_space<hbm>>
      tpu.wait_dma2 semaphore(%run_scoped3A_54 : memref<!tpu.dma_semaphore, #tpu.memory_space<semaphore_mem>>) src(%dma_wait3A_68 : memref<15x128xi32, #tpu.memory_space<hbm>>) dst(%arg6 : memref<15x128xi32, #tpu.memory_space<vmem>>)
      tpu.yield
    }) : () -> ()
    %mul3A_3 = arith.constant 1920 : i32
    %mul3A_4 = arith.muli %add3A, %mul3A_3 : i32
    %add3A_5 = arith.constant 0 : i32
    %add3A_6 = arith.addi %mul3A_4, %add3A_5 : i32
    "tpu.region"() ({
      %run_scoped3A_54 = tpu.sem_alloc : memref<!tpu.dma_semaphore, #tpu.memory_space<semaphore_mem>>
      %dma_start3A = arith.constant 0 : i32
      %dma_start3A_55 = tpu.memref_slice %arg2[%add3A_6, %dma_start3A] : memref<61440x128xf32, #tpu.memory_space<hbm>> -> memref<128x128xf32, #tpu.memory_space<hbm>>
      %dma_start3A_56 = arith.constant 0 : i32
      %dma_start3A_57 = tpu.memref_slice %arg2[%add3A_6, %dma_start3A_56] : memref<61440x128xf32, #tpu.memory_space<hbm>> -> memref<128x128xf32, #tpu.memory_space<hbm>>
      tpu.enqueue_dma source(%dma_start3A_57 : memref<128x128xf32, #tpu.memory_space<hbm>>) target(%arg7 : memref<128x128xf32, #tpu.memory_space<vmem>>) target_semaphore(%run_scoped3A_54 : memref<!tpu.dma_semaphore, #tpu.memory_space<semaphore_mem>>)
      %dma_wait3A = arith.constant 0 : i32
      %dma_wait3A_58 = tpu.memref_slice %arg2[%add3A_6, %dma_wait3A] : memref<61440x128xf32, #tpu.memory_space<hbm>> -> memref<128x128xf32, #tpu.memory_space<hbm>>
      %dma_wait3A_59 = arith.constant 0 : i32
      %dma_wait3A_60 = tpu.memref_slice %arg2[%add3A_6, %dma_wait3A_59] : memref<61440x128xf32, #tpu.memory_space<hbm>> -> memref<128x128xf32, #tpu.memory_space<hbm>>
      tpu.wait_dma2 semaphore(%run_scoped3A_54 : memref<!tpu.dma_semaphore, #tpu.memory_space<semaphore_mem>>) src(%dma_wait3A_60 : memref<128x128xf32, #tpu.memory_space<hbm>>) dst(%arg7 : memref<128x128xf32, #tpu.memory_space<vmem>>)
      tpu.yield
    }) : () -> ()
    %run_scoped3A = arith.constant 0 : i32
    "tpu.region"() ({
      %run_scoped3A_54 = tpu.sem_alloc : memref<!tpu.dma_semaphore, #tpu.memory_space<semaphore_mem>>
      %dma_start3A = arith.constant 0 : i32
      %dma_start3A_55 = tpu.memref_slice %arg6[%run_scoped3A, %dma_start3A] : memref<15x128xi32, #tpu.memory_space<vmem>> -> memref<1x128xi32, #tpu.memory_space<vmem>>
      %dma_start3A_56 = tpu.memref_squeeze %dma_start3A_55 : memref<1x128xi32, #tpu.memory_space<vmem>> -> memref<128xi32, #tpu.memory_space<vmem>>
      %dma_start3A_57 = arith.constant 0 : i32
      %dma_start3A_58 = arith.constant 0 : i32
      %dma_start3A_59 = tpu.memref_slice %arg9[%dma_start3A_57, %dma_start3A_58] : memref<10112x128xf32, #tpu.memory_space<vmem_shared>> -> memref<10112x128xf32, #tpu.memory_space<vmem_shared>>
      tpu.enqueue_indirect_dma source(%arg7 : memref<128x128xf32, #tpu.memory_space<vmem>>) target(%dma_start3A_59 : memref<10112x128xf32, #tpu.memory_space<vmem_shared>>) offsets(%dma_start3A_56 : memref<128xi32, #tpu.memory_space<vmem>>) semaphore(%run_scoped3A_54 : memref<!tpu.dma_semaphore, #tpu.memory_space<semaphore_mem>>) {add = true}
      %dma_wait3A = arith.constant 0 : i32
      %dma_wait3A_60 = tpu.memref_slice %arg6[%run_scoped3A, %dma_wait3A] : memref<15x128xi32, #tpu.memory_space<vmem>> -> memref<1x128xi32, #tpu.memory_space<vmem>>
      %dma_wait3A_61 = tpu.memref_squeeze %dma_wait3A_60 : memref<1x128xi32, #tpu.memory_space<vmem>> -> memref<128xi32, #tpu.memory_space<vmem>>
      %dma_wait3A_62 = arith.constant 0 : i32
      %dma_wait3A_63 = arith.constant 0 : i32
      %dma_wait3A_64 = tpu.memref_slice %arg9[%dma_wait3A_62, %dma_wait3A_63] : memref<10112x128xf32, #tpu.memory_space<vmem_shared>> -> memref<10112x128xf32, #tpu.memory_space<vmem_shared>>
      tpu.wait_indirect_dma semaphore(%run_scoped3A_54 : memref<!tpu.dma_semaphore, #tpu.memory_space<semaphore_mem>>) src(%arg7 : memref<128x128xf32, #tpu.memory_space<vmem>>) dst(%dma_wait3A_64 : memref<10112x128xf32, #tpu.memory_space<vmem_shared>>)
      tpu.yield
    }) : () -> ()
    %add3A_7 = arith.constant 128 : i32
    %add3A_8 = arith.addi %mul3A_4, %add3A_7 : i32
    "tpu.region"() ({
      %run_scoped3A_54 = tpu.sem_alloc : memref<!tpu.dma_semaphore, #tpu.memory_space<semaphore_mem>>
      %dma_start3A = arith.constant 0 : i32
      %dma_start3A_55 = tpu.memref_slice %arg2[%add3A_8, %dma_start3A] : memref<61440x128xf32, #tpu.memory_space<hbm>> -> memref<128x128xf32, #tpu.memory_space<hbm>>
      %dma_start3A_56 = arith.constant 0 : i32
      %dma_start3A_57 = tpu.memref_slice %arg2[%add3A_8, %dma_start3A_56] : memref<61440x128xf32, #tpu.memory_space<hbm>> -> memref<128x128xf32, #tpu.memory_space<hbm>>
      tpu.enqueue_dma source(%dma_start3A_57 : memref<128x128xf32, #tpu.memory_space<hbm>>) target(%arg8 : memref<128x128xf32, #tpu.memory_space<vmem>>) target_semaphore(%run_scoped3A_54 : memref<!tpu.dma_semaphore, #tpu.memory_space<semaphore_mem>>)
      %dma_wait3A = arith.constant 0 : i32
      %dma_wait3A_58 = tpu.memref_slice %arg2[%add3A_8, %dma_wait3A] : memref<61440x128xf32, #tpu.memory_space<hbm>> -> memref<128x128xf32, #tpu.memory_space<hbm>>
      %dma_wait3A_59 = arith.constant 0 : i32
      %dma_wait3A_60 = tpu.memref_slice %arg2[%add3A_8, %dma_wait3A_59] : memref<61440x128xf32, #tpu.memory_space<hbm>> -> memref<128x128xf32, #tpu.memory_space<hbm>>
      tpu.wait_dma2 semaphore(%run_scoped3A_54 : memref<!tpu.dma_semaphore, #tpu.memory_space<semaphore_mem>>) src(%dma_wait3A_60 : memref<128x128xf32, #tpu.memory_space<hbm>>) dst(%arg8 : memref<128x128xf32, #tpu.memory_space<vmem>>)
      tpu.yield
    }) : () -> ()
    %run_scoped3A_9 = arith.constant 1 : i32
    "tpu.region"() ({
      %run_scoped3A_54 = tpu.sem_alloc : memref<!tpu.dma_semaphore, #tpu.memory_space<semaphore_mem>>
      %dma_start3A = arith.constant 0 : i32
      %dma_start3A_55 = tpu.memref_slice %arg6[%run_scoped3A_9, %dma_start3A] : memref<15x128xi32, #tpu.memory_space<vmem>> -> memref<1x128xi32, #tpu.memory_space<vmem>>
      %dma_start3A_56 = tpu.memref_squeeze %dma_start3A_55 : memref<1x128xi32, #tpu.memory_space<vmem>> -> memref<128xi32, #tpu.memory_space<vmem>>
      %dma_start3A_57 = arith.constant 0 : i32
      %dma_start3A_58 = arith.constant 0 : i32
      %dma_start3A_59 = tpu.memref_slice %arg9[%dma_start3A_57, %dma_start3A_58] : memref<10112x128xf32, #tpu.memory_space<vmem_shared>> -> memref<10112x128xf32, #tpu.memory_space<vmem_shared>>
      tpu.enqueue_indirect_dma source(%arg8 : memref<128x128xf32, #tpu.memory_space<vmem>>) target(%dma_start3A_59 : memref<10112x128xf32, #tpu.memory_space<vmem_shared>>) offsets(%dma_start3A_56 : memref<128xi32, #tpu.memory_space<vmem>>) semaphore(%run_scoped3A_54 : memref<!tpu.dma_semaphore, #tpu.memory_space<semaphore_mem>>) {add = true}
      %dma_wait3A = arith.constant 0 : i32
      %dma_wait3A_60 = tpu.memref_slice %arg6[%run_scoped3A_9, %dma_wait3A] : memref<15x128xi32, #tpu.memory_space<vmem>> -> memref<1x128xi32, #tpu.memory_space<vmem>>
      %dma_wait3A_61 = tpu.memref_squeeze %dma_wait3A_60 : memref<1x128xi32, #tpu.memory_space<vmem>> -> memref<128xi32, #tpu.memory_space<vmem>>
      %dma_wait3A_62 = arith.constant 0 : i32
      %dma_wait3A_63 = arith.constant 0 : i32
      %dma_wait3A_64 = tpu.memref_slice %arg9[%dma_wait3A_62, %dma_wait3A_63] : memref<10112x128xf32, #tpu.memory_space<vmem_shared>> -> memref<10112x128xf32, #tpu.memory_space<vmem_shared>>
      tpu.wait_indirect_dma semaphore(%run_scoped3A_54 : memref<!tpu.dma_semaphore, #tpu.memory_space<semaphore_mem>>) src(%arg8 : memref<128x128xf32, #tpu.memory_space<vmem>>) dst(%dma_wait3A_64 : memref<10112x128xf32, #tpu.memory_space<vmem_shared>>)
      tpu.yield
    }) : () -> ()
    %add3A_10 = arith.constant 256 : i32
    %add3A_11 = arith.addi %mul3A_4, %add3A_10 : i32
    "tpu.region"() ({
      %run_scoped3A_54 = tpu.sem_alloc : memref<!tpu.dma_semaphore, #tpu.memory_space<semaphore_mem>>
      %dma_start3A = arith.constant 0 : i32
      %dma_start3A_55 = tpu.memref_slice %arg2[%add3A_11, %dma_start3A] : memref<61440x128xf32, #tpu.memory_space<hbm>> -> memref<128x128xf32, #tpu.memory_space<hbm>>
      %dma_start3A_56 = arith.constant 0 : i32
      %dma_start3A_57 = tpu.memref_slice %arg2[%add3A_11, %dma_start3A_56] : memref<61440x128xf32, #tpu.memory_space<hbm>> -> memref<128x128xf32, #tpu.memory_space<hbm>>
      tpu.enqueue_dma source(%dma_start3A_57 : memref<128x128xf32, #tpu.memory_space<hbm>>) target(%arg7 : memref<128x128xf32, #tpu.memory_space<vmem>>) target_semaphore(%run_scoped3A_54 : memref<!tpu.dma_semaphore, #tpu.memory_space<semaphore_mem>>)
      %dma_wait3A = arith.constant 0 : i32
      %dma_wait3A_58 = tpu.memref_slice %arg2[%add3A_11, %dma_wait3A] : memref<61440x128xf32, #tpu.memory_space<hbm>> -> memref<128x128xf32, #tpu.memory_space<hbm>>
      %dma_wait3A_59 = arith.constant 0 : i32
      %dma_wait3A_60 = tpu.memref_slice %arg2[%add3A_11, %dma_wait3A_59] : memref<61440x128xf32, #tpu.memory_space<hbm>> -> memref<128x128xf32, #tpu.memory_space<hbm>>
      tpu.wait_dma2 semaphore(%run_scoped3A_54 : memref<!tpu.dma_semaphore, #tpu.memory_space<semaphore_mem>>) src(%dma_wait3A_60 : memref<128x128xf32, #tpu.memory_space<hbm>>) dst(%arg7 : memref<128x128xf32, #tpu.memory_space<vmem>>)
      tpu.yield
    }) : () -> ()
    %run_scoped3A_12 = arith.constant 2 : i32
    "tpu.region"() ({
      %run_scoped3A_54 = tpu.sem_alloc : memref<!tpu.dma_semaphore, #tpu.memory_space<semaphore_mem>>
      %dma_start3A = arith.constant 0 : i32
      %dma_start3A_55 = tpu.memref_slice %arg6[%run_scoped3A_12, %dma_start3A] : memref<15x128xi32, #tpu.memory_space<vmem>> -> memref<1x128xi32, #tpu.memory_space<vmem>>
      %dma_start3A_56 = tpu.memref_squeeze %dma_start3A_55 : memref<1x128xi32, #tpu.memory_space<vmem>> -> memref<128xi32, #tpu.memory_space<vmem>>
      %dma_start3A_57 = arith.constant 0 : i32
      %dma_start3A_58 = arith.constant 0 : i32
      %dma_start3A_59 = tpu.memref_slice %arg9[%dma_start3A_57, %dma_start3A_58] : memref<10112x128xf32, #tpu.memory_space<vmem_shared>> -> memref<10112x128xf32, #tpu.memory_space<vmem_shared>>
      tpu.enqueue_indirect_dma source(%arg7 : memref<128x128xf32, #tpu.memory_space<vmem>>) target(%dma_start3A_59 : memref<10112x128xf32, #tpu.memory_space<vmem_shared>>) offsets(%dma_start3A_56 : memref<128xi32, #tpu.memory_space<vmem>>) semaphore(%run_scoped3A_54 : memref<!tpu.dma_semaphore, #tpu.memory_space<semaphore_mem>>) {add = true}
      %dma_wait3A = arith.constant 0 : i32
      %dma_wait3A_60 = tpu.memref_slice %arg6[%run_scoped3A_12, %dma_wait3A] : memref<15x128xi32, #tpu.memory_space<vmem>> -> memref<1x128xi32, #tpu.memory_space<vmem>>
      %dma_wait3A_61 = tpu.memref_squeeze %dma_wait3A_60 : memref<1x128xi32, #tpu.memory_space<vmem>> -> memref<128xi32, #tpu.memory_space<vmem>>
      %dma_wait3A_62 = arith.constant 0 : i32
      %dma_wait3A_63 = arith.constant 0 : i32
      %dma_wait3A_64 = tpu.memref_slice %arg9[%dma_wait3A_62, %dma_wait3A_63] : memref<10112x128xf32, #tpu.memory_space<vmem_shared>> -> memref<10112x128xf32, #tpu.memory_space<vmem_shared>>
      tpu.wait_indirect_dma semaphore(%run_scoped3A_54 : memref<!tpu.dma_semaphore, #tpu.memory_space<semaphore_mem>>) src(%arg7 : memref<128x128xf32, #tpu.memory_space<vmem>>) dst(%dma_wait3A_64 : memref<10112x128xf32, #tpu.memory_space<vmem_shared>>)
      tpu.yield
    }) : () -> ()
    %add3A_13 = arith.constant 384 : i32
    %add3A_14 = arith.addi %mul3A_4, %add3A_13 : i32
    "tpu.region"() ({
      %run_scoped3A_54 = tpu.sem_alloc : memref<!tpu.dma_semaphore, #tpu.memory_space<semaphore_mem>>
      %dma_start3A = arith.constant 0 : i32
      %dma_start3A_55 = tpu.memref_slice %arg2[%add3A_14, %dma_start3A] : memref<61440x128xf32, #tpu.memory_space<hbm>> -> memref<128x128xf32, #tpu.memory_space<hbm>>
      %dma_start3A_56 = arith.constant 0 : i32
      %dma_start3A_57 = tpu.memref_slice %arg2[%add3A_14, %dma_start3A_56] : memref<61440x128xf32, #tpu.memory_space<hbm>> -> memref<128x128xf32, #tpu.memory_space<hbm>>
      tpu.enqueue_dma source(%dma_start3A_57 : memref<128x128xf32, #tpu.memory_space<hbm>>) target(%arg8 : memref<128x128xf32, #tpu.memory_space<vmem>>) target_semaphore(%run_scoped3A_54 : memref<!tpu.dma_semaphore, #tpu.memory_space<semaphore_mem>>)
      %dma_wait3A = arith.constant 0 : i32
      %dma_wait3A_58 = tpu.memref_slice %arg2[%add3A_14, %dma_wait3A] : memref<61440x128xf32, #tpu.memory_space<hbm>> -> memref<128x128xf32, #tpu.memory_space<hbm>>
      %dma_wait3A_59 = arith.constant 0 : i32
      %dma_wait3A_60 = tpu.memref_slice %arg2[%add3A_14, %dma_wait3A_59] : memref<61440x128xf32, #tpu.memory_space<hbm>> -> memref<128x128xf32, #tpu.memory_space<hbm>>
      tpu.wait_dma2 semaphore(%run_scoped3A_54 : memref<!tpu.dma_semaphore, #tpu.memory_space<semaphore_mem>>) src(%dma_wait3A_60 : memref<128x128xf32, #tpu.memory_space<hbm>>) dst(%arg8 : memref<128x128xf32, #tpu.memory_space<vmem>>)
      tpu.yield
    }) : () -> ()
    %run_scoped3A_15 = arith.constant 3 : i32
    "tpu.region"() ({
      %run_scoped3A_54 = tpu.sem_alloc : memref<!tpu.dma_semaphore, #tpu.memory_space<semaphore_mem>>
      %dma_start3A = arith.constant 0 : i32
      %dma_start3A_55 = tpu.memref_slice %arg6[%run_scoped3A_15, %dma_start3A] : memref<15x128xi32, #tpu.memory_space<vmem>> -> memref<1x128xi32, #tpu.memory_space<vmem>>
      %dma_start3A_56 = tpu.memref_squeeze %dma_start3A_55 : memref<1x128xi32, #tpu.memory_space<vmem>> -> memref<128xi32, #tpu.memory_space<vmem>>
      %dma_start3A_57 = arith.constant 0 : i32
      %dma_start3A_58 = arith.constant 0 : i32
      %dma_start3A_59 = tpu.memref_slice %arg9[%dma_start3A_57, %dma_start3A_58] : memref<10112x128xf32, #tpu.memory_space<vmem_shared>> -> memref<10112x128xf32, #tpu.memory_space<vmem_shared>>
      tpu.enqueue_indirect_dma source(%arg8 : memref<128x128xf32, #tpu.memory_space<vmem>>) target(%dma_start3A_59 : memref<10112x128xf32, #tpu.memory_space<vmem_shared>>) offsets(%dma_start3A_56 : memref<128xi32, #tpu.memory_space<vmem>>) semaphore(%run_scoped3A_54 : memref<!tpu.dma_semaphore, #tpu.memory_space<semaphore_mem>>) {add = true}
      %dma_wait3A = arith.constant 0 : i32
      %dma_wait3A_60 = tpu.memref_slice %arg6[%run_scoped3A_15, %dma_wait3A] : memref<15x128xi32, #tpu.memory_space<vmem>> -> memref<1x128xi32, #tpu.memory_space<vmem>>
      %dma_wait3A_61 = tpu.memref_squeeze %dma_wait3A_60 : memref<1x128xi32, #tpu.memory_space<vmem>> -> memref<128xi32, #tpu.memory_space<vmem>>
      %dma_wait3A_62 = arith.constant 0 : i32
      %dma_wait3A_63 = arith.constant 0 : i32
      %dma_wait3A_64 = tpu.memref_slice %arg9[%dma_wait3A_62, %dma_wait3A_63] : memref<10112x128xf32, #tpu.memory_space<vmem_shared>> -> memref<10112x128xf32, #tpu.memory_space<vmem_shared>>
      tpu.wait_indirect_dma semaphore(%run_scoped3A_54 : memref<!tpu.dma_semaphore, #tpu.memory_space<semaphore_mem>>) src(%arg8 : memref<128x128xf32, #tpu.memory_space<vmem>>) dst(%dma_wait3A_64 : memref<10112x128xf32, #tpu.memory_space<vmem_shared>>)
      tpu.yield
    }) : () -> ()
    %add3A_16 = arith.constant 512 : i32
    %add3A_17 = arith.addi %mul3A_4, %add3A_16 : i32
    "tpu.region"() ({
      %run_scoped3A_54 = tpu.sem_alloc : memref<!tpu.dma_semaphore, #tpu.memory_space<semaphore_mem>>
      %dma_start3A = arith.constant 0 : i32
      %dma_start3A_55 = tpu.memref_slice %arg2[%add3A_17, %dma_start3A] : memref<61440x128xf32, #tpu.memory_space<hbm>> -> memref<128x128xf32, #tpu.memory_space<hbm>>
      %dma_start3A_56 = arith.constant 0 : i32
      %dma_start3A_57 = tpu.memref_slice %arg2[%add3A_17, %dma_start3A_56] : memref<61440x128xf32, #tpu.memory_space<hbm>> -> memref<128x128xf32, #tpu.memory_space<hbm>>
      tpu.enqueue_dma source(%dma_start3A_57 : memref<128x128xf32, #tpu.memory_space<hbm>>) target(%arg7 : memref<128x128xf32, #tpu.memory_space<vmem>>) target_semaphore(%run_scoped3A_54 : memref<!tpu.dma_semaphore, #tpu.memory_space<semaphore_mem>>)
      %dma_wait3A = arith.constant 0 : i32
      %dma_wait3A_58 = tpu.memref_slice %arg2[%add3A_17, %dma_wait3A] : memref<61440x128xf32, #tpu.memory_space<hbm>> -> memref<128x128xf32, #tpu.memory_space<hbm>>
      %dma_wait3A_59 = arith.constant 0 : i32
      %dma_wait3A_60 = tpu.memref_slice %arg2[%add3A_17, %dma_wait3A_59] : memref<61440x128xf32, #tpu.memory_space<hbm>> -> memref<128x128xf32, #tpu.memory_space<hbm>>
      tpu.wait_dma2 semaphore(%run_scoped3A_54 : memref<!tpu.dma_semaphore, #tpu.memory_space<semaphore_mem>>) src(%dma_wait3A_60 : memref<128x128xf32, #tpu.memory_space<hbm>>) dst(%arg7 : memref<128x128xf32, #tpu.memory_space<vmem>>)
      tpu.yield
    }) : () -> ()
    %run_scoped3A_18 = arith.constant 4 : i32
    "tpu.region"() ({
      %run_scoped3A_54 = tpu.sem_alloc : memref<!tpu.dma_semaphore, #tpu.memory_space<semaphore_mem>>
      %dma_start3A = arith.constant 0 : i32
      %dma_start3A_55 = tpu.memref_slice %arg6[%run_scoped3A_18, %dma_start3A] : memref<15x128xi32, #tpu.memory_space<vmem>> -> memref<1x128xi32, #tpu.memory_space<vmem>>
      %dma_start3A_56 = tpu.memref_squeeze %dma_start3A_55 : memref<1x128xi32, #tpu.memory_space<vmem>> -> memref<128xi32, #tpu.memory_space<vmem>>
      %dma_start3A_57 = arith.constant 0 : i32
      %dma_start3A_58 = arith.constant 0 : i32
      %dma_start3A_59 = tpu.memref_slice %arg9[%dma_start3A_57, %dma_start3A_58] : memref<10112x128xf32, #tpu.memory_space<vmem_shared>> -> memref<10112x128xf32, #tpu.memory_space<vmem_shared>>
      tpu.enqueue_indirect_dma source(%arg7 : memref<128x128xf32, #tpu.memory_space<vmem>>) target(%dma_start3A_59 : memref<10112x128xf32, #tpu.memory_space<vmem_shared>>) offsets(%dma_start3A_56 : memref<128xi32, #tpu.memory_space<vmem>>) semaphore(%run_scoped3A_54 : memref<!tpu.dma_semaphore, #tpu.memory_space<semaphore_mem>>) {add = true}
      %dma_wait3A = arith.constant 0 : i32
      %dma_wait3A_60 = tpu.memref_slice %arg6[%run_scoped3A_18, %dma_wait3A] : memref<15x128xi32, #tpu.memory_space<vmem>> -> memref<1x128xi32, #tpu.memory_space<vmem>>
      %dma_wait3A_61 = tpu.memref_squeeze %dma_wait3A_60 : memref<1x128xi32, #tpu.memory_space<vmem>> -> memref<128xi32, #tpu.memory_space<vmem>>
      %dma_wait3A_62 = arith.constant 0 : i32
      %dma_wait3A_63 = arith.constant 0 : i32
      %dma_wait3A_64 = tpu.memref_slice %arg9[%dma_wait3A_62, %dma_wait3A_63] : memref<10112x128xf32, #tpu.memory_space<vmem_shared>> -> memref<10112x128xf32, #tpu.memory_space<vmem_shared>>
      tpu.wait_indirect_dma semaphore(%run_scoped3A_54 : memref<!tpu.dma_semaphore, #tpu.memory_space<semaphore_mem>>) src(%arg7 : memref<128x128xf32, #tpu.memory_space<vmem>>) dst(%dma_wait3A_64 : memref<10112x128xf32, #tpu.memory_space<vmem_shared>>)
      tpu.yield
    }) : () -> ()
    %add3A_19 = arith.constant 640 : i32
    %add3A_20 = arith.addi %mul3A_4, %add3A_19 : i32
    "tpu.region"() ({
      %run_scoped3A_54 = tpu.sem_alloc : memref<!tpu.dma_semaphore, #tpu.memory_space<semaphore_mem>>
      %dma_start3A = arith.constant 0 : i32
      %dma_start3A_55 = tpu.memref_slice %arg2[%add3A_20, %dma_start3A] : memref<61440x128xf32, #tpu.memory_space<hbm>> -> memref<128x128xf32, #tpu.memory_space<hbm>>
      %dma_start3A_56 = arith.constant 0 : i32
      %dma_start3A_57 = tpu.memref_slice %arg2[%add3A_20, %dma_start3A_56] : memref<61440x128xf32, #tpu.memory_space<hbm>> -> memref<128x128xf32, #tpu.memory_space<hbm>>
      tpu.enqueue_dma source(%dma_start3A_57 : memref<128x128xf32, #tpu.memory_space<hbm>>) target(%arg8 : memref<128x128xf32, #tpu.memory_space<vmem>>) target_semaphore(%run_scoped3A_54 : memref<!tpu.dma_semaphore, #tpu.memory_space<semaphore_mem>>)
      %dma_wait3A = arith.constant 0 : i32
      %dma_wait3A_58 = tpu.memref_slice %arg2[%add3A_20, %dma_wait3A] : memref<61440x128xf32, #tpu.memory_space<hbm>> -> memref<128x128xf32, #tpu.memory_space<hbm>>
      %dma_wait3A_59 = arith.constant 0 : i32
      %dma_wait3A_60 = tpu.memref_slice %arg2[%add3A_20, %dma_wait3A_59] : memref<61440x128xf32, #tpu.memory_space<hbm>> -> memref<128x128xf32, #tpu.memory_space<hbm>>
      tpu.wait_dma2 semaphore(%run_scoped3A_54 : memref<!tpu.dma_semaphore, #tpu.memory_space<semaphore_mem>>) src(%dma_wait3A_60 : memref<128x128xf32, #tpu.memory_space<hbm>>) dst(%arg8 : memref<128x128xf32, #tpu.memory_space<vmem>>)
      tpu.yield
    }) : () -> ()
    %run_scoped3A_21 = arith.constant 5 : i32
    "tpu.region"() ({
      %run_scoped3A_54 = tpu.sem_alloc : memref<!tpu.dma_semaphore, #tpu.memory_space<semaphore_mem>>
      %dma_start3A = arith.constant 0 : i32
      %dma_start3A_55 = tpu.memref_slice %arg6[%run_scoped3A_21, %dma_start3A] : memref<15x128xi32, #tpu.memory_space<vmem>> -> memref<1x128xi32, #tpu.memory_space<vmem>>
      %dma_start3A_56 = tpu.memref_squeeze %dma_start3A_55 : memref<1x128xi32, #tpu.memory_space<vmem>> -> memref<128xi32, #tpu.memory_space<vmem>>
      %dma_start3A_57 = arith.constant 0 : i32
      %dma_start3A_58 = arith.constant 0 : i32
      %dma_start3A_59 = tpu.memref_slice %arg9[%dma_start3A_57, %dma_start3A_58] : memref<10112x128xf32, #tpu.memory_space<vmem_shared>> -> memref<10112x128xf32, #tpu.memory_space<vmem_shared>>
      tpu.enqueue_indirect_dma source(%arg8 : memref<128x128xf32, #tpu.memory_space<vmem>>) target(%dma_start3A_59 : memref<10112x128xf32, #tpu.memory_space<vmem_shared>>) offsets(%dma_start3A_56 : memref<128xi32, #tpu.memory_space<vmem>>) semaphore(%run_scoped3A_54 : memref<!tpu.dma_semaphore, #tpu.memory_space<semaphore_mem>>) {add = true}
      %dma_wait3A = arith.constant 0 : i32
      %dma_wait3A_60 = tpu.memref_slice %arg6[%run_scoped3A_21, %dma_wait3A] : memref<15x128xi32, #tpu.memory_space<vmem>> -> memref<1x128xi32, #tpu.memory_space<vmem>>
      %dma_wait3A_61 = tpu.memref_squeeze %dma_wait3A_60 : memref<1x128xi32, #tpu.memory_space<vmem>> -> memref<128xi32, #tpu.memory_space<vmem>>
      %dma_wait3A_62 = arith.constant 0 : i32
      %dma_wait3A_63 = arith.constant 0 : i32
      %dma_wait3A_64 = tpu.memref_slice %arg9[%dma_wait3A_62, %dma_wait3A_63] : memref<10112x128xf32, #tpu.memory_space<vmem_shared>> -> memref<10112x128xf32, #tpu.memory_space<vmem_shared>>
      tpu.wait_indirect_dma semaphore(%run_scoped3A_54 : memref<!tpu.dma_semaphore, #tpu.memory_space<semaphore_mem>>) src(%arg8 : memref<128x128xf32, #tpu.memory_space<vmem>>) dst(%dma_wait3A_64 : memref<10112x128xf32, #tpu.memory_space<vmem_shared>>)
      tpu.yield
    }) : () -> ()
    %add3A_22 = arith.constant 768 : i32
    %add3A_23 = arith.addi %mul3A_4, %add3A_22 : i32
    "tpu.region"() ({
      %run_scoped3A_54 = tpu.sem_alloc : memref<!tpu.dma_semaphore, #tpu.memory_space<semaphore_mem>>
      %dma_start3A = arith.constant 0 : i32
      %dma_start3A_55 = tpu.memref_slice %arg2[%add3A_23, %dma_start3A] : memref<61440x128xf32, #tpu.memory_space<hbm>> -> memref<128x128xf32, #tpu.memory_space<hbm>>
      %dma_start3A_56 = arith.constant 0 : i32
      %dma_start3A_57 = tpu.memref_slice %arg2[%add3A_23, %dma_start3A_56] : memref<61440x128xf32, #tpu.memory_space<hbm>> -> memref<128x128xf32, #tpu.memory_space<hbm>>
      tpu.enqueue_dma source(%dma_start3A_57 : memref<128x128xf32, #tpu.memory_space<hbm>>) target(%arg7 : memref<128x128xf32, #tpu.memory_space<vmem>>) target_semaphore(%run_scoped3A_54 : memref<!tpu.dma_semaphore, #tpu.memory_space<semaphore_mem>>)
      %dma_wait3A = arith.constant 0 : i32
      %dma_wait3A_58 = tpu.memref_slice %arg2[%add3A_23, %dma_wait3A] : memref<61440x128xf32, #tpu.memory_space<hbm>> -> memref<128x128xf32, #tpu.memory_space<hbm>>
      %dma_wait3A_59 = arith.constant 0 : i32
      %dma_wait3A_60 = tpu.memref_slice %arg2[%add3A_23, %dma_wait3A_59] : memref<61440x128xf32, #tpu.memory_space<hbm>> -> memref<128x128xf32, #tpu.memory_space<hbm>>
      tpu.wait_dma2 semaphore(%run_scoped3A_54 : memref<!tpu.dma_semaphore, #tpu.memory_space<semaphore_mem>>) src(%dma_wait3A_60 : memref<128x128xf32, #tpu.memory_space<hbm>>) dst(%arg7 : memref<128x128xf32, #tpu.memory_space<vmem>>)
      tpu.yield
    }) : () -> ()
    %run_scoped3A_24 = arith.constant 6 : i32
    "tpu.region"() ({
      %run_scoped3A_54 = tpu.sem_alloc : memref<!tpu.dma_semaphore, #tpu.memory_space<semaphore_mem>>
      %dma_start3A = arith.constant 0 : i32
      %dma_start3A_55 = tpu.memref_slice %arg6[%run_scoped3A_24, %dma_start3A] : memref<15x128xi32, #tpu.memory_space<vmem>> -> memref<1x128xi32, #tpu.memory_space<vmem>>
      %dma_start3A_56 = tpu.memref_squeeze %dma_start3A_55 : memref<1x128xi32, #tpu.memory_space<vmem>> -> memref<128xi32, #tpu.memory_space<vmem>>
      %dma_start3A_57 = arith.constant 0 : i32
      %dma_start3A_58 = arith.constant 0 : i32
      %dma_start3A_59 = tpu.memref_slice %arg9[%dma_start3A_57, %dma_start3A_58] : memref<10112x128xf32, #tpu.memory_space<vmem_shared>> -> memref<10112x128xf32, #tpu.memory_space<vmem_shared>>
      tpu.enqueue_indirect_dma source(%arg7 : memref<128x128xf32, #tpu.memory_space<vmem>>) target(%dma_start3A_59 : memref<10112x128xf32, #tpu.memory_space<vmem_shared>>) offsets(%dma_start3A_56 : memref<128xi32, #tpu.memory_space<vmem>>) semaphore(%run_scoped3A_54 : memref<!tpu.dma_semaphore, #tpu.memory_space<semaphore_mem>>) {add = true}
      %dma_wait3A = arith.constant 0 : i32
      %dma_wait3A_60 = tpu.memref_slice %arg6[%run_scoped3A_24, %dma_wait3A] : memref<15x128xi32, #tpu.memory_space<vmem>> -> memref<1x128xi32, #tpu.memory_space<vmem>>
      %dma_wait3A_61 = tpu.memref_squeeze %dma_wait3A_60 : memref<1x128xi32, #tpu.memory_space<vmem>> -> memref<128xi32, #tpu.memory_space<vmem>>
      %dma_wait3A_62 = arith.constant 0 : i32
      %dma_wait3A_63 = arith.constant 0 : i32
      %dma_wait3A_64 = tpu.memref_slice %arg9[%dma_wait3A_62, %dma_wait3A_63] : memref<10112x128xf32, #tpu.memory_space<vmem_shared>> -> memref<10112x128xf32, #tpu.memory_space<vmem_shared>>
      tpu.wait_indirect_dma semaphore(%run_scoped3A_54 : memref<!tpu.dma_semaphore, #tpu.memory_space<semaphore_mem>>) src(%arg7 : memref<128x128xf32, #tpu.memory_space<vmem>>) dst(%dma_wait3A_64 : memref<10112x128xf32, #tpu.memory_space<vmem_shared>>)
      tpu.yield
    }) : () -> ()
    %add3A_25 = arith.constant 896 : i32
    %add3A_26 = arith.addi %mul3A_4, %add3A_25 : i32
    "tpu.region"() ({
      %run_scoped3A_54 = tpu.sem_alloc : memref<!tpu.dma_semaphore, #tpu.memory_space<semaphore_mem>>
      %dma_start3A = arith.constant 0 : i32
      %dma_start3A_55 = tpu.memref_slice %arg2[%add3A_26, %dma_start3A] : memref<61440x128xf32, #tpu.memory_space<hbm>> -> memref<128x128xf32, #tpu.memory_space<hbm>>
      %dma_start3A_56 = arith.constant 0 : i32
      %dma_start3A_57 = tpu.memref_slice %arg2[%add3A_26, %dma_start3A_56] : memref<61440x128xf32, #tpu.memory_space<hbm>> -> memref<128x128xf32, #tpu.memory_space<hbm>>
      tpu.enqueue_dma source(%dma_start3A_57 : memref<128x128xf32, #tpu.memory_space<hbm>>) target(%arg8 : memref<128x128xf32, #tpu.memory_space<vmem>>) target_semaphore(%run_scoped3A_54 : memref<!tpu.dma_semaphore, #tpu.memory_space<semaphore_mem>>)
      %dma_wait3A = arith.constant 0 : i32
      %dma_wait3A_58 = tpu.memref_slice %arg2[%add3A_26, %dma_wait3A] : memref<61440x128xf32, #tpu.memory_space<hbm>> -> memref<128x128xf32, #tpu.memory_space<hbm>>
      %dma_wait3A_59 = arith.constant 0 : i32
      %dma_wait3A_60 = tpu.memref_slice %arg2[%add3A_26, %dma_wait3A_59] : memref<61440x128xf32, #tpu.memory_space<hbm>> -> memref<128x128xf32, #tpu.memory_space<hbm>>
      tpu.wait_dma2 semaphore(%run_scoped3A_54 : memref<!tpu.dma_semaphore, #tpu.memory_space<semaphore_mem>>) src(%dma_wait3A_60 : memref<128x128xf32, #tpu.memory_space<hbm>>) dst(%arg8 : memref<128x128xf32, #tpu.memory_space<vmem>>)
      tpu.yield
    }) : () -> ()
    %run_scoped3A_27 = arith.constant 7 : i32
    "tpu.region"() ({
      %run_scoped3A_54 = tpu.sem_alloc : memref<!tpu.dma_semaphore, #tpu.memory_space<semaphore_mem>>
      %dma_start3A = arith.constant 0 : i32
      %dma_start3A_55 = tpu.memref_slice %arg6[%run_scoped3A_27, %dma_start3A] : memref<15x128xi32, #tpu.memory_space<vmem>> -> memref<1x128xi32, #tpu.memory_space<vmem>>
      %dma_start3A_56 = tpu.memref_squeeze %dma_start3A_55 : memref<1x128xi32, #tpu.memory_space<vmem>> -> memref<128xi32, #tpu.memory_space<vmem>>
      %dma_start3A_57 = arith.constant 0 : i32
      %dma_start3A_58 = arith.constant 0 : i32
      %dma_start3A_59 = tpu.memref_slice %arg9[%dma_start3A_57, %dma_start3A_58] : memref<10112x128xf32, #tpu.memory_space<vmem_shared>> -> memref<10112x128xf32, #tpu.memory_space<vmem_shared>>
      tpu.enqueue_indirect_dma source(%arg8 : memref<128x128xf32, #tpu.memory_space<vmem>>) target(%dma_start3A_59 : memref<10112x128xf32, #tpu.memory_space<vmem_shared>>) offsets(%dma_start3A_56 : memref<128xi32, #tpu.memory_space<vmem>>) semaphore(%run_scoped3A_54 : memref<!tpu.dma_semaphore, #tpu.memory_space<semaphore_mem>>) {add = true}
      %dma_wait3A = arith.constant 0 : i32
      %dma_wait3A_60 = tpu.memref_slice %arg6[%run_scoped3A_27, %dma_wait3A] : memref<15x128xi32, #tpu.memory_space<vmem>> -> memref<1x128xi32, #tpu.memory_space<vmem>>
      %dma_wait3A_61 = tpu.memref_squeeze %dma_wait3A_60 : memref<1x128xi32, #tpu.memory_space<vmem>> -> memref<128xi32, #tpu.memory_space<vmem>>
      %dma_wait3A_62 = arith.constant 0 : i32
      %dma_wait3A_63 = arith.constant 0 : i32
      %dma_wait3A_64 = tpu.memref_slice %arg9[%dma_wait3A_62, %dma_wait3A_63] : memref<10112x128xf32, #tpu.memory_space<vmem_shared>> -> memref<10112x128xf32, #tpu.memory_space<vmem_shared>>
      tpu.wait_indirect_dma semaphore(%run_scoped3A_54 : memref<!tpu.dma_semaphore, #tpu.memory_space<semaphore_mem>>) src(%arg8 : memref<128x128xf32, #tpu.memory_space<vmem>>) dst(%dma_wait3A_64 : memref<10112x128xf32, #tpu.memory_space<vmem_shared>>)
      tpu.yield
    }) : () -> ()
    %add3A_28 = arith.constant 1024 : i32
    %add3A_29 = arith.addi %mul3A_4, %add3A_28 : i32
    "tpu.region"() ({
      %run_scoped3A_54 = tpu.sem_alloc : memref<!tpu.dma_semaphore, #tpu.memory_space<semaphore_mem>>
      %dma_start3A = arith.constant 0 : i32
      %dma_start3A_55 = tpu.memref_slice %arg2[%add3A_29, %dma_start3A] : memref<61440x128xf32, #tpu.memory_space<hbm>> -> memref<128x128xf32, #tpu.memory_space<hbm>>
      %dma_start3A_56 = arith.constant 0 : i32
      %dma_start3A_57 = tpu.memref_slice %arg2[%add3A_29, %dma_start3A_56] : memref<61440x128xf32, #tpu.memory_space<hbm>> -> memref<128x128xf32, #tpu.memory_space<hbm>>
      tpu.enqueue_dma source(%dma_start3A_57 : memref<128x128xf32, #tpu.memory_space<hbm>>) target(%arg7 : memref<128x128xf32, #tpu.memory_space<vmem>>) target_semaphore(%run_scoped3A_54 : memref<!tpu.dma_semaphore, #tpu.memory_space<semaphore_mem>>)
      %dma_wait3A = arith.constant 0 : i32
      %dma_wait3A_58 = tpu.memref_slice %arg2[%add3A_29, %dma_wait3A] : memref<61440x128xf32, #tpu.memory_space<hbm>> -> memref<128x128xf32, #tpu.memory_space<hbm>>
      %dma_wait3A_59 = arith.constant 0 : i32
      %dma_wait3A_60 = tpu.memref_slice %arg2[%add3A_29, %dma_wait3A_59] : memref<61440x128xf32, #tpu.memory_space<hbm>> -> memref<128x128xf32, #tpu.memory_space<hbm>>
      tpu.wait_dma2 semaphore(%run_scoped3A_54 : memref<!tpu.dma_semaphore, #tpu.memory_space<semaphore_mem>>) src(%dma_wait3A_60 : memref<128x128xf32, #tpu.memory_space<hbm>>) dst(%arg7 : memref<128x128xf32, #tpu.memory_space<vmem>>)
      tpu.yield
    }) : () -> ()
    %run_scoped3A_30 = arith.constant 8 : i32
    "tpu.region"() ({
      %run_scoped3A_54 = tpu.sem_alloc : memref<!tpu.dma_semaphore, #tpu.memory_space<semaphore_mem>>
      %dma_start3A = arith.constant 0 : i32
      %dma_start3A_55 = tpu.memref_slice %arg6[%run_scoped3A_30, %dma_start3A] : memref<15x128xi32, #tpu.memory_space<vmem>> -> memref<1x128xi32, #tpu.memory_space<vmem>>
      %dma_start3A_56 = tpu.memref_squeeze %dma_start3A_55 : memref<1x128xi32, #tpu.memory_space<vmem>> -> memref<128xi32, #tpu.memory_space<vmem>>
      %dma_start3A_57 = arith.constant 0 : i32
      %dma_start3A_58 = arith.constant 0 : i32
      %dma_start3A_59 = tpu.memref_slice %arg9[%dma_start3A_57, %dma_start3A_58] : memref<10112x128xf32, #tpu.memory_space<vmem_shared>> -> memref<10112x128xf32, #tpu.memory_space<vmem_shared>>
      tpu.enqueue_indirect_dma source(%arg7 : memref<128x128xf32, #tpu.memory_space<vmem>>) target(%dma_start3A_59 : memref<10112x128xf32, #tpu.memory_space<vmem_shared>>) offsets(%dma_start3A_56 : memref<128xi32, #tpu.memory_space<vmem>>) semaphore(%run_scoped3A_54 : memref<!tpu.dma_semaphore, #tpu.memory_space<semaphore_mem>>) {add = true}
      %dma_wait3A = arith.constant 0 : i32
      %dma_wait3A_60 = tpu.memref_slice %arg6[%run_scoped3A_30, %dma_wait3A] : memref<15x128xi32, #tpu.memory_space<vmem>> -> memref<1x128xi32, #tpu.memory_space<vmem>>
      %dma_wait3A_61 = tpu.memref_squeeze %dma_wait3A_60 : memref<1x128xi32, #tpu.memory_space<vmem>> -> memref<128xi32, #tpu.memory_space<vmem>>
      %dma_wait3A_62 = arith.constant 0 : i32
      %dma_wait3A_63 = arith.constant 0 : i32
      %dma_wait3A_64 = tpu.memref_slice %arg9[%dma_wait3A_62, %dma_wait3A_63] : memref<10112x128xf32, #tpu.memory_space<vmem_shared>> -> memref<10112x128xf32, #tpu.memory_space<vmem_shared>>
      tpu.wait_indirect_dma semaphore(%run_scoped3A_54 : memref<!tpu.dma_semaphore, #tpu.memory_space<semaphore_mem>>) src(%arg7 : memref<128x128xf32, #tpu.memory_space<vmem>>) dst(%dma_wait3A_64 : memref<10112x128xf32, #tpu.memory_space<vmem_shared>>)
      tpu.yield
    }) : () -> ()
    %add3A_31 = arith.constant 1152 : i32
    %add3A_32 = arith.addi %mul3A_4, %add3A_31 : i32
    "tpu.region"() ({
      %run_scoped3A_54 = tpu.sem_alloc : memref<!tpu.dma_semaphore, #tpu.memory_space<semaphore_mem>>
      %dma_start3A = arith.constant 0 : i32
      %dma_start3A_55 = tpu.memref_slice %arg2[%add3A_32, %dma_start3A] : memref<61440x128xf32, #tpu.memory_space<hbm>> -> memref<128x128xf32, #tpu.memory_space<hbm>>
      %dma_start3A_56 = arith.constant 0 : i32
      %dma_start3A_57 = tpu.memref_slice %arg2[%add3A_32, %dma_start3A_56] : memref<61440x128xf32, #tpu.memory_space<hbm>> -> memref<128x128xf32, #tpu.memory_space<hbm>>
      tpu.enqueue_dma source(%dma_start3A_57 : memref<128x128xf32, #tpu.memory_space<hbm>>) target(%arg8 : memref<128x128xf32, #tpu.memory_space<vmem>>) target_semaphore(%run_scoped3A_54 : memref<!tpu.dma_semaphore, #tpu.memory_space<semaphore_mem>>)
      %dma_wait3A = arith.constant 0 : i32
      %dma_wait3A_58 = tpu.memref_slice %arg2[%add3A_32, %dma_wait3A] : memref<61440x128xf32, #tpu.memory_space<hbm>> -> memref<128x128xf32, #tpu.memory_space<hbm>>
      %dma_wait3A_59 = arith.constant 0 : i32
      %dma_wait3A_60 = tpu.memref_slice %arg2[%add3A_32, %dma_wait3A_59] : memref<61440x128xf32, #tpu.memory_space<hbm>> -> memref<128x128xf32, #tpu.memory_space<hbm>>
      tpu.wait_dma2 semaphore(%run_scoped3A_54 : memref<!tpu.dma_semaphore, #tpu.memory_space<semaphore_mem>>) src(%dma_wait3A_60 : memref<128x128xf32, #tpu.memory_space<hbm>>) dst(%arg8 : memref<128x128xf32, #tpu.memory_space<vmem>>)
      tpu.yield
    }) : () -> ()
    %run_scoped3A_33 = arith.constant 9 : i32
    "tpu.region"() ({
      %run_scoped3A_54 = tpu.sem_alloc : memref<!tpu.dma_semaphore, #tpu.memory_space<semaphore_mem>>
      %dma_start3A = arith.constant 0 : i32
      %dma_start3A_55 = tpu.memref_slice %arg6[%run_scoped3A_33, %dma_start3A] : memref<15x128xi32, #tpu.memory_space<vmem>> -> memref<1x128xi32, #tpu.memory_space<vmem>>
      %dma_start3A_56 = tpu.memref_squeeze %dma_start3A_55 : memref<1x128xi32, #tpu.memory_space<vmem>> -> memref<128xi32, #tpu.memory_space<vmem>>
      %dma_start3A_57 = arith.constant 0 : i32
      %dma_start3A_58 = arith.constant 0 : i32
      %dma_start3A_59 = tpu.memref_slice %arg9[%dma_start3A_57, %dma_start3A_58] : memref<10112x128xf32, #tpu.memory_space<vmem_shared>> -> memref<10112x128xf32, #tpu.memory_space<vmem_shared>>
      tpu.enqueue_indirect_dma source(%arg8 : memref<128x128xf32, #tpu.memory_space<vmem>>) target(%dma_start3A_59 : memref<10112x128xf32, #tpu.memory_space<vmem_shared>>) offsets(%dma_start3A_56 : memref<128xi32, #tpu.memory_space<vmem>>) semaphore(%run_scoped3A_54 : memref<!tpu.dma_semaphore, #tpu.memory_space<semaphore_mem>>) {add = true}
      %dma_wait3A = arith.constant 0 : i32
      %dma_wait3A_60 = tpu.memref_slice %arg6[%run_scoped3A_33, %dma_wait3A] : memref<15x128xi32, #tpu.memory_space<vmem>> -> memref<1x128xi32, #tpu.memory_space<vmem>>
      %dma_wait3A_61 = tpu.memref_squeeze %dma_wait3A_60 : memref<1x128xi32, #tpu.memory_space<vmem>> -> memref<128xi32, #tpu.memory_space<vmem>>
      %dma_wait3A_62 = arith.constant 0 : i32
      %dma_wait3A_63 = arith.constant 0 : i32
      %dma_wait3A_64 = tpu.memref_slice %arg9[%dma_wait3A_62, %dma_wait3A_63] : memref<10112x128xf32, #tpu.memory_space<vmem_shared>> -> memref<10112x128xf32, #tpu.memory_space<vmem_shared>>
      tpu.wait_indirect_dma semaphore(%run_scoped3A_54 : memref<!tpu.dma_semaphore, #tpu.memory_space<semaphore_mem>>) src(%arg8 : memref<128x128xf32, #tpu.memory_space<vmem>>) dst(%dma_wait3A_64 : memref<10112x128xf32, #tpu.memory_space<vmem_shared>>)
      tpu.yield
    }) : () -> ()
    %add3A_34 = arith.constant 1280 : i32
    %add3A_35 = arith.addi %mul3A_4, %add3A_34 : i32
    "tpu.region"() ({
      %run_scoped3A_54 = tpu.sem_alloc : memref<!tpu.dma_semaphore, #tpu.memory_space<semaphore_mem>>
      %dma_start3A = arith.constant 0 : i32
      %dma_start3A_55 = tpu.memref_slice %arg2[%add3A_35, %dma_start3A] : memref<61440x128xf32, #tpu.memory_space<hbm>> -> memref<128x128xf32, #tpu.memory_space<hbm>>
      %dma_start3A_56 = arith.constant 0 : i32
      %dma_start3A_57 = tpu.memref_slice %arg2[%add3A_35, %dma_start3A_56] : memref<61440x128xf32, #tpu.memory_space<hbm>> -> memref<128x128xf32, #tpu.memory_space<hbm>>
      tpu.enqueue_dma source(%dma_start3A_57 : memref<128x128xf32, #tpu.memory_space<hbm>>) target(%arg7 : memref<128x128xf32, #tpu.memory_space<vmem>>) target_semaphore(%run_scoped3A_54 : memref<!tpu.dma_semaphore, #tpu.memory_space<semaphore_mem>>)
      %dma_wait3A = arith.constant 0 : i32
      %dma_wait3A_58 = tpu.memref_slice %arg2[%add3A_35, %dma_wait3A] : memref<61440x128xf32, #tpu.memory_space<hbm>> -> memref<128x128xf32, #tpu.memory_space<hbm>>
      %dma_wait3A_59 = arith.constant 0 : i32
      %dma_wait3A_60 = tpu.memref_slice %arg2[%add3A_35, %dma_wait3A_59] : memref<61440x128xf32, #tpu.memory_space<hbm>> -> memref<128x128xf32, #tpu.memory_space<hbm>>
      tpu.wait_dma2 semaphore(%run_scoped3A_54 : memref<!tpu.dma_semaphore, #tpu.memory_space<semaphore_mem>>) src(%dma_wait3A_60 : memref<128x128xf32, #tpu.memory_space<hbm>>) dst(%arg7 : memref<128x128xf32, #tpu.memory_space<vmem>>)
      tpu.yield
    }) : () -> ()
    %run_scoped3A_36 = arith.constant 10 : i32
    "tpu.region"() ({
      %run_scoped3A_54 = tpu.sem_alloc : memref<!tpu.dma_semaphore, #tpu.memory_space<semaphore_mem>>
      %dma_start3A = arith.constant 0 : i32
      %dma_start3A_55 = tpu.memref_slice %arg6[%run_scoped3A_36, %dma_start3A] : memref<15x128xi32, #tpu.memory_space<vmem>> -> memref<1x128xi32, #tpu.memory_space<vmem>>
      %dma_start3A_56 = tpu.memref_squeeze %dma_start3A_55 : memref<1x128xi32, #tpu.memory_space<vmem>> -> memref<128xi32, #tpu.memory_space<vmem>>
      %dma_start3A_57 = arith.constant 0 : i32
      %dma_start3A_58 = arith.constant 0 : i32
      %dma_start3A_59 = tpu.memref_slice %arg9[%dma_start3A_57, %dma_start3A_58] : memref<10112x128xf32, #tpu.memory_space<vmem_shared>> -> memref<10112x128xf32, #tpu.memory_space<vmem_shared>>
      tpu.enqueue_indirect_dma source(%arg7 : memref<128x128xf32, #tpu.memory_space<vmem>>) target(%dma_start3A_59 : memref<10112x128xf32, #tpu.memory_space<vmem_shared>>) offsets(%dma_start3A_56 : memref<128xi32, #tpu.memory_space<vmem>>) semaphore(%run_scoped3A_54 : memref<!tpu.dma_semaphore, #tpu.memory_space<semaphore_mem>>) {add = true}
      %dma_wait3A = arith.constant 0 : i32
      %dma_wait3A_60 = tpu.memref_slice %arg6[%run_scoped3A_36, %dma_wait3A] : memref<15x128xi32, #tpu.memory_space<vmem>> -> memref<1x128xi32, #tpu.memory_space<vmem>>
      %dma_wait3A_61 = tpu.memref_squeeze %dma_wait3A_60 : memref<1x128xi32, #tpu.memory_space<vmem>> -> memref<128xi32, #tpu.memory_space<vmem>>
      %dma_wait3A_62 = arith.constant 0 : i32
      %dma_wait3A_63 = arith.constant 0 : i32
      %dma_wait3A_64 = tpu.memref_slice %arg9[%dma_wait3A_62, %dma_wait3A_63] : memref<10112x128xf32, #tpu.memory_space<vmem_shared>> -> memref<10112x128xf32, #tpu.memory_space<vmem_shared>>
      tpu.wait_indirect_dma semaphore(%run_scoped3A_54 : memref<!tpu.dma_semaphore, #tpu.memory_space<semaphore_mem>>) src(%arg7 : memref<128x128xf32, #tpu.memory_space<vmem>>) dst(%dma_wait3A_64 : memref<10112x128xf32, #tpu.memory_space<vmem_shared>>)
      tpu.yield
    }) : () -> ()
    %add3A_37 = arith.constant 1408 : i32
    %add3A_38 = arith.addi %mul3A_4, %add3A_37 : i32
    "tpu.region"() ({
      %run_scoped3A_54 = tpu.sem_alloc : memref<!tpu.dma_semaphore, #tpu.memory_space<semaphore_mem>>
      %dma_start3A = arith.constant 0 : i32
      %dma_start3A_55 = tpu.memref_slice %arg2[%add3A_38, %dma_start3A] : memref<61440x128xf32, #tpu.memory_space<hbm>> -> memref<128x128xf32, #tpu.memory_space<hbm>>
      %dma_start3A_56 = arith.constant 0 : i32
      %dma_start3A_57 = tpu.memref_slice %arg2[%add3A_38, %dma_start3A_56] : memref<61440x128xf32, #tpu.memory_space<hbm>> -> memref<128x128xf32, #tpu.memory_space<hbm>>
      tpu.enqueue_dma source(%dma_start3A_57 : memref<128x128xf32, #tpu.memory_space<hbm>>) target(%arg8 : memref<128x128xf32, #tpu.memory_space<vmem>>) target_semaphore(%run_scoped3A_54 : memref<!tpu.dma_semaphore, #tpu.memory_space<semaphore_mem>>)
      %dma_wait3A = arith.constant 0 : i32
      %dma_wait3A_58 = tpu.memref_slice %arg2[%add3A_38, %dma_wait3A] : memref<61440x128xf32, #tpu.memory_space<hbm>> -> memref<128x128xf32, #tpu.memory_space<hbm>>
      %dma_wait3A_59 = arith.constant 0 : i32
      %dma_wait3A_60 = tpu.memref_slice %arg2[%add3A_38, %dma_wait3A_59] : memref<61440x128xf32, #tpu.memory_space<hbm>> -> memref<128x128xf32, #tpu.memory_space<hbm>>
      tpu.wait_dma2 semaphore(%run_scoped3A_54 : memref<!tpu.dma_semaphore, #tpu.memory_space<semaphore_mem>>) src(%dma_wait3A_60 : memref<128x128xf32, #tpu.memory_space<hbm>>) dst(%arg8 : memref<128x128xf32, #tpu.memory_space<vmem>>)
      tpu.yield
    }) : () -> ()
    %run_scoped3A_39 = arith.constant 11 : i32
    "tpu.region"() ({
      %run_scoped3A_54 = tpu.sem_alloc : memref<!tpu.dma_semaphore, #tpu.memory_space<semaphore_mem>>
      %dma_start3A = arith.constant 0 : i32
      %dma_start3A_55 = tpu.memref_slice %arg6[%run_scoped3A_39, %dma_start3A] : memref<15x128xi32, #tpu.memory_space<vmem>> -> memref<1x128xi32, #tpu.memory_space<vmem>>
      %dma_start3A_56 = tpu.memref_squeeze %dma_start3A_55 : memref<1x128xi32, #tpu.memory_space<vmem>> -> memref<128xi32, #tpu.memory_space<vmem>>
      %dma_start3A_57 = arith.constant 0 : i32
      %dma_start3A_58 = arith.constant 0 : i32
      %dma_start3A_59 = tpu.memref_slice %arg9[%dma_start3A_57, %dma_start3A_58] : memref<10112x128xf32, #tpu.memory_space<vmem_shared>> -> memref<10112x128xf32, #tpu.memory_space<vmem_shared>>
      tpu.enqueue_indirect_dma source(%arg8 : memref<128x128xf32, #tpu.memory_space<vmem>>) target(%dma_start3A_59 : memref<10112x128xf32, #tpu.memory_space<vmem_shared>>) offsets(%dma_start3A_56 : memref<128xi32, #tpu.memory_space<vmem>>) semaphore(%run_scoped3A_54 : memref<!tpu.dma_semaphore, #tpu.memory_space<semaphore_mem>>) {add = true}
      %dma_wait3A = arith.constant 0 : i32
      %dma_wait3A_60 = tpu.memref_slice %arg6[%run_scoped3A_39, %dma_wait3A] : memref<15x128xi32, #tpu.memory_space<vmem>> -> memref<1x128xi32, #tpu.memory_space<vmem>>
      %dma_wait3A_61 = tpu.memref_squeeze %dma_wait3A_60 : memref<1x128xi32, #tpu.memory_space<vmem>> -> memref<128xi32, #tpu.memory_space<vmem>>
      %dma_wait3A_62 = arith.constant 0 : i32
      %dma_wait3A_63 = arith.constant 0 : i32
      %dma_wait3A_64 = tpu.memref_slice %arg9[%dma_wait3A_62, %dma_wait3A_63] : memref<10112x128xf32, #tpu.memory_space<vmem_shared>> -> memref<10112x128xf32, #tpu.memory_space<vmem_shared>>
      tpu.wait_indirect_dma semaphore(%run_scoped3A_54 : memref<!tpu.dma_semaphore, #tpu.memory_space<semaphore_mem>>) src(%arg8 : memref<128x128xf32, #tpu.memory_space<vmem>>) dst(%dma_wait3A_64 : memref<10112x128xf32, #tpu.memory_space<vmem_shared>>)
      tpu.yield
    }) : () -> ()
    %add3A_40 = arith.constant 1536 : i32
    %add3A_41 = arith.addi %mul3A_4, %add3A_40 : i32
    "tpu.region"() ({
      %run_scoped3A_54 = tpu.sem_alloc : memref<!tpu.dma_semaphore, #tpu.memory_space<semaphore_mem>>
      %dma_start3A = arith.constant 0 : i32
      %dma_start3A_55 = tpu.memref_slice %arg2[%add3A_41, %dma_start3A] : memref<61440x128xf32, #tpu.memory_space<hbm>> -> memref<128x128xf32, #tpu.memory_space<hbm>>
      %dma_start3A_56 = arith.constant 0 : i32
      %dma_start3A_57 = tpu.memref_slice %arg2[%add3A_41, %dma_start3A_56] : memref<61440x128xf32, #tpu.memory_space<hbm>> -> memref<128x128xf32, #tpu.memory_space<hbm>>
      tpu.enqueue_dma source(%dma_start3A_57 : memref<128x128xf32, #tpu.memory_space<hbm>>) target(%arg7 : memref<128x128xf32, #tpu.memory_space<vmem>>) target_semaphore(%run_scoped3A_54 : memref<!tpu.dma_semaphore, #tpu.memory_space<semaphore_mem>>)
      %dma_wait3A = arith.constant 0 : i32
      %dma_wait3A_58 = tpu.memref_slice %arg2[%add3A_41, %dma_wait3A] : memref<61440x128xf32, #tpu.memory_space<hbm>> -> memref<128x128xf32, #tpu.memory_space<hbm>>
      %dma_wait3A_59 = arith.constant 0 : i32
      %dma_wait3A_60 = tpu.memref_slice %arg2[%add3A_41, %dma_wait3A_59] : memref<61440x128xf32, #tpu.memory_space<hbm>> -> memref<128x128xf32, #tpu.memory_space<hbm>>
      tpu.wait_dma2 semaphore(%run_scoped3A_54 : memref<!tpu.dma_semaphore, #tpu.memory_space<semaphore_mem>>) src(%dma_wait3A_60 : memref<128x128xf32, #tpu.memory_space<hbm>>) dst(%arg7 : memref<128x128xf32, #tpu.memory_space<vmem>>)
      tpu.yield
    }) : () -> ()
    %run_scoped3A_42 = arith.constant 12 : i32
    "tpu.region"() ({
      %run_scoped3A_54 = tpu.sem_alloc : memref<!tpu.dma_semaphore, #tpu.memory_space<semaphore_mem>>
      %dma_start3A = arith.constant 0 : i32
      %dma_start3A_55 = tpu.memref_slice %arg6[%run_scoped3A_42, %dma_start3A] : memref<15x128xi32, #tpu.memory_space<vmem>> -> memref<1x128xi32, #tpu.memory_space<vmem>>
      %dma_start3A_56 = tpu.memref_squeeze %dma_start3A_55 : memref<1x128xi32, #tpu.memory_space<vmem>> -> memref<128xi32, #tpu.memory_space<vmem>>
      %dma_start3A_57 = arith.constant 0 : i32
      %dma_start3A_58 = arith.constant 0 : i32
      %dma_start3A_59 = tpu.memref_slice %arg9[%dma_start3A_57, %dma_start3A_58] : memref<10112x128xf32, #tpu.memory_space<vmem_shared>> -> memref<10112x128xf32, #tpu.memory_space<vmem_shared>>
      tpu.enqueue_indirect_dma source(%arg7 : memref<128x128xf32, #tpu.memory_space<vmem>>) target(%dma_start3A_59 : memref<10112x128xf32, #tpu.memory_space<vmem_shared>>) offsets(%dma_start3A_56 : memref<128xi32, #tpu.memory_space<vmem>>) semaphore(%run_scoped3A_54 : memref<!tpu.dma_semaphore, #tpu.memory_space<semaphore_mem>>) {add = true}
      %dma_wait3A = arith.constant 0 : i32
      %dma_wait3A_60 = tpu.memref_slice %arg6[%run_scoped3A_42, %dma_wait3A] : memref<15x128xi32, #tpu.memory_space<vmem>> -> memref<1x128xi32, #tpu.memory_space<vmem>>
      %dma_wait3A_61 = tpu.memref_squeeze %dma_wait3A_60 : memref<1x128xi32, #tpu.memory_space<vmem>> -> memref<128xi32, #tpu.memory_space<vmem>>
      %dma_wait3A_62 = arith.constant 0 : i32
      %dma_wait3A_63 = arith.constant 0 : i32
      %dma_wait3A_64 = tpu.memref_slice %arg9[%dma_wait3A_62, %dma_wait3A_63] : memref<10112x128xf32, #tpu.memory_space<vmem_shared>> -> memref<10112x128xf32, #tpu.memory_space<vmem_shared>>
      tpu.wait_indirect_dma semaphore(%run_scoped3A_54 : memref<!tpu.dma_semaphore, #tpu.memory_space<semaphore_mem>>) src(%arg7 : memref<128x128xf32, #tpu.memory_space<vmem>>) dst(%dma_wait3A_64 : memref<10112x128xf32, #tpu.memory_space<vmem_shared>>)
      tpu.yield
    }) : () -> ()
    %add3A_43 = arith.constant 1664 : i32
    %add3A_44 = arith.addi %mul3A_4, %add3A_43 : i32
    "tpu.region"() ({
      %run_scoped3A_54 = tpu.sem_alloc : memref<!tpu.dma_semaphore, #tpu.memory_space<semaphore_mem>>
      %dma_start3A = arith.constant 0 : i32
      %dma_start3A_55 = tpu.memref_slice %arg2[%add3A_44, %dma_start3A] : memref<61440x128xf32, #tpu.memory_space<hbm>> -> memref<128x128xf32, #tpu.memory_space<hbm>>
      %dma_start3A_56 = arith.constant 0 : i32
      %dma_start3A_57 = tpu.memref_slice %arg2[%add3A_44, %dma_start3A_56] : memref<61440x128xf32, #tpu.memory_space<hbm>> -> memref<128x128xf32, #tpu.memory_space<hbm>>
      tpu.enqueue_dma source(%dma_start3A_57 : memref<128x128xf32, #tpu.memory_space<hbm>>) target(%arg8 : memref<128x128xf32, #tpu.memory_space<vmem>>) target_semaphore(%run_scoped3A_54 : memref<!tpu.dma_semaphore, #tpu.memory_space<semaphore_mem>>)
      %dma_wait3A = arith.constant 0 : i32
      %dma_wait3A_58 = tpu.memref_slice %arg2[%add3A_44, %dma_wait3A] : memref<61440x128xf32, #tpu.memory_space<hbm>> -> memref<128x128xf32, #tpu.memory_space<hbm>>
      %dma_wait3A_59 = arith.constant 0 : i32
      %dma_wait3A_60 = tpu.memref_slice %arg2[%add3A_44, %dma_wait3A_59] : memref<61440x128xf32, #tpu.memory_space<hbm>> -> memref<128x128xf32, #tpu.memory_space<hbm>>
      tpu.wait_dma2 semaphore(%run_scoped3A_54 : memref<!tpu.dma_semaphore, #tpu.memory_space<semaphore_mem>>) src(%dma_wait3A_60 : memref<128x128xf32, #tpu.memory_space<hbm>>) dst(%arg8 : memref<128x128xf32, #tpu.memory_space<vmem>>)
      tpu.yield
    }) : () -> ()
    %run_scoped3A_45 = arith.constant 13 : i32
    "tpu.region"() ({
      %run_scoped3A_54 = tpu.sem_alloc : memref<!tpu.dma_semaphore, #tpu.memory_space<semaphore_mem>>
      %dma_start3A = arith.constant 0 : i32
      %dma_start3A_55 = tpu.memref_slice %arg6[%run_scoped3A_45, %dma_start3A] : memref<15x128xi32, #tpu.memory_space<vmem>> -> memref<1x128xi32, #tpu.memory_space<vmem>>
      %dma_start3A_56 = tpu.memref_squeeze %dma_start3A_55 : memref<1x128xi32, #tpu.memory_space<vmem>> -> memref<128xi32, #tpu.memory_space<vmem>>
      %dma_start3A_57 = arith.constant 0 : i32
      %dma_start3A_58 = arith.constant 0 : i32
      %dma_start3A_59 = tpu.memref_slice %arg9[%dma_start3A_57, %dma_start3A_58] : memref<10112x128xf32, #tpu.memory_space<vmem_shared>> -> memref<10112x128xf32, #tpu.memory_space<vmem_shared>>
      tpu.enqueue_indirect_dma source(%arg8 : memref<128x128xf32, #tpu.memory_space<vmem>>) target(%dma_start3A_59 : memref<10112x128xf32, #tpu.memory_space<vmem_shared>>) offsets(%dma_start3A_56 : memref<128xi32, #tpu.memory_space<vmem>>) semaphore(%run_scoped3A_54 : memref<!tpu.dma_semaphore, #tpu.memory_space<semaphore_mem>>) {add = true}
      %dma_wait3A = arith.constant 0 : i32
      %dma_wait3A_60 = tpu.memref_slice %arg6[%run_scoped3A_45, %dma_wait3A] : memref<15x128xi32, #tpu.memory_space<vmem>> -> memref<1x128xi32, #tpu.memory_space<vmem>>
      %dma_wait3A_61 = tpu.memref_squeeze %dma_wait3A_60 : memref<1x128xi32, #tpu.memory_space<vmem>> -> memref<128xi32, #tpu.memory_space<vmem>>
      %dma_wait3A_62 = arith.constant 0 : i32
      %dma_wait3A_63 = arith.constant 0 : i32
      %dma_wait3A_64 = tpu.memref_slice %arg9[%dma_wait3A_62, %dma_wait3A_63] : memref<10112x128xf32, #tpu.memory_space<vmem_shared>> -> memref<10112x128xf32, #tpu.memory_space<vmem_shared>>
      tpu.wait_indirect_dma semaphore(%run_scoped3A_54 : memref<!tpu.dma_semaphore, #tpu.memory_space<semaphore_mem>>) src(%arg8 : memref<128x128xf32, #tpu.memory_space<vmem>>) dst(%dma_wait3A_64 : memref<10112x128xf32, #tpu.memory_space<vmem_shared>>)
      tpu.yield
    }) : () -> ()
    %add3A_46 = arith.constant 1792 : i32
    %add3A_47 = arith.addi %mul3A_4, %add3A_46 : i32
    "tpu.region"() ({
      %run_scoped3A_54 = tpu.sem_alloc : memref<!tpu.dma_semaphore, #tpu.memory_space<semaphore_mem>>
      %dma_start3A = arith.constant 0 : i32
      %dma_start3A_55 = tpu.memref_slice %arg2[%add3A_47, %dma_start3A] : memref<61440x128xf32, #tpu.memory_space<hbm>> -> memref<128x128xf32, #tpu.memory_space<hbm>>
      %dma_start3A_56 = arith.constant 0 : i32
      %dma_start3A_57 = tpu.memref_slice %arg2[%add3A_47, %dma_start3A_56] : memref<61440x128xf32, #tpu.memory_space<hbm>> -> memref<128x128xf32, #tpu.memory_space<hbm>>
      tpu.enqueue_dma source(%dma_start3A_57 : memref<128x128xf32, #tpu.memory_space<hbm>>) target(%arg7 : memref<128x128xf32, #tpu.memory_space<vmem>>) target_semaphore(%run_scoped3A_54 : memref<!tpu.dma_semaphore, #tpu.memory_space<semaphore_mem>>)
      %dma_wait3A = arith.constant 0 : i32
      %dma_wait3A_58 = tpu.memref_slice %arg2[%add3A_47, %dma_wait3A] : memref<61440x128xf32, #tpu.memory_space<hbm>> -> memref<128x128xf32, #tpu.memory_space<hbm>>
      %dma_wait3A_59 = arith.constant 0 : i32
      %dma_wait3A_60 = tpu.memref_slice %arg2[%add3A_47, %dma_wait3A_59] : memref<61440x128xf32, #tpu.memory_space<hbm>> -> memref<128x128xf32, #tpu.memory_space<hbm>>
      tpu.wait_dma2 semaphore(%run_scoped3A_54 : memref<!tpu.dma_semaphore, #tpu.memory_space<semaphore_mem>>) src(%dma_wait3A_60 : memref<128x128xf32, #tpu.memory_space<hbm>>) dst(%arg7 : memref<128x128xf32, #tpu.memory_space<vmem>>)
      tpu.yield
    }) : () -> ()
    %run_scoped3A_48 = arith.constant 14 : i32
    "tpu.region"() ({
      %run_scoped3A_54 = tpu.sem_alloc : memref<!tpu.dma_semaphore, #tpu.memory_space<semaphore_mem>>
      %dma_start3A = arith.constant 0 : i32
      %dma_start3A_55 = tpu.memref_slice %arg6[%run_scoped3A_48, %dma_start3A] : memref<15x128xi32, #tpu.memory_space<vmem>> -> memref<1x128xi32, #tpu.memory_space<vmem>>
      %dma_start3A_56 = tpu.memref_squeeze %dma_start3A_55 : memref<1x128xi32, #tpu.memory_space<vmem>> -> memref<128xi32, #tpu.memory_space<vmem>>
      %dma_start3A_57 = arith.constant 0 : i32
      %dma_start3A_58 = arith.constant 0 : i32
      %dma_start3A_59 = tpu.memref_slice %arg9[%dma_start3A_57, %dma_start3A_58] : memref<10112x128xf32, #tpu.memory_space<vmem_shared>> -> memref<10112x128xf32, #tpu.memory_space<vmem_shared>>
      tpu.enqueue_indirect_dma source(%arg7 : memref<128x128xf32, #tpu.memory_space<vmem>>) target(%dma_start3A_59 : memref<10112x128xf32, #tpu.memory_space<vmem_shared>>) offsets(%dma_start3A_56 : memref<128xi32, #tpu.memory_space<vmem>>) semaphore(%run_scoped3A_54 : memref<!tpu.dma_semaphore, #tpu.memory_space<semaphore_mem>>) {add = true}
      %dma_wait3A = arith.constant 0 : i32
      %dma_wait3A_60 = tpu.memref_slice %arg6[%run_scoped3A_48, %dma_wait3A] : memref<15x128xi32, #tpu.memory_space<vmem>> -> memref<1x128xi32, #tpu.memory_space<vmem>>
      %dma_wait3A_61 = tpu.memref_squeeze %dma_wait3A_60 : memref<1x128xi32, #tpu.memory_space<vmem>> -> memref<128xi32, #tpu.memory_space<vmem>>
      %dma_wait3A_62 = arith.constant 0 : i32
      %dma_wait3A_63 = arith.constant 0 : i32
      %dma_wait3A_64 = tpu.memref_slice %arg9[%dma_wait3A_62, %dma_wait3A_63] : memref<10112x128xf32, #tpu.memory_space<vmem_shared>> -> memref<10112x128xf32, #tpu.memory_space<vmem_shared>>
      tpu.wait_indirect_dma semaphore(%run_scoped3A_54 : memref<!tpu.dma_semaphore, #tpu.memory_space<semaphore_mem>>) src(%arg7 : memref<128x128xf32, #tpu.memory_space<vmem>>) dst(%dma_wait3A_64 : memref<10112x128xf32, #tpu.memory_space<vmem_shared>>)
      tpu.yield
    }) : () -> ()
    %barrier3A_49 = arith.constant 0 : index
    tpu.barrier barrier_id(%barrier3A_49)
    %mul3A_50 = arith.constant 632 : i32
    %mul3A_51 = arith.muli %arg1, %mul3A_50 : i32
    %mul3A_52 = arith.constant 632 : i32
    %mul3A_53 = arith.muli %arg1, %mul3A_52 : i32
    "tpu.region"() ({
      %run_scoped3A_54 = tpu.sem_alloc : memref<!tpu.dma_semaphore, #tpu.memory_space<semaphore_mem>>
      %dma_start3A = arith.constant 0 : i32
      %dma_start3A_55 = tpu.memref_slice %arg5[%arg0, %mul3A_53, %dma_start3A] : memref<2x10112x128xf32, #tpu.memory_space<hbm>> -> memref<1x632x128xf32, #tpu.memory_space<hbm>>
      %dma_start3A_56 = tpu.memref_squeeze %dma_start3A_55 : memref<1x632x128xf32, #tpu.memory_space<hbm>> -> memref<632x128xf32, #tpu.memory_space<hbm>>
      %dma_start3A_57 = arith.constant 0 : i32
      %dma_start3A_58 = tpu.memref_slice %arg9[%mul3A_51, %dma_start3A_57] : memref<10112x128xf32, #tpu.memory_space<vmem_shared>> -> memref<632x128xf32, #tpu.memory_space<vmem_shared>>
      tpu.enqueue_dma source(%dma_start3A_58 : memref<632x128xf32, #tpu.memory_space<vmem_shared>>) target(%dma_start3A_56 : memref<632x128xf32, #tpu.memory_space<hbm>>) target_semaphore(%run_scoped3A_54 : memref<!tpu.dma_semaphore, #tpu.memory_space<semaphore_mem>>)
      %dma_wait3A = arith.constant 0 : i32
      %dma_wait3A_59 = tpu.memref_slice %arg5[%arg0, %mul3A_53, %dma_wait3A] : memref<2x10112x128xf32, #tpu.memory_space<hbm>> -> memref<1x632x128xf32, #tpu.memory_space<hbm>>
      %dma_wait3A_60 = tpu.memref_squeeze %dma_wait3A_59 : memref<1x632x128xf32, #tpu.memory_space<hbm>> -> memref<632x128xf32, #tpu.memory_space<hbm>>
      %dma_wait3A_61 = arith.constant 0 : i32
      %dma_wait3A_62 = tpu.memref_slice %arg9[%mul3A_51, %dma_wait3A_61] : memref<10112x128xf32, #tpu.memory_space<vmem_shared>> -> memref<632x128xf32, #tpu.memory_space<vmem_shared>>
      tpu.wait_dma2 semaphore(%run_scoped3A_54 : memref<!tpu.dma_semaphore, #tpu.memory_space<semaphore_mem>>) src(%dma_wait3A_62 : memref<632x128xf32, #tpu.memory_space<vmem_shared>>) dst(%dma_wait3A_60 : memref<632x128xf32, #tpu.memory_space<hbm>>)
      tpu.yield
    }) : () -> ()
    return
  }
}

module attributes {stable_mosaic.version = 14 : i64} {
  func.func @_dense_body(%arg0: i32, %arg1: memref<3x2048xf32, #tpu.memory_space<vmem>>, %arg2: memref<2048x128xf32, #tpu.memory_space<vmem>>, %arg3: memref<10x64xf32, #tpu.memory_space<vmem>>, %arg4: memref<4096x64xbf16, #tpu.memory_space<vmem>>, %arg5: memref<2048x128xf32, #tpu.memory_space<vmem>>) attributes {dimension_semantics = [#tpu.dimension_semantics<arbitrary>], iteration_bounds = array<i64: 30>, scalar_prefetch = 0 : i64, scratch_operands = 0 : i64, tpu.core_type = #tpu.core_type<tc>, window_params = [{transform_indices = @transform_0, window_bounds = array<i64: 3, 2048>}, {transform_indices = @transform_1, window_bounds = array<i64: 2048, 128>}, {pipeline_mode = #tpu.pipeline_mode<synchronous>, transform_indices = @transform_2, window_bounds = array<i64: 10, 64>}, {pipeline_mode = #tpu.pipeline_mode<synchronous>, transform_indices = @transform_3, window_bounds = array<i64: 4096, 64>}, {transform_indices = @transform_4, window_bounds = array<i64: 2048, 128>}]} {
    %get3A = arith.constant 0 : index
    %get3A_0 = arith.constant 0 : index
    %get3A_1 = vector.load %arg1[%get3A, %get3A_0] : memref<3x2048xf32, #tpu.memory_space<vmem>>, vector<3x2048xf32>
    %mul3A = arith.mulf %get3A_1, %get3A_1 : vector<3x2048xf32>
    %reduce_sum3A = arith.constant dense<0.000000e+00> : vector<2048xf32>
    %reduce_sum3A_2 = vector.multi_reduction <add>, %mul3A, %reduce_sum3A [0] : vector<3x2048xf32> to vector<2048xf32>
    %broadcast_in_dim3A = vector.shape_cast %reduce_sum3A_2 : vector<2048xf32> to vector<1x2048xf32>
    %sqrt3A = math.sqrt %broadcast_in_dim3A : vector<1x2048xf32>
    %iota3A = tpu.iota {dimensions = array<i32: 0>} : vector<10x2048xi32>
    %add3A = arith.constant 1 : i32
    %add3A_3 = vector.broadcast %add3A : i32 to vector<10x2048xi32>
    %add3A_4 = arith.addi %iota3A, %add3A_3 : vector<10x2048xi32>
    %convert_element_type3A = arith.sitofp %add3A_4 : vector<10x2048xi32> to vector<10x2048xf32>
    %mul3A_5 = arith.constant 0.409090906 : f32
    %mul3A_6 = vector.broadcast %mul3A_5 : f32 to vector<10x2048xf32>
    %mul3A_7 = arith.mulf %convert_element_type3A, %mul3A_6 : vector<10x2048xf32>
    %sub3A = vector.broadcast %sqrt3A : vector<1x2048xf32> to vector<10x2048xf32>
    %sub3A_8 = arith.subf %sub3A, %mul3A_7 : vector<10x2048xf32>
    %mul3A_9 = arith.constant 2.44444442 : f32
    %mul3A_10 = vector.broadcast %mul3A_9 : f32 to vector<10x2048xf32>
    %mul3A_11 = arith.mulf %sub3A_8, %mul3A_10 : vector<10x2048xf32>
    %add3A_12 = arith.constant 1.000000e+00 : f32
    %add3A_13 = vector.broadcast %add3A_12 : f32 to vector<10x2048xf32>
    %add3A_14 = arith.addf %mul3A_11, %add3A_13 : vector<10x2048xf32>
    %gt3A = arith.constant 0.000000e+00 : f32
    %gt3A_15 = vector.broadcast %gt3A : f32 to vector<10x2048xf32>
    %gt3A_16 = arith.cmpf ogt, %add3A_14, %gt3A_15 : vector<10x2048xf32>
    %jit3A = arith.constant 1.000000e+00 : f32
    %broadcast_in_dim3A_17 = vector.broadcast %jit3A : f32 to vector<10x2048xf32>
    %select_n3A = arith.select %gt3A_16, %add3A_14, %broadcast_in_dim3A_17 : vector<10x2048xi1>, vector<10x2048xf32>
    %gt3A_18 = arith.constant 0.000000e+00 : f32
    %gt3A_19 = vector.broadcast %gt3A_18 : f32 to vector<10x2048xf32>
    %gt3A_20 = arith.cmpf ogt, %add3A_14, %gt3A_19 : vector<10x2048xf32>
    %div3A = arith.constant -1.000000e+00 : f32
    %div3A_21 = vector.broadcast %div3A : f32 to vector<10x2048xf32>
    %div3A_22 = arith.divf %div3A_21, %select_n3A : vector<10x2048xf32>
    %exp3A = math.exp %div3A_22 : vector<10x2048xf32>
    %jit3A_23 = arith.constant 0.000000e+00 : f32
    %broadcast_in_dim3A_24 = vector.broadcast %jit3A_23 : f32 to vector<10x2048xf32>
    %select_n3A_25 = arith.select %gt3A_20, %exp3A, %broadcast_in_dim3A_24 : vector<10x2048xi1>, vector<10x2048xf32>
    %sub3A_26 = arith.constant 1.000000e+00 : f32
    %sub3A_27 = vector.broadcast %sub3A_26 : f32 to vector<10x2048xf32>
    %sub3A_28 = arith.subf %sub3A_27, %mul3A_11 : vector<10x2048xf32>
    %gt3A_29 = arith.constant 0.000000e+00 : f32
    %gt3A_30 = vector.broadcast %gt3A_29 : f32 to vector<10x2048xf32>
    %gt3A_31 = arith.cmpf ogt, %sub3A_28, %gt3A_30 : vector<10x2048xf32>
    %jit3A_32 = arith.constant 1.000000e+00 : f32
    %broadcast_in_dim3A_33 = vector.broadcast %jit3A_32 : f32 to vector<10x2048xf32>
    %select_n3A_34 = arith.select %gt3A_31, %sub3A_28, %broadcast_in_dim3A_33 : vector<10x2048xi1>, vector<10x2048xf32>
    %gt3A_35 = arith.constant 0.000000e+00 : f32
    %gt3A_36 = vector.broadcast %gt3A_35 : f32 to vector<10x2048xf32>
    %gt3A_37 = arith.cmpf ogt, %sub3A_28, %gt3A_36 : vector<10x2048xf32>
    %div3A_38 = arith.constant -1.000000e+00 : f32
    %div3A_39 = vector.broadcast %div3A_38 : f32 to vector<10x2048xf32>
    %div3A_40 = arith.divf %div3A_39, %select_n3A_34 : vector<10x2048xf32>
    %exp3A_41 = math.exp %div3A_40 : vector<10x2048xf32>
    %jit3A_42 = arith.constant 0.000000e+00 : f32
    %broadcast_in_dim3A_43 = vector.broadcast %jit3A_42 : f32 to vector<10x2048xf32>
    %select_n3A_44 = arith.select %gt3A_37, %exp3A_41, %broadcast_in_dim3A_43 : vector<10x2048xi1>, vector<10x2048xf32>
    %mul3A_45 = arith.mulf %select_n3A_25, %select_n3A_44 : vector<10x2048xf32>
    %get3A_46 = arith.constant 0 : index
    %get3A_47 = arith.constant 0 : index
    %get3A_48 = vector.load %arg3[%get3A_46, %get3A_47] : memref<10x64xf32, #tpu.memory_space<vmem>>, vector<10x64xf32>
    %dot_general3A = arith.constant dense<0.000000e+00> : vector<64x2048xf32>
    %dot_general3A_49 = tpu.matmul %get3A_48, %mul3A_45, %dot_general3A {dimension_numbers = #tpu.dot_dimension_numbers<[0], [0], [1], [1], [0, 1, 1, 1], [], []>, transpose_lhs_hint = false} : vector<10x64xf32>, vector<10x2048xf32>, vector<64x2048xf32> -> vector<64x2048xf32>
    %max3A = arith.constant 0.000000e+00 : f32
    %max3A_50 = vector.broadcast %max3A : f32 to vector<64x2048xf32>
    %max3A_51 = arith.maximumf %dot_general3A_49, %max3A_50 : vector<64x2048xf32>
    %get3A_52 = arith.constant 0 : index
    %get3A_53 = arith.constant 0 : index
    %get3A_54 = vector.load %arg4[%get3A_52, %get3A_53] : memref<4096x64xbf16, #tpu.memory_space<vmem>>, vector<4096x64xbf16>
    %convert_element_type3A_55 = arith.truncf %max3A_51 : vector<64x2048xf32> to vector<64x2048xbf16>
    %dot_general3A_56 = arith.constant dense<0.000000e+00> : vector<4096x2048xf32>
    %dot_general3A_57 = tpu.matmul %get3A_54, %convert_element_type3A_55, %dot_general3A_56 {dimension_numbers = #tpu.dot_dimension_numbers<[1], [0], [0], [1], [0, 0, 1, 1], [], []>, transpose_lhs_hint = false} : vector<4096x64xbf16>, vector<64x2048xbf16>, vector<4096x2048xf32> -> vector<4096x2048xf32>
    %get3A_58 = arith.constant 0 : index
    %get3A_59 = arith.constant 0 : index
    %get3A_60 = vector.load %arg2[%get3A_58, %get3A_59] : memref<2048x128xf32, #tpu.memory_space<vmem>>, vector<2048x128xf32>
    %transpose3A = tpu.transpose %get3A_60, [1, 0] : vector<2048x128xf32> -> vector<128x2048xf32>
    %slice3A = vector.extract_strided_slice %transpose3A {offsets = [0, 0], sizes = [32, 2048], strides = [1, 1]} : vector<128x2048xf32> to vector<32x2048xf32>
    %slice3A_61 = vector.extract_strided_slice %transpose3A {offsets = [32, 0], sizes = [32, 2048], strides = [1, 1]} : vector<128x2048xf32> to vector<32x2048xf32>
    %slice3A_62 = vector.extract_strided_slice %transpose3A {offsets = [64, 0], sizes = [32, 2048], strides = [1, 1]} : vector<128x2048xf32> to vector<32x2048xf32>
    %slice3A_63 = vector.extract_strided_slice %transpose3A {offsets = [96, 0], sizes = [32, 2048], strides = [1, 1]} : vector<128x2048xf32> to vector<32x2048xf32>
    %max3A_64 = arith.constant 9.99999996E-13 : f32
    %max3A_65 = vector.broadcast %max3A_64 : f32 to vector<1x2048xf32>
    %max3A_66 = arith.maximumf %sqrt3A, %max3A_65 : vector<1x2048xf32>
    %div3A_67 = arith.constant 1.000000e+00 : f32
    %div3A_68 = vector.broadcast %div3A_67 : f32 to vector<1x2048xf32>
    %div3A_69 = arith.divf %div3A_68, %max3A_66 : vector<1x2048xf32>
    %slice3A_70 = vector.extract_strided_slice %get3A_1 {offsets = [0, 0], sizes = [1, 2048], strides = [1, 1]} : vector<3x2048xf32> to vector<1x2048xf32>
    %mul3A_71 = arith.mulf %slice3A_70, %div3A_69 : vector<1x2048xf32>
    %slice3A_72 = vector.extract_strided_slice %get3A_1 {offsets = [1, 0], sizes = [1, 2048], strides = [1, 1]} : vector<3x2048xf32> to vector<1x2048xf32>
    %mul3A_73 = arith.mulf %slice3A_72, %div3A_69 : vector<1x2048xf32>
    %slice3A_74 = vector.extract_strided_slice %get3A_1 {offsets = [2, 0], sizes = [1, 2048], strides = [1, 1]} : vector<3x2048xf32> to vector<1x2048xf32>
    %mul3A_75 = arith.mulf %slice3A_74, %div3A_69 : vector<1x2048xf32>
    %mul3A_76 = vector.broadcast %mul3A_71 : vector<1x2048xf32> to vector<32x2048xf32>
    %mul3A_77 = arith.mulf %slice3A_61, %mul3A_76 : vector<32x2048xf32>
    %mul3A_78 = vector.broadcast %mul3A_73 : vector<1x2048xf32> to vector<32x2048xf32>
    %mul3A_79 = arith.mulf %slice3A_62, %mul3A_78 : vector<32x2048xf32>
    %add3A_80 = arith.addf %mul3A_77, %mul3A_79 : vector<32x2048xf32>
    %mul3A_81 = vector.broadcast %mul3A_75 : vector<1x2048xf32> to vector<32x2048xf32>
    %mul3A_82 = arith.mulf %slice3A_63, %mul3A_81 : vector<32x2048xf32>
    %add3A_83 = arith.addf %add3A_80, %mul3A_82 : vector<32x2048xf32>
    %slice3A_84 = vector.extract_strided_slice %dot_general3A_57 {offsets = [0, 0], sizes = [1024, 2048], strides = [1, 1]} : vector<4096x2048xf32> to vector<1024x2048xf32>
    %reshape3A = vector.shape_cast %slice3A_84 : vector<1024x2048xf32> to vector<32x32x2048xf32>
    %broadcast_in_dim3A_85 = vector.shape_cast %slice3A : vector<32x2048xf32> to vector<32x1x2048xf32>
    %mul3A_86 = vector.broadcast %broadcast_in_dim3A_85 : vector<32x1x2048xf32> to vector<32x32x2048xf32>
    %mul3A_87 = arith.mulf %reshape3A, %mul3A_86 : vector<32x32x2048xf32>
    %reduce_sum3A_88 = arith.constant dense<0.000000e+00> : vector<32x2048xf32>
    %reduce_sum3A_89 = vector.multi_reduction <add>, %mul3A_87, %reduce_sum3A_88 [0] : vector<32x32x2048xf32> to vector<32x2048xf32>
    %slice3A_90 = vector.extract_strided_slice %dot_general3A_57 {offsets = [1024, 0], sizes = [1024, 2048], strides = [1, 1]} : vector<4096x2048xf32> to vector<1024x2048xf32>
    %reshape3A_91 = vector.shape_cast %slice3A_90 : vector<1024x2048xf32> to vector<32x32x2048xf32>
    %broadcast_in_dim3A_92 = vector.shape_cast %slice3A : vector<32x2048xf32> to vector<32x1x2048xf32>
    %mul3A_93 = vector.broadcast %broadcast_in_dim3A_92 : vector<32x1x2048xf32> to vector<32x32x2048xf32>
    %mul3A_94 = arith.mulf %reshape3A_91, %mul3A_93 : vector<32x32x2048xf32>
    %reduce_sum3A_95 = arith.constant dense<0.000000e+00> : vector<32x2048xf32>
    %reduce_sum3A_96 = vector.multi_reduction <add>, %mul3A_94, %reduce_sum3A_95 [0] : vector<32x32x2048xf32> to vector<32x2048xf32>
    %slice3A_97 = vector.extract_strided_slice %dot_general3A_57 {offsets = [3072, 0], sizes = [1024, 2048], strides = [1, 1]} : vector<4096x2048xf32> to vector<1024x2048xf32>
    %reshape3A_98 = vector.shape_cast %slice3A_97 : vector<1024x2048xf32> to vector<32x32x2048xf32>
    %broadcast_in_dim3A_99 = vector.shape_cast %add3A_83 : vector<32x2048xf32> to vector<32x1x2048xf32>
    %mul3A_100 = vector.broadcast %broadcast_in_dim3A_99 : vector<32x1x2048xf32> to vector<32x32x2048xf32>
    %mul3A_101 = arith.mulf %reshape3A_98, %mul3A_100 : vector<32x32x2048xf32>
    %reduce_sum3A_102 = arith.constant dense<0.000000e+00> : vector<32x2048xf32>
    %reduce_sum3A_103 = vector.multi_reduction <add>, %mul3A_101, %reduce_sum3A_102 [0] : vector<32x32x2048xf32> to vector<32x2048xf32>
    %add3A_104 = arith.addf %reduce_sum3A_89, %reduce_sum3A_103 : vector<32x2048xf32>
    %slice3A_105 = vector.extract_strided_slice %dot_general3A_57 {offsets = [2048, 0], sizes = [1024, 2048], strides = [1, 1]} : vector<4096x2048xf32> to vector<1024x2048xf32>
    %reshape3A_106 = vector.shape_cast %slice3A_105 : vector<1024x2048xf32> to vector<32x32x2048xf32>
    %broadcast_in_dim3A_107 = vector.shape_cast %slice3A_61 : vector<32x2048xf32> to vector<32x1x2048xf32>
    %mul3A_108 = vector.broadcast %broadcast_in_dim3A_107 : vector<32x1x2048xf32> to vector<32x32x2048xf32>
    %mul3A_109 = arith.mulf %reshape3A_106, %mul3A_108 : vector<32x32x2048xf32>
    %reduce_sum3A_110 = arith.constant dense<0.000000e+00> : vector<32x2048xf32>
    %reduce_sum3A_111 = vector.multi_reduction <add>, %mul3A_109, %reduce_sum3A_110 [0] : vector<32x32x2048xf32> to vector<32x2048xf32>
    %mul3A_112 = vector.broadcast %mul3A_71 : vector<1x2048xf32> to vector<32x2048xf32>
    %mul3A_113 = arith.mulf %reduce_sum3A_96, %mul3A_112 : vector<32x2048xf32>
    %add3A_114 = arith.addf %mul3A_113, %reduce_sum3A_111 : vector<32x2048xf32>
    %broadcast_in_dim3A_115 = vector.shape_cast %slice3A_62 : vector<32x2048xf32> to vector<32x1x2048xf32>
    %mul3A_116 = vector.broadcast %broadcast_in_dim3A_115 : vector<32x1x2048xf32> to vector<32x32x2048xf32>
    %mul3A_117 = arith.mulf %reshape3A_106, %mul3A_116 : vector<32x32x2048xf32>
    %reduce_sum3A_118 = arith.constant dense<0.000000e+00> : vector<32x2048xf32>
    %reduce_sum3A_119 = vector.multi_reduction <add>, %mul3A_117, %reduce_sum3A_118 [0] : vector<32x32x2048xf32> to vector<32x2048xf32>
    %mul3A_120 = vector.broadcast %mul3A_73 : vector<1x2048xf32> to vector<32x2048xf32>
    %mul3A_121 = arith.mulf %reduce_sum3A_96, %mul3A_120 : vector<32x2048xf32>
    %add3A_122 = arith.addf %mul3A_121, %reduce_sum3A_119 : vector<32x2048xf32>
    %broadcast_in_dim3A_123 = vector.shape_cast %slice3A_63 : vector<32x2048xf32> to vector<32x1x2048xf32>
    %mul3A_124 = vector.broadcast %broadcast_in_dim3A_123 : vector<32x1x2048xf32> to vector<32x32x2048xf32>
    %mul3A_125 = arith.mulf %reshape3A_106, %mul3A_124 : vector<32x32x2048xf32>
    %reduce_sum3A_126 = arith.constant dense<0.000000e+00> : vector<32x2048xf32>
    %reduce_sum3A_127 = vector.multi_reduction <add>, %mul3A_125, %reduce_sum3A_126 [0] : vector<32x32x2048xf32> to vector<32x2048xf32>
    %mul3A_128 = vector.broadcast %mul3A_75 : vector<1x2048xf32> to vector<32x2048xf32>
    %mul3A_129 = arith.mulf %reduce_sum3A_96, %mul3A_128 : vector<32x2048xf32>
    %add3A_130 = arith.addf %mul3A_129, %reduce_sum3A_127 : vector<32x2048xf32>
    %concatenate3A = tpu.concatenate %add3A_104, %add3A_114, %add3A_122, %add3A_130 in 0 : vector<32x2048xf32>, vector<32x2048xf32>, vector<32x2048xf32>, vector<32x2048xf32> -> vector<128x2048xf32>
    %transpose3A_131 = tpu.transpose %concatenate3A, [1, 0] : vector<128x2048xf32> -> vector<2048x128xf32>
    %swap3A = arith.constant 0 : index
    %swap3A_132 = arith.constant 0 : index
    %swap3A_133 = vector.load %arg5[%swap3A, %swap3A_132] : memref<2048x128xf32, #tpu.memory_space<vmem>>, vector<2048x128xf32>
    tpu.vector_store %arg5[%swap3A, %swap3A_132], %transpose3A_131 {strides = array<i32>} : memref<2048x128xf32, #tpu.memory_space<vmem>>, vector<2048x128xf32>,
    return
  }
  func.func @transform_0(%arg0: i32) -> (i32, i32) {
    %c0_i32 = arith.constant 0 : i32
    %c0_i32_0 = arith.constant 0 : i32
    return %c0_i32, %arg0 : i32, i32
  }
  func.func @transform_1(%arg0: i32) -> (i32, i32) {
    %c0_i32 = arith.constant 0 : i32
    %c0_i32_0 = arith.constant 0 : i32
    return %arg0, %c0_i32 : i32, i32
  }
  func.func @transform_2(%arg0: i32) -> (i32, i32) {
    %c0_i32 = arith.constant 0 : i32
    %c0_i32_0 = arith.constant 0 : i32
    %c0_i32_1 = arith.constant 0 : i32
    return %c0_i32, %c0_i32_0 : i32, i32
  }
  func.func @transform_3(%arg0: i32) -> (i32, i32) {
    %c0_i32 = arith.constant 0 : i32
    %c0_i32_0 = arith.constant 0 : i32
    %c0_i32_1 = arith.constant 0 : i32
    return %c0_i32, %c0_i32_0 : i32, i32
  }
  func.func @transform_4(%arg0: i32) -> (i32, i32) {
    %c0_i32 = arith.constant 0 : i32
    %c0_i32_0 = arith.constant 0 : i32
    return %arg0, %c0_i32 : i32, i32
  }
}

module attributes {stable_mosaic.version = 14 : i64} {
  func.func @_combine_body(%arg0: memref<10112x128xf32, #tpu.memory_space<vmem>>, %arg1: memref<10112x128xf32, #tpu.memory_space<vmem>>, %arg2: memref<10112x128xf32, #tpu.memory_space<vmem>>) attributes {dimension_semantics = [], scalar_prefetch = 0 : i64, scratch_operands = 0 : i64, tpu.core_type = #tpu.core_type<tc>} {
    %get3A = arith.constant 0 : index
    %get3A_0 = arith.constant 0 : index
    %get3A_1 = vector.load %arg0[%get3A, %get3A_0] : memref<10112x128xf32, #tpu.memory_space<vmem>>, vector<10112x128xf32>
    %get3A_2 = arith.constant 0 : index
    %get3A_3 = arith.constant 0 : index
    %get3A_4 = vector.load %arg1[%get3A_2, %get3A_3] : memref<10112x128xf32, #tpu.memory_space<vmem>>, vector<10112x128xf32>
    %add3A = arith.addf %get3A_1, %get3A_4 : vector<10112x128xf32>
    %swap3A = arith.constant 0 : index
    %swap3A_5 = arith.constant 0 : index
    %swap3A_6 = vector.load %arg2[%swap3A, %swap3A_5] : memref<10112x128xf32, #tpu.memory_space<vmem>>, vector<10112x128xf32>
    tpu.vector_store %arg2[%swap3A, %swap3A_5], %add3A {strides = array<i32>} : memref<10112x128xf32, #tpu.memory_space<vmem>>, vector<10112x128xf32>,
    return
  }
}

</mosaic_0001>

<sc_bundles>
// kernel: kernel.6.cloned.1.call-start
scs
__scs_entry_jumppad:
0x0: {  	(pc) =	sbr.rel $0x88, $3  }
0x1: {  	(tag) =	ssettag $0x0;
	lr =	simm.s32 $0x1  }
0x2: {  	[smem:$0x3F9B] =	sst lr;
	_ =	strace $0xD0000000  }
0x3: {  	_ = 	snop  }
0x4: {  	_ = 	snop  }
0x5: {  	_ = 	snop  }
0x6: {  	_ = 	snop  }
0x7: {  	_ = 	snop  }
__scs_overlays_trampoline_lowered:
0x8: {  	[smem:$0x3FAA] =	sst s0  }
0x9: {  	[smem:$0x3FAB] =	sst s1  }
0xa: {  	[smem:$0x3FAC] =	sst s2  }
0xb: {  	[smem:$0x3FAD] =	sst s3  }
0xc: {  	[smem:$0x3FAE] =	sst s4  }
0xd: {  	[smem:$0x3FAF] =	sst s5  }
0xe: {  	[smem:$0x3FB0] =	sst s6  }
0xf: {  	[smem:$0x3FB1] =	sst s7  }
0x10: {  	[smem:$0x3FB2] =	sst s8  }
0x11: {  	[smem:$0x3FB3] =	sst s9;
	s0 =	simm.s32 @!p0 $0x0  }
0x12: {  	s1 =	sld [smem:$0x3F99];
	s0 =	simm.s32 @p0 $0x1  }
0x13: {  	[smem:$0x3FB4] =	sst s0;
	s0 =	simm.s32 @!p1 $0x0  }
0x14: {  	s2 =	sld [smem:$0x3F98];
	s0 =	simm.s32 @p1 $0x1  }
0x15: {  	[smem:$0x3FB5] =	sst s0;
	s0 =	simm.s32 @!p2 $0x0  }
0x16: {  	s3 =	sld [smem:$0x3FDB];
	s0 =	simm.s32 @p2 $0x1  }
0x17: {  	s4 =	simm.s32 $0x1BF5;
	[smem:$0x3FB7] =	sst s0  }
0x18: {  	s0 =	sld [smem:$0x3F9A];
	_ =	swait.ge [sflag:s4], $0x0  }
0x19: {  	s7 =	sld [smem:$0x3F9B]  }
0x1a: {  	s8 =	sadd.s32 $0xFFFFE003, lr  }
0x1b: {  	s9 =	sadd.s32 $0xFFFFFEF7, lr;
	s5 =	simm.s32 $0xFFFFFFFF;
	p2 =	slt.u32 s8, $0xFFFFF086  }
0x1c: {  	p1 =	slt.u32 s9, $0xF7A;
	s5 =	simm.s32 @!p2 $0x0  }
0x1d: {  	s5 =	simm.s32 @p1 $0x1;
	p0 =	seq.s32 s7, s2  }
0x1e: {  	s7 =	smul.u32 @!p0 $0xF7A, s2;
	p2 =	seq.s32 @!p0 s5, $0x0  }
0x1f: {  	s9 =	smul.u32 $0xF7A, s1;
	s8 =	simm.s32 @!p0 $0x1BF5;
	p2 =	por !p2, p0  }
0x20: {  	[sflag:s8] =	ssyncset.s32 @!p0 $0xFFFFF086;
	s6 =	sadd.s32 @!p0 s3, s7;
	s7 =	simm.s32 @!p0 $0x108  }
0x21: {  	s3 =	sadd.s32 s3, s9;
	s6 =	sadd.s32 @!p0 $0x88, s6;
	s7 =	simm.s32 @p2 $0x1082  }
0x22: {  	[simem:s7], [sflag:s8] =	dma.local @!p0 [hbm:s6], $0xF7A  }
0x23: {  	s9 =	sor.u32 $0xD0000000, s2;
	s6 =	simm.s32 $0x108;
	_ =	swait.ge @!p0 [sflag:s8], $0x0  }
0x24: {  	s3 =	sadd.s32 $0x88, s3;
	s6 =	simm.s32 @!p1 $0x1082;
	[sflag:s4] =	ssyncset.s32 $0xFFFFF086  }
0x25: {  	[simem:s6], [sflag:s4] =	dma.local [hbm:s3], $0xF7A  }
0x26: {  	[smem:$0x3F9B] =	sst s1;
	(tag) =	ssettag s2;
	_ =	strace s9  }
0x27: {  	s1 =	sld [smem:$0x3FAB]  }
0x28: {  	s2 =	sld [smem:$0x3FAC]  }
0x29: {  	s4 =	sld [smem:$0x3FAE]  }
0x2a: {  	p0 =	seq.s32 s5, $0x0;
	s5 =	sld [smem:$0x3FAF]  }
0x2b: {  	s6 =	sld [smem:$0x3FB0]  }
0x2c: {  	s7 =	sld [smem:$0x3FB1]  }
0x2d: {  	s3 =	simm.s32 $0x108;
	s8 =	sld [smem:$0x3FB2]  }
0x2e: {  	s3 =	simm.s32 @!p0 $0x1082;
	s9 =	sld [smem:$0x3FB3]  }
0x2f: {  	lr =	sadd.s32 s0, s3;
	s0 =	sld [smem:$0x3FAA]  }
0x30: {  	s3 =	sld [smem:$0x3FAD]  }
0x31: {  	[smem:$0x3FB6] =	sst s10  }
0x32: {  	s10 =	sld [smem:$0x3FB4];
	_ =	sdelay $0x3  }
0x33: {  	p0 =	seq.s32 s10, $0x1;
	s10 =	sld [smem:$0x3FB6];
	_ =	sdelay $0x3  }
0x34: {  	[smem:$0x3FB6] =	sst s10  }
0x35: {  	s10 =	sld [smem:$0x3FB5];
	_ =	sdelay $0x3  }
0x36: {  	p1 =	seq.s32 s10, $0x1;
	s10 =	sld [smem:$0x3FB6];
	_ =	sdelay $0x3  }
0x37: {  	[smem:$0x3FB6] =	sst s10  }
0x38: {  	s10 =	sld [smem:$0x3FB7]  }
0x39: {  	_ = 	snop;
	(pc) =	sbr.ind lr, $3  }
0x3a: {  	_ = 	snop  }
0x3b: {  	_ = 	snop  }
0x3c: {  	p2 =	seq.s32 s10, $0x1;
	s10 =	sld [smem:$0x3FB6]  }
0x3d: {  	_ =	shalt  }
0x3e: {  	_ =	shalt  }
0x3f: {  	_ =	shalt  }
0x40: {  	_ =	shalt  }
0x41: {  	_ =	shalt  }
0x42: {  	_ =	shalt  }
0x43: {  	_ =	shalt  }
0x44: {  	_ =	shalt  }
0x45: {  	_ =	shalt  }
0x46: {  	_ =	shalt  }
0x47: {  	_ =	shalt  }
0x48: {  	_ =	shalt  }
0x49: {  	_ =	shalt  }
0x4a: {  	_ =	shalt  }
0x4b: {  	_ =	shalt  }
0x4c: {  	_ =	shalt  }
0x4d: {  	_ =	shalt  }
0x4e: {  	_ =	shalt  }
0x4f: {  	_ =	shalt  }
0x50: {  	_ =	shalt  }
0x51: {  	_ =	shalt  }
0x52: {  	_ =	shalt  }
0x53: {  	_ =	shalt  }
0x54: {  	_ =	shalt  }
0x55: {  	_ =	shalt  }
0x56: {  	_ =	shalt  }
0x57: {  	_ =	shalt  }
0x58: {  	_ =	shalt  }
0x59: {  	_ =	shalt  }
0x5a: {  	_ =	shalt  }
0x5b: {  	_ =	shalt  }
0x5c: {  	_ =	shalt  }
0x5d: {  	_ =	shalt  }
0x5e: {  	_ =	shalt  }
0x5f: {  	_ =	shalt  }
0x60: {  	_ =	shalt  }
0x61: {  	_ =	shalt  }
0x62: {  	_ =	shalt  }
0x63: {  	_ =	shalt  }
0x64: {  	_ =	shalt  }
0x65: {  	_ =	shalt  }
0x66: {  	_ =	shalt  }
0x67: {  	_ =	shalt  }
0x68: {  	_ =	shalt  }
0x69: {  	_ =	shalt  }
0x6a: {  	_ =	shalt  }
0x6b: {  	_ =	shalt  }
0x6c: {  	_ =	shalt  }
0x6d: {  	_ =	shalt  }
0x6e: {  	_ =	shalt  }
0x6f: {  	_ =	shalt  }
0x70: {  	_ =	shalt  }
0x71: {  	_ =	shalt  }
0x72: {  	_ =	shalt  }
0x73: {  	_ =	shalt  }
0x74: {  	_ =	shalt  }
0x75: {  	_ =	shalt  }
0x76: {  	_ =	shalt  }
0x77: {  	_ =	shalt  }
0x78: {  	_ =	shalt  }
0x79: {  	_ =	shalt  }
0x7a: {  	_ =	shalt  }
0x7b: {  	_ =	shalt  }
0x7c: {  	_ =	shalt  }
0x7d: {  	_ =	shalt  }
0x7e: {  	_ =	shalt  }
0x7f: {  	_ =	shalt  }
0x80: {  	_ =	shalt  }
0x81: {  	_ =	shalt  }
0x82: {  	_ =	shalt  }
0x83: {  	_ =	shalt  }
0x84: {  	_ =	shalt  }
0x85: {  	_ =	shalt  }
0x86: {  	_ =	shalt  }
0x87: {  	_ =	shalt  }
.Lfunc_end0:
.L_simem_size_0:
called_computation_lowered:
.L_overlay_start_0:
0x88: {  	s2 =	sld [smem:$0x3FD9]  }
0x89: {  	s3 =	sld [smem:$0x3FFE];
	_ =	sdelay $0x1  }
0x8a: {  	s1 =	srdreg.scid  }
0x8b: {  	s0 =	sand.u32 $0x1, s1  }
0x8c: {  	s17 =	sshll.u32 s0, $0xA;
	s2 =	sadd.s32 s3, s2  }
0x8d: {  	s2 =	sadd.s32 s2, s17  }
0x8e: {  	[smem:$0x3FC2] =	sst s2  }
0x8f: {  	_ = 	snop  }
0x90: {  	s2 =	sld [smem:$0x3FD0];
	(tm) =	ssettm $0x1  }
0x91: {  	s18 =	sld [smem:$0x3FFB];
	_ =	sdelay $0x3  }
0x92: {  	_ =	strace s18  }
0x93: {  	s3 =	sld [smem:$0x3FFC];
	_ =	sdelay $0x3  }
0x94: {  	_ =	strace s3  }
0x95: {  	s3 =	sld [smem:$0x3FFD];
	_ =	sdelay $0x3  }
0x96: {  	_ =	strace s3  }
0x97: {  	_ =	strace $0x8FFFFFFF  }
0x98: {  	s19 =	sld [smem:$0x3FDB];
	_ =	sdelay $0x1  }
0x99: {  	s4 =	simm.s32 $_scs_section_size  }
0x9a: {  	s5 =	simm.s32 $_size__tile_overlayer_lowered;
	s6 =	simm.s32 $_tile_overlayer_lowered  }
0x9b: {  	s22 =	simm.s32 $0x1BFF;
	s21 =	sshll.u32 s6, $0x1;
	s3 =	sadd.s32 s4, s19  }
0x9c: {  	s7 =	simm.s32 $0x0;
	s20 =	sshll.u32 s5, $0x1;
	s5 =	sadd.s32 s21, s3  }
0x9d: {  	[timem:s7], [sflag:s22] =	dma.local [hbm:s5], s20  }
0x9e: {  	_ =	swait.ge [sflag:s22], s20  }
0x9f: {  	s4 =	ssub.s32 $0x0, s20;
	[sflag:s22] =	ssyncset.done $0x0  }
0xa0: {  	[sflag:s22] =	ssyncadd.s32 s4;
	_ =	sdelay $0x1  }
0xa1: {  	s23 =	simm.s32 $0x1B8B  }
0xa2: {  	_ =	swait.ge [sflag:s23], $0x1  }
0xa3: {  	[sflag:s23] =	ssyncset.done $0x0  }
0xa4: {  	s25 =	simm.s32 $0x1B8E;
	s24 =	sld [smem:$0x3FFE];
	[sflag:s23] =	ssyncadd.s32 $0xFFFFFFFF  }
0xa5: {  	s26 =	simm.s32 $execute0_lowered;
	[smem:$0x3FD2] =	sst s25  }
0xa6: {  	s5 =	sshll.u32 s26, $0x1;
	_ =	strace $0x80000046;
	[dreg:$0x1] =	wrdreg $0xFFFFFFFF  }
0xa7: {  	s28 =	simm.s32 $_size_execute0_lowered;
	s3 =	sadd.s32 s3, s5;
	[dreg:$0x0] =	wrdreg $0x0  }
0xa8: {  	s5 =	sshll.u32 s28, $0x1;
	[dreg:$0x2] =	wrdreg s3  }
0xa9: {  	[dreg:$0x3] =	wrdreg s5  }
0xaa: {  	[dreg:$0x4] =	wrdreg $0xC0  }
0xab: {  	_ =	task [dreg:s7], $0x5FFFF  }
0xac: {  	[dreg:$0x1] =	wrdreg $0xFFFFFFFF  }
0xad: {  	[dreg:$0x0] =	wrdreg $0x60  }
0xae: {  	[dreg:$0x2] =	wrdreg s2  }
0xaf: {  	[dreg:$0x3] =	wrdreg s24  }
0xb0: {  	[dreg:$0x4] =	wrdreg $0x9  }
0xb1: {  	_ =	task.clear_ibuf [dreg:s7], $0x5FFFF;
	_ =	strace $0x90000046  }
0xb2: {  	s29 =	simm.s32 $0x9;
	_ =	strace $0x80000048  }
0xb3: {  	_ =	swait.ge [sflag:s29], $0x1  }
0xb4: {  	[sflag:s29] =	ssyncadd.s32 $0xFFFFFFFF  }
0xb5: {  	_ =	strace $0x90000048  }
0xb6: {  	_ =	sfence  }
0xb7: {  	s30 =	sld [smem:$0x0];
	_ =	sdelay $0x2  }
0xb8: {  	s31 =	sshll.u32 s1, $0xD;
	s1 =	sshrl.u32 s1, $0x2  }
0xb9: {  	s3 =	sand.u32 $0x4000, s31;
	s1 =	sadd.s32 s1, s30  }
0xba: {  	s0 =	sor.u32 s3, s0;
	s1 =	sshll.u32 s1, $0x11  }
0xbb: {  	s0 =	sor.u32 s1, s0  }
0xbc: {  	s0 =	sadd.s32 $0x8F2B, s0  }
0xbd: {  	[sflag:s0] =	ssyncadd.remote.s32 $0x1  }
0xbe: {  	_ =	sfence.sel $0xFFFF  }
0xbf: {  	[dreg:$0x0] =	wrdreg $0xFFFFFFFF;
	(pc) =	sbr.abs _section_cstart, $3  }
0xc0: {  	[dreg:$0x1] =	wrdreg $0xFFFFFFFF  }
0xc1: {  	_ =	task.clear_ibuf [dreg:s7], $0x2FFFF;
	_ =	strace $0x9FFFFFFF  }
0xc2: {  	(tm) =	ssettm $0x7FFFFFFF  }
0xc3: {  	_ =	shalt  }
tec
execute0_lowered:
.L_overlay_start_1:
0x0: {  	(tag) =	ssettag $0x1  }
0x1: {  	s0 =	srdreg.scid;
	s3 =	rddreg [dreg:$0x0]  }
0x2: {  	s1 =	rddreg [dreg:$0x1];
	s5 =	stileid.u32  }
0x3: {  	s2 =	simm.s32 $0x0;
	s29 =	simm.s32 $0x9;
	s0 =	sand.u32 $0x1, s0  }
0x4: {  	s9 =	simm.s32 $0x800;
	s8 =	simm.s32 $0x4800;
	s4 =	sshll.u32 s0, $0x4  }
0x5: {  	s30 =	simm.s32 $0x100;
	s7 =	simm.s32 $0x8800;
	s4 =	sor.u32 s5, s4  }
0x6: {  	[smem:$0x7FF] =	sst s2;
	s5 =	sshll.u32 s4, $0x8;
	s6 =	smul.u32 $0x3C000, s4  }
0x7: {  	_ =	strace $0x80000047;
	s4 =	smul.u32 $0x7800, s4;
	s5 =	sadd.s32 s5, s1  }
0x8: {  	s1 =	sadd.s32 $0x3800, s1;
	s5 =	sadd.s32 $0x1800, s5;
	s6 =	sshrl.u32 s6, $0x3  }
0x9: {  	s4 =	sadd.s32 s1, s4;
	[dreg:$0x3] =	wrdreg s5;
	s1 =	sadd.s32 s1, s6  }
0xa: {  	s31 =	simm.s32 $0x180;
	[dreg:$0x4] =	wrdreg s4;
	s13 =	sadd.s32 $0x800, s1  }
0xb: {  	s28 =	simm.s32 $0x200;
	s14 =	sadd.s32 $0x1000, s1;
	[dreg:$0x5] =	wrdreg s13  }
0xc: {  	s12 =	simm.s32 $0x2;
	s15 =	sadd.s32 $0x1800, s1;
	[dreg:$0x6] =	wrdreg s14  }
0xd: {  	s10 =	simm.s32 $0x3;
	s16 =	sadd.s32 $0x2000, s1;
	[dreg:$0x7] =	wrdreg s15  }
0xe: {  	s11 =	simm.s32 $0x8;
	s17 =	sadd.s32 $0x2800, s1;
	[dreg:$0x8] =	wrdreg s16  }
0xf: {  	p0 =	por $0x0, $0x0;
	s18 =	sadd.s32 $0x3000, s1;
	[dreg:$0x9] =	wrdreg s17  }
0x10: {  	s0 =	ssub.s32 $0x2, s0;
	s19 =	sadd.s32 $0x3800, s1;
	[dreg:$0xa] =	wrdreg s18  }
0x11: {  	s25 =	sshrl.u32 s0, $0x1;
	s20 =	sadd.s32 $0x4000, s1;
	[dreg:$0xb] =	wrdreg s19  }
0x12: {  	s0 =	ssub.s32 s0, s25;
	s21 =	sadd.s32 $0x4800, s1;
	[dreg:$0xc] =	wrdreg s20  }
0x13: {  	s25 =	simm.s32 $0x300;
	s22 =	sadd.s32 $0x5000, s1;
	[dreg:$0xd] =	wrdreg s21  }
0x14: {  	s0 =	smax.u32 s0, $0x1;
	s23 =	sadd.s32 $0x5800, s1;
	[dreg:$0xe] =	wrdreg s22  }
0x15: {  	p1 =	sne.s32 s0, $0x1;
	s24 =	sadd.s32 $0x6000, s1;
	[dreg:$0xf] =	wrdreg s23  }
0x16: {  	s0 =	sadd.s32 $0xFFFFFFFF, s0;
	s26 =	sadd.s32 $0x6800, s1;
	[dreg:$0x10] =	wrdreg s24  }
0x17: {  	s4 =	simm.s32 $0x5;
	s1 =	sadd.s32 $0x7000, s1;
	[dreg:$0x11] =	wrdreg s26  }
0x18: {  	s5 =	simm.s32 $0x6;
	s6 =	simm.s32 $0x7;
	[dreg:$0x12] =	wrdreg s1  }
.Ltmp0:
0x19: {  	s14 =	simm.s32 $0x80;
	s15 =	simm.s32 $0xC800;
	(pc) =	sbr.rel @!p1 .LBB2_3-.Ltmp0, $4  }
0x1a: {  	s13 =	simm.s32 $0x1;
	s26 =	simm.s32 $0x280;
	s16 =	simm.s32 $0x4  }
0x1b: {  	s24 =	simm.s32 $0x380;
	s23 =	simm.s32 $0x400;
	s22 =	simm.s32 $0x480  }
0x1c: {  	s21 =	simm.s32 $0x500;
	s20 =	simm.s32 $0x580;
	s19 =	simm.s32 $0x600  }
0x1d: {  	s18 =	simm.s32 $0x680;
	s17 =	simm.s32 $0x700;
	s1 =	rddreg [dreg:$0x3]  }
0x1e: {  	[tilespmem:s2], [sflag:$0x9] =	stream.linear.gather [hbm4b:s1+s2], $0x780, $0x38;
	[tilespmem:$0x10800] =	vst v63  }
0x1f: {  	_ =	swait.ge [sflag:s29], $0x780  }
0x20: {  	[sflag:s29] =	ssyncset.done $0x0  }
0x21: {  	[sflag:s29] =	ssyncadd.s32 $0xFFFFF880  }
0x22: {  	[tilespmem:s9], [sflag:$0x1] =	stream.indirect.gather [hbm4b:s3+s14], $0x80, s2, s14, $0xb8;
	[tilespmem:$0x10800] =	vst v63  }
0x23: {  	_ = 	snop  }
0x24: {  	[tilespmem:s8], [sflag:$0x2] =	stream.indirect.gather [hbm4b:s3+s14], $0x80, s14, s14, $0xb8;
	[tilespmem:$0x10800] =	vst v63  }
0x25: {  	_ = 	snop  }
0x26: {  	[tilespmem:s7], [sflag:$0x3] =	stream.indirect.gather [hbm4b:s3+s14], $0x80, s30, s14, $0xb8;
	[tilespmem:$0x10800] =	vst v63  }
0x27: {  	_ = 	snop  }
0x28: {  	[tilespmem:s15], [sflag:$0x4] =	stream.indirect.gather [hbm4b:s3+s14], $0x80, s31, s14, $0xb8;
	[tilespmem:$0x10800] =	vst v63  }
0x29: {  	_ =	swait.ge [sflag:s13], $0x4000  }
0x2a: {  	[sflag:s13] =	ssyncset.done $0x0  }
0x2b: {  	s1 =	rddreg [dreg:$0x4];
	[sflag:s13] =	ssyncadd.s32 $0xFFFFC000  }
0x2c: {  	[hbm4b:s1+s2] =	stream.linear.scatter [tilespmem:s9], [sflag:$0x5], $0x4000, $0x38;
	[tilespmem:$0x10800] =	vst v63  }
0x2d: {  	_ =	swait.ge [sflag:s4], $0x4000  }
0x2e: {  	[sflag:s4] =	ssyncset.done $0x0  }
0x2f: {  	[sflag:s4] =	ssyncadd.s32 $0xFFFFC000  }
0x30: {  	[tilespmem:s9], [sflag:$0x1] =	stream.indirect.gather [hbm4b:s3+s14], $0x80, s28, s14, $0xb8;
	[tilespmem:$0x10800] =	vst v63  }
0x31: {  	_ =	swait.ge [sflag:s12], $0x4000  }
0x32: {  	[sflag:s12] =	ssyncset.done $0x0  }
0x33: {  	s1 =	rddreg [dreg:$0x5];
	[sflag:s12] =	ssyncadd.s32 $0xFFFFC000  }
0x34: {  	[hbm4b:s1+s2] =	stream.linear.scatter [tilespmem:s8], [sflag:$0x6], $0x4000, $0x38;
	[tilespmem:$0x10800] =	vst v63  }
0x35: {  	_ =	swait.ge [sflag:s5], $0x4000  }
0x36: {  	[sflag:s5] =	ssyncset.done $0x0  }
0x37: {  	[sflag:s5] =	ssyncadd.s32 $0xFFFFC000  }
0x38: {  	[tilespmem:s8], [sflag:$0x2] =	stream.indirect.gather [hbm4b:s3+s14], $0x80, s26, s14, $0xb8;
	[tilespmem:$0x10800] =	vst v63  }
0x39: {  	_ =	swait.ge [sflag:s10], $0x4000  }
0x3a: {  	[sflag:s10] =	ssyncset.done $0x0  }
0x3b: {  	s1 =	rddreg [dreg:$0x6];
	[sflag:s10] =	ssyncadd.s32 $0xFFFFC000  }
0x3c: {  	[hbm4b:s1+s2] =	stream.linear.scatter [tilespmem:s7], [sflag:$0x7], $0x4000, $0x38;
	[tilespmem:$0x10800] =	vst v63  }
0x3d: {  	_ =	swait.ge [sflag:s6], $0x4000  }
0x3e: {  	[sflag:s6] =	ssyncset.done $0x0  }
0x3f: {  	[sflag:s6] =	ssyncadd.s32 $0xFFFFC000  }
0x40: {  	[tilespmem:s7], [sflag:$0x3] =	stream.indirect.gather [hbm4b:s3+s14], $0x80, s25, s14, $0xb8;
	[tilespmem:$0x10800] =	vst v63  }
0x41: {  	_ =	swait.ge [sflag:s16], $0x4000  }
0x42: {  	[sflag:s16] =	ssyncset.done $0x0  }
0x43: {  	s1 =	rddreg [dreg:$0x7];
	[sflag:s16] =	ssyncadd.s32 $0xFFFFC000  }
0x44: {  	[hbm4b:s1+s2] =	stream.linear.scatter [tilespmem:s15], [sflag:$0x8], $0x4000, $0x38;
	[tilespmem:$0x10800] =	vst v63  }
0x45: {  	_ =	swait.ge [sflag:s11], $0x4000  }
0x46: {  	[sflag:s11] =	ssyncset.done $0x0  }
0x47: {  	[sflag:s11] =	ssyncadd.s32 $0xFFFFC000  }
0x48: {  	[tilespmem:s15], [sflag:$0x4] =	stream.indirect.gather [hbm4b:s3+s14], $0x80, s24, s14, $0xb8;
	[tilespmem:$0x10800] =	vst v63  }
0x49: {  	_ =	swait.ge [sflag:s13], $0x4000  }
0x4a: {  	[sflag:s13] =	ssyncset.done $0x0  }
0x4b: {  	s1 =	rddreg [dreg:$0x8];
	[sflag:s13] =	ssyncadd.s32 $0xFFFFC000  }
0x4c: {  	[hbm4b:s1+s2] =	stream.linear.scatter [tilespmem:s9], [sflag:$0x5], $0x4000, $0x38;
	[tilespmem:$0x10800] =	vst v63  }
0x4d: {  	_ =	swait.ge [sflag:s4], $0x4000  }
0x4e: {  	[sflag:s4] =	ssyncset.done $0x0  }
0x4f: {  	[sflag:s4] =	ssyncadd.s32 $0xFFFFC000  }
0x50: {  	[tilespmem:s9], [sflag:$0x1] =	stream.indirect.gather [hbm4b:s3+s14], $0x80, s23, s14, $0xb8;
	[tilespmem:$0x10800] =	vst v63  }
0x51: {  	_ =	swait.ge [sflag:s12], $0x4000  }
0x52: {  	[sflag:s12] =	ssyncset.done $0x0  }
0x53: {  	s1 =	rddreg [dreg:$0x9];
	[sflag:s12] =	ssyncadd.s32 $0xFFFFC000  }
0x54: {  	[hbm4b:s1+s2] =	stream.linear.scatter [tilespmem:s8], [sflag:$0x6], $0x4000, $0x38;
	[tilespmem:$0x10800] =	vst v63  }
0x55: {  	_ =	swait.ge [sflag:s5], $0x4000  }
0x56: {  	[sflag:s5] =	ssyncset.done $0x0  }
0x57: {  	[sflag:s5] =	ssyncadd.s32 $0xFFFFC000  }
0x58: {  	[tilespmem:s8], [sflag:$0x2] =	stream.indirect.gather [hbm4b:s3+s14], $0x80, s22, s14, $0xb8;
	[tilespmem:$0x10800] =	vst v63  }
0x59: {  	_ =	swait.ge [sflag:s10], $0x4000  }
0x5a: {  	[sflag:s10] =	ssyncset.done $0x0  }
0x5b: {  	s1 =	rddreg [dreg:$0xa];
	[sflag:s10] =	ssyncadd.s32 $0xFFFFC000  }
0x5c: {  	[hbm4b:s1+s2] =	stream.linear.scatter [tilespmem:s7], [sflag:$0x7], $0x4000, $0x38;
	[tilespmem:$0x10800] =	vst v63  }
0x5d: {  	_ =	swait.ge [sflag:s6], $0x4000  }
0x5e: {  	[sflag:s6] =	ssyncset.done $0x0  }
0x5f: {  	[sflag:s6] =	ssyncadd.s32 $0xFFFFC000  }
0x60: {  	[tilespmem:s7], [sflag:$0x3] =	stream.indirect.gather [hbm4b:s3+s14], $0x80, s21, s14, $0xb8;
	[tilespmem:$0x10800] =	vst v63  }
0x61: {  	_ =	swait.ge [sflag:s16], $0x4000  }
0x62: {  	[sflag:s16] =	ssyncset.done $0x0  }
0x63: {  	s1 =	rddreg [dreg:$0xb];
	[sflag:s16] =	ssyncadd.s32 $0xFFFFC000  }
0x64: {  	[hbm4b:s1+s2] =	stream.linear.scatter [tilespmem:s15], [sflag:$0x8], $0x4000, $0x38;
	[tilespmem:$0x10800] =	vst v63  }
0x65: {  	_ =	swait.ge [sflag:s11], $0x4000  }
0x66: {  	[sflag:s11] =	ssyncset.done $0x0  }
0x67: {  	[sflag:s11] =	ssyncadd.s32 $0xFFFFC000  }
0x68: {  	[tilespmem:s15], [sflag:$0x4] =	stream.indirect.gather [hbm4b:s3+s14], $0x80, s20, s14, $0xb8;
	[tilespmem:$0x10800] =	vst v63  }
0x69: {  	_ =	swait.ge [sflag:s13], $0x4000  }
0x6a: {  	[sflag:s13] =	ssyncset.done $0x0  }
0x6b: {  	s1 =	rddreg [dreg:$0xc];
	[sflag:s13] =	ssyncadd.s32 $0xFFFFC000  }
0x6c: {  	[hbm4b:s1+s2] =	stream.linear.scatter [tilespmem:s9], [sflag:$0x5], $0x4000, $0x38;
	[tilespmem:$0x10800] =	vst v63  }
0x6d: {  	_ =	swait.ge [sflag:s4], $0x4000  }
0x6e: {  	[sflag:s4] =	ssyncset.done $0x0  }
0x6f: {  	[sflag:s4] =	ssyncadd.s32 $0xFFFFC000  }
0x70: {  	[tilespmem:s9], [sflag:$0x1] =	stream.indirect.gather [hbm4b:s3+s14], $0x80, s19, s14, $0xb8;
	[tilespmem:$0x10800] =	vst v63  }
0x71: {  	_ =	swait.ge [sflag:s12], $0x4000  }
0x72: {  	[sflag:s12] =	ssyncset.done $0x0  }
0x73: {  	s1 =	rddreg [dreg:$0xd];
	[sflag:s12] =	ssyncadd.s32 $0xFFFFC000  }
0x74: {  	[hbm4b:s1+s2] =	stream.linear.scatter [tilespmem:s8], [sflag:$0x6], $0x4000, $0x38;
	[tilespmem:$0x10800] =	vst v63  }
0x75: {  	_ =	swait.ge [sflag:s5], $0x4000  }
0x76: {  	[sflag:s5] =	ssyncset.done $0x0  }
0x77: {  	[sflag:s5] =	ssyncadd.s32 $0xFFFFC000  }
0x78: {  	[tilespmem:s8], [sflag:$0x2] =	stream.indirect.gather [hbm4b:s3+s14], $0x80, s18, s14, $0xb8;
	[tilespmem:$0x10800] =	vst v63  }
0x79: {  	_ =	swait.ge [sflag:s10], $0x4000  }
0x7a: {  	[sflag:s10] =	ssyncset.done $0x0  }
0x7b: {  	s1 =	rddreg [dreg:$0xe];
	[sflag:s10] =	ssyncadd.s32 $0xFFFFC000  }
0x7c: {  	[hbm4b:s1+s2] =	stream.linear.scatter [tilespmem:s7], [sflag:$0x7], $0x4000, $0x38;
	[tilespmem:$0x10800] =	vst v63  }
0x7d: {  	_ =	swait.ge [sflag:s6], $0x4000  }
0x7e: {  	[sflag:s6] =	ssyncset.done $0x0  }
0x7f: {  	[sflag:s6] =	ssyncadd.s32 $0xFFFFC000  }
0x80: {  	[tilespmem:s7], [sflag:$0x3] =	stream.indirect.gather [hbm4b:s3+s14], $0x80, s17, s14, $0xb8;
	[tilespmem:$0x10800] =	vst v63  }
0x81: {  	_ =	swait.ge [sflag:s16], $0x4000  }
0x82: {  	[sflag:s16] =	ssyncset.done $0x0  }
0x83: {  	s1 =	rddreg [dreg:$0xf];
	[sflag:s16] =	ssyncadd.s32 $0xFFFFC000  }
0x84: {  	[hbm4b:s1+s2] =	stream.linear.scatter [tilespmem:s15], [sflag:$0x8], $0x4000, $0x38;
	[tilespmem:$0x10800] =	vst v63  }
0x85: {  	_ =	swait.ge [sflag:s13], $0x4000  }
0x86: {  	[sflag:s13] =	ssyncset.done $0x0  }
0x87: {  	s1 =	rddreg [dreg:$0x10];
	[sflag:s13] =	ssyncadd.s32 $0xFFFFC000  }
0x88: {  	[hbm4b:s1+s2] =	stream.linear.scatter [tilespmem:s9], [sflag:$0x5], $0x4000, $0x38;
	[tilespmem:$0x10800] =	vst v63  }
0x89: {  	_ =	swait.ge [sflag:s12], $0x4000  }
0x8a: {  	[sflag:s12] =	ssyncset.done $0x0  }
0x8b: {  	s1 =	rddreg [dreg:$0x11];
	[sflag:s12] =	ssyncadd.s32 $0xFFFFC000  }
0x8c: {  	[hbm4b:s1+s2] =	stream.linear.scatter [tilespmem:s8], [sflag:$0x6], $0x4000, $0x38;
	[tilespmem:$0x10800] =	vst v63  }
0x8d: {  	_ =	swait.ge [sflag:s10], $0x4000  }
0x8e: {  	[sflag:s10] =	ssyncset.done $0x0  }
0x8f: {  	s1 =	rddreg [dreg:$0x12];
	[sflag:s10] =	ssyncadd.s32 $0xFFFFC000  }
0x90: {  	[hbm4b:s1+s2] =	stream.linear.scatter [tilespmem:s7], [sflag:$0x7], $0x4000, $0x38;
	[tilespmem:$0x10800] =	vst v63  }
0x91: {  	_ =	swait.ge [sflag:s11], $0x4000  }
0x92: {  	[sflag:s11] =	ssyncset.done $0x0  }
0x93: {  	[sflag:s11] =	ssyncadd.s32 $0xFFFFC000  }
0x94: {  	_ =	swait.ge [sflag:s4], $0x4000  }
0x95: {  	[sflag:s4] =	ssyncset.done $0x0  }
0x96: {  	p1 =	sne.s32 s0, $0x1;
	[sflag:s4] =	ssyncadd.s32 $0xFFFFC000  }
.Ltmp1:
0x97: {  	_ =	swait.ge [sflag:s5], $0x4000;
	(pc) =	sbr.rel @!p1 .LBB2_3-.Ltmp1, $4  }
0x98: {  	[sflag:s5] =	ssyncset.done $0x0  }
0x99: {  	[sflag:s5] =	ssyncadd.s32 $0xFFFFC000  }
0x9a: {  	s0 =	sadd.s32 $0xFFFFFFFF, s0;
	_ =	swait.ge [sflag:s6], $0x4000  }
0x9b: {  	p0 =	por $0x1, $0x1;
	s1 =	rddreg [dreg:$0x3];
	[sflag:s6] =	ssyncset.done $0x0  }
.LBB2_2:
0x9c: {  	[sflag:s6] =	ssyncadd.s32 $0xFFFFC000  }
0x9d: {  	[tilespmem:s2], [sflag:$0x9] =	stream.linear.gather [hbm4b:s1+s2], $0x780, $0x38;
	[tilespmem:$0x10800] =	vst v63  }
0x9e: {  	_ =	swait.ge [sflag:s29], $0x780  }
0x9f: {  	[sflag:s29] =	ssyncset.done $0x0  }
0xa0: {  	[sflag:s29] =	ssyncadd.s32 $0xFFFFF880  }
0xa1: {  	[tilespmem:s9], [sflag:$0x1] =	stream.indirect.gather [hbm4b:s3+s14], $0x80, s2, s14, $0xb8;
	[tilespmem:$0x10800] =	vst v63  }
0xa2: {  	_ = 	snop  }
0xa3: {  	[tilespmem:s8], [sflag:$0x2] =	stream.indirect.gather [hbm4b:s3+s14], $0x80, s14, s14, $0xb8;
	[tilespmem:$0x10800] =	vst v63  }
0xa4: {  	_ = 	snop  }
0xa5: {  	[tilespmem:s7], [sflag:$0x3] =	stream.indirect.gather [hbm4b:s3+s14], $0x80, s30, s14, $0xb8;
	[tilespmem:$0x10800] =	vst v63  }
0xa6: {  	_ = 	snop  }
0xa7: {  	[tilespmem:s15], [sflag:$0x4] =	stream.indirect.gather [hbm4b:s3+s14], $0x80, s31, s14, $0xb8;
	[tilespmem:$0x10800] =	vst v63  }
0xa8: {  	_ =	swait.ge [sflag:s13], $0x4000  }
0xa9: {  	[sflag:s13] =	ssyncset.done $0x0  }
0xaa: {  	s1 =	rddreg [dreg:$0x4];
	[sflag:s13] =	ssyncadd.s32 $0xFFFFC000  }
0xab: {  	[hbm4b:s1+s2] =	stream.linear.scatter [tilespmem:s9], [sflag:$0x5], $0x4000, $0x38;
	[tilespmem:$0x10800] =	vst v63  }
0xac: {  	_ =	swait.ge [sflag:s4], $0x4000  }
0xad: {  	[sflag:s4] =	ssyncset.done $0x0  }
0xae: {  	[sflag:s4] =	ssyncadd.s32 $0xFFFFC000  }
0xaf: {  	[tilespmem:s9], [sflag:$0x1] =	stream.indirect.gather [hbm4b:s3+s14], $0x80, s28, s14, $0xb8;
	[tilespmem:$0x10800] =	vst v63  }
0xb0: {  	_ =	swait.ge [sflag:s12], $0x4000  }
0xb1: {  	[sflag:s12] =	ssyncset.done $0x0  }
0xb2: {  	s1 =	rddreg [dreg:$0x5];
	[sflag:s12] =	ssyncadd.s32 $0xFFFFC000  }
0xb3: {  	[hbm4b:s1+s2] =	stream.linear.scatter [tilespmem:s8], [sflag:$0x6], $0x4000, $0x38;
	[tilespmem:$0x10800] =	vst v63  }
0xb4: {  	_ =	swait.ge [sflag:s5], $0x4000  }
0xb5: {  	[sflag:s5] =	ssyncset.done $0x0  }
0xb6: {  	[sflag:s5] =	ssyncadd.s32 $0xFFFFC000  }
0xb7: {  	[tilespmem:s8], [sflag:$0x2] =	stream.indirect.gather [hbm4b:s3+s14], $0x80, s26, s14, $0xb8;
	[tilespmem:$0x10800] =	vst v63  }
0xb8: {  	_ =	swait.ge [sflag:s10], $0x4000  }
0xb9: {  	[sflag:s10] =	ssyncset.done $0x0  }
0xba: {  	s1 =	rddreg [dreg:$0x6];
	[sflag:s10] =	ssyncadd.s32 $0xFFFFC000  }
0xbb: {  	[hbm4b:s1+s2] =	stream.linear.scatter [tilespmem:s7], [sflag:$0x7], $0x4000, $0x38;
	[tilespmem:$0x10800] =	vst v63  }
0xbc: {  	_ =	swait.ge [sflag:s6], $0x4000  }
0xbd: {  	[sflag:s6] =	ssyncset.done $0x0  }
0xbe: {  	[sflag:s6] =	ssyncadd.s32 $0xFFFFC000  }
0xbf: {  	[tilespmem:s7], [sflag:$0x3] =	stream.indirect.gather [hbm4b:s3+s14], $0x80, s25, s14, $0xb8;
	[tilespmem:$0x10800] =	vst v63  }
0xc0: {  	_ =	swait.ge [sflag:s16], $0x4000  }
0xc1: {  	[sflag:s16] =	ssyncset.done $0x0  }
0xc2: {  	s1 =	rddreg [dreg:$0x7];
	[sflag:s16] =	ssyncadd.s32 $0xFFFFC000  }
0xc3: {  	[hbm4b:s1+s2] =	stream.linear.scatter [tilespmem:s15], [sflag:$0x8], $0x4000, $0x38;
	[tilespmem:$0x10800] =	vst v63  }
0xc4: {  	_ =	swait.ge [sflag:s11], $0x4000  }
0xc5: {  	[sflag:s11] =	ssyncset.done $0x0  }
0xc6: {  	[sflag:s11] =	ssyncadd.s32 $0xFFFFC000  }
0xc7: {  	[tilespmem:s15], [sflag:$0x4] =	stream.indirect.gather [hbm4b:s3+s14], $0x80, s24, s14, $0xb8;
	[tilespmem:$0x10800] =	vst v63  }
0xc8: {  	_ =	swait.ge [sflag:s13], $0x4000  }
0xc9: {  	[sflag:s13] =	ssyncset.done $0x0  }
0xca: {  	s1 =	rddreg [dreg:$0x8];
	[sflag:s13] =	ssyncadd.s32 $0xFFFFC000  }
0xcb: {  	[hbm4b:s1+s2] =	stream.linear.scatter [tilespmem:s9], [sflag:$0x5], $0x4000, $0x38;
	[tilespmem:$0x10800] =	vst v63  }
0xcc: {  	_ =	swait.ge [sflag:s4], $0x4000  }
0xcd: {  	[sflag:s4] =	ssyncset.done $0x0  }
0xce: {  	[sflag:s4] =	ssyncadd.s32 $0xFFFFC000  }
0xcf: {  	[tilespmem:s9], [sflag:$0x1] =	stream.indirect.gather [hbm4b:s3+s14], $0x80, s23, s14, $0xb8;
	[tilespmem:$0x10800] =	vst v63  }
0xd0: {  	_ =	swait.ge [sflag:s12], $0x4000  }
0xd1: {  	[sflag:s12] =	ssyncset.done $0x0  }
0xd2: {  	s1 =	rddreg [dreg:$0x9];
	[sflag:s12] =	ssyncadd.s32 $0xFFFFC000  }
0xd3: {  	[hbm4b:s1+s2] =	stream.linear.scatter [tilespmem:s8], [sflag:$0x6], $0x4000, $0x38;
	[tilespmem:$0x10800] =	vst v63  }
0xd4: {  	_ =	swait.ge [sflag:s5], $0x4000  }
0xd5: {  	[sflag:s5] =	ssyncset.done $0x0  }
0xd6: {  	[sflag:s5] =	ssyncadd.s32 $0xFFFFC000  }
0xd7: {  	[tilespmem:s8], [sflag:$0x2] =	stream.indirect.gather [hbm4b:s3+s14], $0x80, s22, s14, $0xb8;
	[tilespmem:$0x10800] =	vst v63  }
0xd8: {  	_ =	swait.ge [sflag:s10], $0x4000  }
0xd9: {  	[sflag:s10] =	ssyncset.done $0x0  }
0xda: {  	s1 =	rddreg [dreg:$0xa];
	[sflag:s10] =	ssyncadd.s32 $0xFFFFC000  }
0xdb: {  	[hbm4b:s1+s2] =	stream.linear.scatter [tilespmem:s7], [sflag:$0x7], $0x4000, $0x38;
	[tilespmem:$0x10800] =	vst v63  }
0xdc: {  	_ =	swait.ge [sflag:s6], $0x4000  }
0xdd: {  	[sflag:s6] =	ssyncset.done $0x0  }
0xde: {  	[sflag:s6] =	ssyncadd.s32 $0xFFFFC000  }
0xdf: {  	[tilespmem:s7], [sflag:$0x3] =	stream.indirect.gather [hbm4b:s3+s14], $0x80, s21, s14, $0xb8;
	[tilespmem:$0x10800] =	vst v63  }
0xe0: {  	_ =	swait.ge [sflag:s16], $0x4000  }
0xe1: {  	[sflag:s16] =	ssyncset.done $0x0  }
0xe2: {  	s1 =	rddreg [dreg:$0xb];
	[sflag:s16] =	ssyncadd.s32 $0xFFFFC000  }
0xe3: {  	[hbm4b:s1+s2] =	stream.linear.scatter [tilespmem:s15], [sflag:$0x8], $0x4000, $0x38;
	[tilespmem:$0x10800] =	vst v63  }
0xe4: {  	_ =	swait.ge [sflag:s11], $0x4000  }
0xe5: {  	[sflag:s11] =	ssyncset.done $0x0  }
0xe6: {  	[sflag:s11] =	ssyncadd.s32 $0xFFFFC000  }
0xe7: {  	[tilespmem:s15], [sflag:$0x4] =	stream.indirect.gather [hbm4b:s3+s14], $0x80, s20, s14, $0xb8;
	[tilespmem:$0x10800] =	vst v63  }
0xe8: {  	_ =	swait.ge [sflag:s13], $0x4000  }
0xe9: {  	[sflag:s13] =	ssyncset.done $0x0  }
0xea: {  	s1 =	rddreg [dreg:$0xc];
	[sflag:s13] =	ssyncadd.s32 $0xFFFFC000  }
0xeb: {  	[hbm4b:s1+s2] =	stream.linear.scatter [tilespmem:s9], [sflag:$0x5], $0x4000, $0x38;
	[tilespmem:$0x10800] =	vst v63  }
0xec: {  	_ =	swait.ge [sflag:s4], $0x4000  }
0xed: {  	[sflag:s4] =	ssyncset.done $0x0  }
0xee: {  	[sflag:s4] =	ssyncadd.s32 $0xFFFFC000  }
0xef: {  	[tilespmem:s9], [sflag:$0x1] =	stream.indirect.gather [hbm4b:s3+s14], $0x80, s19, s14, $0xb8;
	[tilespmem:$0x10800] =	vst v63  }
0xf0: {  	_ =	swait.ge [sflag:s12], $0x4000  }
0xf1: {  	[sflag:s12] =	ssyncset.done $0x0  }
0xf2: {  	s1 =	rddreg [dreg:$0xd];
	[sflag:s12] =	ssyncadd.s32 $0xFFFFC000  }
0xf3: {  	[hbm4b:s1+s2] =	stream.linear.scatter [tilespmem:s8], [sflag:$0x6], $0x4000, $0x38;
	[tilespmem:$0x10800] =	vst v63  }
0xf4: {  	_ =	swait.ge [sflag:s5], $0x4000  }
0xf5: {  	[sflag:s5] =	ssyncset.done $0x0  }
0xf6: {  	[sflag:s5] =	ssyncadd.s32 $0xFFFFC000  }
0xf7: {  	[tilespmem:s8], [sflag:$0x2] =	stream.indirect.gather [hbm4b:s3+s14], $0x80, s18, s14, $0xb8;
	[tilespmem:$0x10800] =	vst v63  }
0xf8: {  	_ =	swait.ge [sflag:s10], $0x4000  }
0xf9: {  	[sflag:s10] =	ssyncset.done $0x0  }
0xfa: {  	s1 =	rddreg [dreg:$0xe];
	[sflag:s10] =	ssyncadd.s32 $0xFFFFC000  }
0xfb: {  	[hbm4b:s1+s2] =	stream.linear.scatter [tilespmem:s7], [sflag:$0x7], $0x4000, $0x38;
	[tilespmem:$0x10800] =	vst v63  }
0xfc: {  	_ =	swait.ge [sflag:s6], $0x4000  }
0xfd: {  	[sflag:s6] =	ssyncset.done $0x0  }
0xfe: {  	[sflag:s6] =	ssyncadd.s32 $0xFFFFC000  }
0xff: {  	[tilespmem:s7], [sflag:$0x3] =	stream.indirect.gather [hbm4b:s3+s14], $0x80, s17, s14, $0xb8;
	[tilespmem:$0x10800] =	vst v63  }
0x100: {  	_ =	swait.ge [sflag:s16], $0x4000  }
0x101: {  	[sflag:s16] =	ssyncset.done $0x0  }
0x102: {  	s1 =	rddreg [dreg:$0xf];
	[sflag:s16] =	ssyncadd.s32 $0xFFFFC000  }
0x103: {  	[hbm4b:s1+s2] =	stream.linear.scatter [tilespmem:s15], [sflag:$0x8], $0x4000, $0x38;
	[tilespmem:$0x10800] =	vst v63  }
0x104: {  	_ =	swait.ge [sflag:s13], $0x4000  }
0x105: {  	[sflag:s13] =	ssyncset.done $0x0  }
0x106: {  	s1 =	rddreg [dreg:$0x10];
	[sflag:s13] =	ssyncadd.s32 $0xFFFFC000  }
0x107: {  	[hbm4b:s1+s2] =	stream.linear.scatter [tilespmem:s9], [sflag:$0x5], $0x4000, $0x38;
	[tilespmem:$0x10800] =	vst v63  }
0x108: {  	_ =	swait.ge [sflag:s12], $0x4000  }
0x109: {  	[sflag:s12] =	ssyncset.done $0x0  }
0x10a: {  	s1 =	rddreg [dreg:$0x11];
	[sflag:s12] =	ssyncadd.s32 $0xFFFFC000  }
0x10b: {  	[hbm4b:s1+s2] =	stream.linear.scatter [tilespmem:s8], [sflag:$0x6], $0x4000, $0x38;
	[tilespmem:$0x10800] =	vst v63  }
0x10c: {  	_ =	swait.ge [sflag:s10], $0x4000  }
0x10d: {  	[sflag:s10] =	ssyncset.done $0x0  }
0x10e: {  	s1 =	rddreg [dreg:$0x12];
	[sflag:s10] =	ssyncadd.s32 $0xFFFFC000  }
0x10f: {  	[hbm4b:s1+s2] =	stream.linear.scatter [tilespmem:s7], [sflag:$0x7], $0x4000, $0x38;
	[tilespmem:$0x10800] =	vst v63  }
0x110: {  	_ =	swait.ge [sflag:s11], $0x4000  }
0x111: {  	[sflag:s11] =	ssyncset.done $0x0  }
0x112: {  	[sflag:s11] =	ssyncadd.s32 $0xFFFFC000  }
0x113: {  	_ =	swait.ge [sflag:s4], $0x4000  }
0x114: {  	[sflag:s4] =	ssyncset.done $0x0  }
0x115: {  	p1 =	sne.s32 s0, $0x1;
	[sflag:s4] =	ssyncadd.s32 $0xFFFFC000  }
.Ltmp2:
0x116: {  	_ =	swait.ge [sflag:s5], $0x4000;
	(pc) =	sbr.rel @p1 .LBB2_2-.Ltmp2, $4  }
0x117: {  	[sflag:s5] =	ssyncset.done $0x0  }
0x118: {  	[sflag:s5] =	ssyncadd.s32 $0xFFFFC000  }
0x119: {  	_ =	swait.ge [sflag:s6], $0x4000  }
0x11a: {  	s0 =	sadd.s32 $0xFFFFFFFF, s0;
	s1 =	rddreg [dreg:$0x3];
	[sflag:s6] =	ssyncset.done $0x0  }
.LBB2_3:
0x11b: {  	[sflag:s6] =	ssyncadd.s32 @p0 $0xFFFFC000  }
0x11c: {  	[tilespmem:s2], [sflag:$0x9] =	stream.linear.gather [hbm4b:s1+s2], $0x780, $0x38;
	[tilespmem:$0x10800] =	vst v63  }
0x11d: {  	_ =	swait.ge [sflag:s29], $0x780  }
0x11e: {  	[sflag:s29] =	ssyncset.done $0x0  }
0x11f: {  	[sflag:s29] =	ssyncadd.s32 $0xFFFFF880  }
0x120: {  	[tilespmem:s9], [sflag:$0x1] =	stream.indirect.gather [hbm4b:s3+s14], $0x80, s2, s14, $0xb8;
	[tilespmem:$0x10800] =	vst v63  }
0x121: {  	_ = 	snop  }
0x122: {  	[tilespmem:s8], [sflag:$0x2] =	stream.indirect.gather [hbm4b:s3+s14], $0x80, s14, s14, $0xb8;
	[tilespmem:$0x10800] =	vst v63  }
0x123: {  	_ = 	snop  }
0x124: {  	[tilespmem:s7], [sflag:$0x3] =	stream.indirect.gather [hbm4b:s3+s14], $0x80, s30, s14, $0xb8;
	[tilespmem:$0x10800] =	vst v63  }
0x125: {  	_ = 	snop  }
0x126: {  	[tilespmem:s15], [sflag:$0x4] =	stream.indirect.gather [hbm4b:s3+s14], $0x80, s31, s14, $0xb8;
	[tilespmem:$0x10800] =	vst v63  }
0x127: {  	_ =	swait.ge [sflag:s13], $0x4000  }
0x128: {  	[sflag:s13] =	ssyncset.done $0x0  }
0x129: {  	s0 =	rddreg [dreg:$0x4];
	[sflag:s13] =	ssyncadd.s32 $0xFFFFC000  }
0x12a: {  	[hbm4b:s0+s2] =	stream.linear.scatter [tilespmem:s9], [sflag:$0x5], $0x4000, $0x38;
	[tilespmem:$0x10800] =	vst v63  }
0x12b: {  	_ =	swait.ge [sflag:s4], $0x4000  }
0x12c: {  	[sflag:s4] =	ssyncset.done $0x0  }
0x12d: {  	[sflag:s4] =	ssyncadd.s32 $0xFFFFC000  }
0x12e: {  	[tilespmem:s9], [sflag:$0x1] =	stream.indirect.gather [hbm4b:s3+s14], $0x80, s28, s14, $0xb8;
	[tilespmem:$0x10800] =	vst v63  }
0x12f: {  	_ =	swait.ge [sflag:s12], $0x4000  }
0x130: {  	[sflag:s12] =	ssyncset.done $0x0  }
0x131: {  	s1 =	rddreg [dreg:$0x5];
	[sflag:s12] =	ssyncadd.s32 $0xFFFFC000  }
0x132: {  	[hbm4b:s1+s2] =	stream.linear.scatter [tilespmem:s8], [sflag:$0x6], $0x4000, $0x38;
	[tilespmem:$0x10800] =	vst v63  }
0x133: {  	_ =	swait.ge [sflag:s5], $0x4000  }
0x134: {  	[sflag:s5] =	ssyncset.done $0x0  }
0x135: {  	[sflag:s5] =	ssyncadd.s32 $0xFFFFC000  }
0x136: {  	[tilespmem:s8], [sflag:$0x2] =	stream.indirect.gather [hbm4b:s3+s14], $0x80, s26, s14, $0xb8;
	[tilespmem:$0x10800] =	vst v63  }
0x137: {  	_ =	swait.ge [sflag:s10], $0x4000  }
0x138: {  	[sflag:s10] =	ssyncset.done $0x0  }
0x139: {  	s28 =	rddreg [dreg:$0x6];
	[sflag:s10] =	ssyncadd.s32 $0xFFFFC000  }
0x13a: {  	[hbm4b:s28+s2] =	stream.linear.scatter [tilespmem:s7], [sflag:$0x7], $0x4000, $0x38;
	[tilespmem:$0x10800] =	vst v63  }
0x13b: {  	_ =	swait.ge [sflag:s6], $0x4000  }
0x13c: {  	[sflag:s6] =	ssyncset.done $0x0  }
0x13d: {  	[sflag:s6] =	ssyncadd.s32 $0xFFFFC000  }
0x13e: {  	[tilespmem:s7], [sflag:$0x3] =	stream.indirect.gather [hbm4b:s3+s14], $0x80, s25, s14, $0xb8;
	[tilespmem:$0x10800] =	vst v63  }
0x13f: {  	_ =	swait.ge [sflag:s16], $0x4000  }
0x140: {  	[sflag:s16] =	ssyncset.done $0x0  }
0x141: {  	s29 =	rddreg [dreg:$0x7];
	[sflag:s16] =	ssyncadd.s32 $0xFFFFC000  }
0x142: {  	[hbm4b:s29+s2] =	stream.linear.scatter [tilespmem:s15], [sflag:$0x8], $0x4000, $0x38;
	[tilespmem:$0x10800] =	vst v63  }
0x143: {  	_ =	swait.ge [sflag:s11], $0x4000  }
0x144: {  	[sflag:s11] =	ssyncset.done $0x0  }
0x145: {  	[sflag:s11] =	ssyncadd.s32 $0xFFFFC000  }
0x146: {  	[tilespmem:s15], [sflag:$0x4] =	stream.indirect.gather [hbm4b:s3+s14], $0x80, s24, s14, $0xb8;
	[tilespmem:$0x10800] =	vst v63  }
0x147: {  	_ =	swait.ge [sflag:s13], $0x4000  }
0x148: {  	[sflag:s13] =	ssyncset.done $0x0  }
0x149: {  	s30 =	rddreg [dreg:$0x8];
	[sflag:s13] =	ssyncadd.s32 $0xFFFFC000  }
0x14a: {  	[hbm4b:s30+s2] =	stream.linear.scatter [tilespmem:s9], [sflag:$0x5], $0x4000, $0x38;
	[tilespmem:$0x10800] =	vst v63  }
0x14b: {  	_ =	swait.ge [sflag:s4], $0x4000  }
0x14c: {  	[sflag:s4] =	ssyncset.done $0x0  }
0x14d: {  	[sflag:s4] =	ssyncadd.s32 $0xFFFFC000  }
0x14e: {  	[tilespmem:s9], [sflag:$0x1] =	stream.indirect.gather [hbm4b:s3+s14], $0x80, s23, s14, $0xb8;
	[tilespmem:$0x10800] =	vst v63  }
0x14f: {  	_ =	swait.ge [sflag:s12], $0x4000  }
0x150: {  	[sflag:s12] =	ssyncset.done $0x0  }
0x151: {  	s31 =	rddreg [dreg:$0x9];
	[sflag:s12] =	ssyncadd.s32 $0xFFFFC000  }
0x152: {  	[hbm4b:s31+s2] =	stream.linear.scatter [tilespmem:s8], [sflag:$0x6], $0x4000, $0x38;
	[tilespmem:$0x10800] =	vst v63  }
0x153: {  	_ =	swait.ge [sflag:s5], $0x4000  }
0x154: {  	[sflag:s5] =	ssyncset.done $0x0  }
0x155: {  	[sflag:s5] =	ssyncadd.s32 $0xFFFFC000  }
0x156: {  	[tilespmem:s8], [sflag:$0x2] =	stream.indirect.gather [hbm4b:s3+s14], $0x80, s22, s14, $0xb8;
	[tilespmem:$0x10800] =	vst v63  }
0x157: {  	_ =	swait.ge [sflag:s10], $0x4000  }
0x158: {  	[sflag:s10] =	ssyncset.done $0x0  }
0x159: {  	s1 =	rddreg [dreg:$0xa];
	[sflag:s10] =	ssyncadd.s32 $0xFFFFC000  }
0x15a: {  	[hbm4b:s1+s2] =	stream.linear.scatter [tilespmem:s7], [sflag:$0x7], $0x4000, $0x38;
	[tilespmem:$0x10800] =	vst v63  }
0x15b: {  	_ =	swait.ge [sflag:s6], $0x4000  }
0x15c: {  	[sflag:s6] =	ssyncset.done $0x0  }
0x15d: {  	[sflag:s6] =	ssyncadd.s32 $0xFFFFC000  }
0x15e: {  	[tilespmem:s7], [sflag:$0x3] =	stream.indirect.gather [hbm4b:s3+s14], $0x80, s21, s14, $0xb8;
	[tilespmem:$0x10800] =	vst v63  }
0x15f: {  	_ =	swait.ge [sflag:s16], $0x4000  }
0x160: {  	[sflag:s16] =	ssyncset.done $0x0  }
0x161: {  	s22 =	rddreg [dreg:$0xb];
	[sflag:s16] =	ssyncadd.s32 $0xFFFFC000  }
0x162: {  	[hbm4b:s22+s2] =	stream.linear.scatter [tilespmem:s15], [sflag:$0x8], $0x4000, $0x38;
	[tilespmem:$0x10800] =	vst v63  }
0x163: {  	_ =	swait.ge [sflag:s11], $0x4000  }
0x164: {  	[sflag:s11] =	ssyncset.done $0x0  }
0x165: {  	[sflag:s11] =	ssyncadd.s32 $0xFFFFC000  }
0x166: {  	[tilespmem:s15], [sflag:$0x4] =	stream.indirect.gather [hbm4b:s3+s14], $0x80, s20, s14, $0xb8;
	[tilespmem:$0x10800] =	vst v63  }
0x167: {  	_ =	swait.ge [sflag:s13], $0x4000  }
0x168: {  	[sflag:s13] =	ssyncset.done $0x0  }
0x169: {  	s23 =	rddreg [dreg:$0xc];
	[sflag:s13] =	ssyncadd.s32 $0xFFFFC000  }
0x16a: {  	[hbm4b:s23+s2] =	stream.linear.scatter [tilespmem:s9], [sflag:$0x5], $0x4000, $0x38;
	[tilespmem:$0x10800] =	vst v63  }
0x16b: {  	_ =	swait.ge [sflag:s4], $0x4000  }
0x16c: {  	[sflag:s4] =	ssyncset.done $0x0  }
0x16d: {  	[sflag:s4] =	ssyncadd.s32 $0xFFFFC000  }
0x16e: {  	[tilespmem:s9], [sflag:$0x1] =	stream.indirect.gather [hbm4b:s3+s14], $0x80, s19, s14, $0xb8;
	[tilespmem:$0x10800] =	vst v63  }
0x16f: {  	_ =	swait.ge [sflag:s12], $0x4000  }
0x170: {  	[sflag:s12] =	ssyncset.done $0x0  }
0x171: {  	s24 =	rddreg [dreg:$0xd];
	[sflag:s12] =	ssyncadd.s32 $0xFFFFC000  }
0x172: {  	[hbm4b:s24+s2] =	stream.linear.scatter [tilespmem:s8], [sflag:$0x6], $0x4000, $0x38;
	[tilespmem:$0x10800] =	vst v63  }
0x173: {  	_ =	swait.ge [sflag:s5], $0x4000  }
0x174: {  	[sflag:s5] =	ssyncset.done $0x0  }
0x175: {  	[sflag:s5] =	ssyncadd.s32 $0xFFFFC000  }
0x176: {  	[tilespmem:s8], [sflag:$0x2] =	stream.indirect.gather [hbm4b:s3+s14], $0x80, s18, s14, $0xb8;
	[tilespmem:$0x10800] =	vst v63  }
0x177: {  	_ =	swait.ge [sflag:s10], $0x4000  }
0x178: {  	[sflag:s10] =	ssyncset.done $0x0  }
0x179: {  	s25 =	rddreg [dreg:$0xe];
	[sflag:s10] =	ssyncadd.s32 $0xFFFFC000  }
0x17a: {  	[hbm4b:s25+s2] =	stream.linear.scatter [tilespmem:s7], [sflag:$0x7], $0x4000, $0x38;
	[tilespmem:$0x10800] =	vst v63  }
0x17b: {  	_ =	swait.ge [sflag:s6], $0x4000  }
0x17c: {  	[sflag:s6] =	ssyncset.done $0x0  }
0x17d: {  	[sflag:s6] =	ssyncadd.s32 $0xFFFFC000  }
0x17e: {  	[tilespmem:s7], [sflag:$0x3] =	stream.indirect.gather [hbm4b:s3+s14], $0x80, s17, s14, $0xb8;
	[tilespmem:$0x10800] =	vst v63  }
0x17f: {  	_ =	swait.ge [sflag:s16], $0x4000  }
0x180: {  	[sflag:s16] =	ssyncset.done $0x0  }
0x181: {  	s26 =	rddreg [dreg:$0xf];
	[sflag:s16] =	ssyncadd.s32 $0xFFFFC000  }
0x182: {  	[hbm4b:s26+s2] =	stream.linear.scatter [tilespmem:s15], [sflag:$0x8], $0x4000, $0x38;
	[tilespmem:$0x10800] =	vst v63  }
0x183: {  	_ =	swait.ge [sflag:s13], $0x4000  }
0x184: {  	[sflag:s13] =	ssyncset.done $0x0  }
0x185: {  	s28 =	rddreg [dreg:$0x10];
	[sflag:s13] =	ssyncadd.s32 $0xFFFFC000  }
0x186: {  	[hbm4b:s28+s2] =	stream.linear.scatter [tilespmem:s9], [sflag:$0x5], $0x4000, $0x38;
	[tilespmem:$0x10800] =	vst v63  }
0x187: {  	_ =	swait.ge [sflag:s12], $0x4000  }
0x188: {  	[sflag:s12] =	ssyncset.done $0x0  }
0x189: {  	s29 =	rddreg [dreg:$0x11];
	[sflag:s12] =	ssyncadd.s32 $0xFFFFC000  }
0x18a: {  	[hbm4b:s29+s2] =	stream.linear.scatter [tilespmem:s8], [sflag:$0x6], $0x4000, $0x38;
	[tilespmem:$0x10800] =	vst v63  }
0x18b: {  	_ =	swait.ge [sflag:s10], $0x4000  }
0x18c: {  	[sflag:s10] =	ssyncset.done $0x0  }
0x18d: {  	s30 =	rddreg [dreg:$0x12];
	[sflag:s10] =	ssyncadd.s32 $0xFFFFC000  }
0x18e: {  	[hbm4b:s30+s2] =	stream.linear.scatter [tilespmem:s7], [sflag:$0x7], $0x4000, $0x38;
	[tilespmem:$0x10800] =	vst v63  }
0x18f: {  	_ =	swait.ge [sflag:s11], $0x4000  }
0x190: {  	[sflag:s11] =	ssyncset.done $0x0  }
0x191: {  	[sflag:s11] =	ssyncadd.s32 $0xFFFFC000  }
0x192: {  	_ =	swait.ge [sflag:s4], $0x4000  }
0x193: {  	[sflag:s4] =	ssyncset.done $0x0  }
0x194: {  	[sflag:s4] =	ssyncadd.s32 $0xFFFFC000  }
0x195: {  	_ =	swait.ge [sflag:s5], $0x4000  }
0x196: {  	[sflag:s5] =	ssyncset.done $0x0  }
0x197: {  	[sflag:s5] =	ssyncadd.s32 $0xFFFFC000  }
0x198: {  	_ =	swait.ge [sflag:s6], $0x4000  }
0x199: {  	[sflag:s6] =	ssyncset.done $0x0  }
0x19a: {  	[sflag:s6] =	ssyncadd.s32 $0xFFFFC000  }
0x19b: {  	_ =	sfence.sel $0x180000  }
0x19c: {  	[bflag:$0x0] =	sbarrier.arrive $0xFFFF  }
0x19d: {  	_ =	strace $0x90000047  }
0x19e: {  	s31 =	stileid.u32;
	[bflag:$0x2] =	sbarrier.arrive $0xFFFF  }
0x19f: {  	p0 =	sne.s32 s31, $0x0;
	s0 =	rddreg [dreg:$0x2]  }
0x1a0: {  	s0 =	sadd.s32 @!p0 $0x100000, s0  }
0x1a1: {  	[sflag:s0] =	ssyncadd.tile.s32 @!p0 $0x1;
	_ =	shalt  }
.Lfunc_end2:
_tile_overlayer_lowered:
.L_overlay_start_2:
0x1a2: {  	(tag) =	ssettag $0x2  }
0x1a3: {  	s0 =	rddreg [dreg:$0x0];
	s2 =	stileid.u32  }
0x1a4: {  	s1 =	rddreg [dreg:$0x1];
	p0 =	sne.s32 s2, $0x0  }
0x1a5: {  	s3 =	rddreg [dreg:$0x2];
	[bflag:$0x3] =	sbarrier.arrive $0xFFFF;
	s2 =	simm.s32 @!p0 $0x1C09  }
0x1a6: {  	[timem:s3], [sflag:s2] =	dma.local @!p0 [hbm:s0], s1  }
0x1a7: {  	s0 =	simm.s32 @!p0 $0x9  }
0x1a8: {  	_ =	swait.ge @!p0 [sflag:s0], s1  }
0x1a9: {  	s1 =	ssub.s32 @!p0 $0x0, s1;
	[sflag:s0] =	ssyncset.done @!p0 $0x0  }
0x1aa: {  	[sflag:s0] =	ssyncadd.s32 @!p0 s1  }
0x1ab: {  	[bflag:$0x3] =	sbarrier.arrive $0xFFFF  }
0x1ac: {  	_ =	shalt  }

// kernel: kernel.9.cloned.1.call-start
scs
__scs_entry_jumppad:
0x0: {  	(pc) =	sbr.rel $0x88, $3  }
0x1: {  	(tag) =	ssettag $0x0;
	lr =	simm.s32 $0x1  }
0x2: {  	[smem:$0x3F9B] =	sst lr;
	_ =	strace $0xD0000000  }
0x3: {  	_ = 	snop  }
0x4: {  	_ = 	snop  }
0x5: {  	_ = 	snop  }
0x6: {  	_ = 	snop  }
0x7: {  	_ = 	snop  }
__scs_overlays_trampoline_lowered:
0x8: {  	[smem:$0x3FAA] =	sst s0  }
0x9: {  	[smem:$0x3FAB] =	sst s1  }
0xa: {  	[smem:$0x3FAC] =	sst s2  }
0xb: {  	[smem:$0x3FAD] =	sst s3  }
0xc: {  	[smem:$0x3FAE] =	sst s4  }
0xd: {  	[smem:$0x3FAF] =	sst s5  }
0xe: {  	[smem:$0x3FB0] =	sst s6  }
0xf: {  	[smem:$0x3FB1] =	sst s7  }
0x10: {  	[smem:$0x3FB2] =	sst s8  }
0x11: {  	[smem:$0x3FB3] =	sst s9;
	s0 =	simm.s32 @!p0 $0x0  }
0x12: {  	s1 =	sld [smem:$0x3F99];
	s0 =	simm.s32 @p0 $0x1  }
0x13: {  	[smem:$0x3FB4] =	sst s0;
	s0 =	simm.s32 @!p1 $0x0  }
0x14: {  	s2 =	sld [smem:$0x3F98];
	s0 =	simm.s32 @p1 $0x1  }
0x15: {  	[smem:$0x3FB5] =	sst s0;
	s0 =	simm.s32 @!p2 $0x0  }
0x16: {  	s3 =	sld [smem:$0x3FDB];
	s0 =	simm.s32 @p2 $0x1  }
0x17: {  	s4 =	simm.s32 $0x1BF5;
	[smem:$0x3FB7] =	sst s0  }
0x18: {  	s0 =	sld [smem:$0x3F9A];
	_ =	swait.ge [sflag:s4], $0x0  }
0x19: {  	s7 =	sld [smem:$0x3F9B]  }
0x1a: {  	s8 =	sadd.s32 $0xFFFFE003, lr  }
0x1b: {  	s9 =	sadd.s32 $0xFFFFFEF7, lr;
	s5 =	simm.s32 $0xFFFFFFFF;
	p2 =	slt.u32 s8, $0xFFFFF086  }
0x1c: {  	p1 =	slt.u32 s9, $0xF7A;
	s5 =	simm.s32 @!p2 $0x0  }
0x1d: {  	s5 =	simm.s32 @p1 $0x1;
	p0 =	seq.s32 s7, s2  }
0x1e: {  	s7 =	smul.u32 @!p0 $0xF7A, s2;
	p2 =	seq.s32 @!p0 s5, $0x0  }
0x1f: {  	s9 =	smul.u32 $0xF7A, s1;
	s8 =	simm.s32 @!p0 $0x1BF5;
	p2 =	por !p2, p0  }
0x20: {  	[sflag:s8] =	ssyncset.s32 @!p0 $0xFFFFF086;
	s6 =	sadd.s32 @!p0 s3, s7;
	s7 =	simm.s32 @!p0 $0x108  }
0x21: {  	s3 =	sadd.s32 s3, s9;
	s6 =	sadd.s32 @!p0 $0x88, s6;
	s7 =	simm.s32 @p2 $0x1082  }
0x22: {  	[simem:s7], [sflag:s8] =	dma.local @!p0 [hbm:s6], $0xF7A  }
0x23: {  	s9 =	sor.u32 $0xD0000000, s2;
	s6 =	simm.s32 $0x108;
	_ =	swait.ge @!p0 [sflag:s8], $0x0  }
0x24: {  	s3 =	sadd.s32 $0x88, s3;
	s6 =	simm.s32 @!p1 $0x1082;
	[sflag:s4] =	ssyncset.s32 $0xFFFFF086  }
0x25: {  	[simem:s6], [sflag:s4] =	dma.local [hbm:s3], $0xF7A  }
0x26: {  	[smem:$0x3F9B] =	sst s1;
	(tag) =	ssettag s2;
	_ =	strace s9  }
0x27: {  	s1 =	sld [smem:$0x3FAB]  }
0x28: {  	s2 =	sld [smem:$0x3FAC]  }
0x29: {  	s4 =	sld [smem:$0x3FAE]  }
0x2a: {  	p0 =	seq.s32 s5, $0x0;
	s5 =	sld [smem:$0x3FAF]  }
0x2b: {  	s6 =	sld [smem:$0x3FB0]  }
0x2c: {  	s7 =	sld [smem:$0x3FB1]  }
0x2d: {  	s3 =	simm.s32 $0x108;
	s8 =	sld [smem:$0x3FB2]  }
0x2e: {  	s3 =	simm.s32 @!p0 $0x1082;
	s9 =	sld [smem:$0x3FB3]  }
0x2f: {  	lr =	sadd.s32 s0, s3;
	s0 =	sld [smem:$0x3FAA]  }
0x30: {  	s3 =	sld [smem:$0x3FAD]  }
0x31: {  	[smem:$0x3FB6] =	sst s10  }
0x32: {  	s10 =	sld [smem:$0x3FB4];
	_ =	sdelay $0x3  }
0x33: {  	p0 =	seq.s32 s10, $0x1;
	s10 =	sld [smem:$0x3FB6];
	_ =	sdelay $0x3  }
0x34: {  	[smem:$0x3FB6] =	sst s10  }
0x35: {  	s10 =	sld [smem:$0x3FB5];
	_ =	sdelay $0x3  }
0x36: {  	p1 =	seq.s32 s10, $0x1;
	s10 =	sld [smem:$0x3FB6];
	_ =	sdelay $0x3  }
0x37: {  	[smem:$0x3FB6] =	sst s10  }
0x38: {  	s10 =	sld [smem:$0x3FB7]  }
0x39: {  	_ = 	snop;
	(pc) =	sbr.ind lr, $3  }
0x3a: {  	_ = 	snop  }
0x3b: {  	_ = 	snop  }
0x3c: {  	p2 =	seq.s32 s10, $0x1;
	s10 =	sld [smem:$0x3FB6]  }
0x3d: {  	_ =	shalt  }
0x3e: {  	_ =	shalt  }
0x3f: {  	_ =	shalt  }
0x40: {  	_ =	shalt  }
0x41: {  	_ =	shalt  }
0x42: {  	_ =	shalt  }
0x43: {  	_ =	shalt  }
0x44: {  	_ =	shalt  }
0x45: {  	_ =	shalt  }
0x46: {  	_ =	shalt  }
0x47: {  	_ =	shalt  }
0x48: {  	_ =	shalt  }
0x49: {  	_ =	shalt  }
0x4a: {  	_ =	shalt  }
0x4b: {  	_ =	shalt  }
0x4c: {  	_ =	shalt  }
0x4d: {  	_ =	shalt  }
0x4e: {  	_ =	shalt  }
0x4f: {  	_ =	shalt  }
0x50: {  	_ =	shalt  }
0x51: {  	_ =	shalt  }
0x52: {  	_ =	shalt  }
0x53: {  	_ =	shalt  }
0x54: {  	_ =	shalt  }
0x55: {  	_ =	shalt  }
0x56: {  	_ =	shalt  }
0x57: {  	_ =	shalt  }
0x58: {  	_ =	shalt  }
0x59: {  	_ =	shalt  }
0x5a: {  	_ =	shalt  }
0x5b: {  	_ =	shalt  }
0x5c: {  	_ =	shalt  }
0x5d: {  	_ =	shalt  }
0x5e: {  	_ =	shalt  }
0x5f: {  	_ =	shalt  }
0x60: {  	_ =	shalt  }
0x61: {  	_ =	shalt  }
0x62: {  	_ =	shalt  }
0x63: {  	_ =	shalt  }
0x64: {  	_ =	shalt  }
0x65: {  	_ =	shalt  }
0x66: {  	_ =	shalt  }
0x67: {  	_ =	shalt  }
0x68: {  	_ =	shalt  }
0x69: {  	_ =	shalt  }
0x6a: {  	_ =	shalt  }
0x6b: {  	_ =	shalt  }
0x6c: {  	_ =	shalt  }
0x6d: {  	_ =	shalt  }
0x6e: {  	_ =	shalt  }
0x6f: {  	_ =	shalt  }
0x70: {  	_ =	shalt  }
0x71: {  	_ =	shalt  }
0x72: {  	_ =	shalt  }
0x73: {  	_ =	shalt  }
0x74: {  	_ =	shalt  }
0x75: {  	_ =	shalt  }
0x76: {  	_ =	shalt  }
0x77: {  	_ =	shalt  }
0x78: {  	_ =	shalt  }
0x79: {  	_ =	shalt  }
0x7a: {  	_ =	shalt  }
0x7b: {  	_ =	shalt  }
0x7c: {  	_ =	shalt  }
0x7d: {  	_ =	shalt  }
0x7e: {  	_ =	shalt  }
0x7f: {  	_ =	shalt  }
0x80: {  	_ =	shalt  }
0x81: {  	_ =	shalt  }
0x82: {  	_ =	shalt  }
0x83: {  	_ =	shalt  }
0x84: {  	_ =	shalt  }
0x85: {  	_ =	shalt  }
0x86: {  	_ =	shalt  }
0x87: {  	_ =	shalt  }
.Lfunc_end0:
.L_simem_size_0:
called_computation.1_lowered:
.L_overlay_start_0:
0x88: {  	s2 =	sld [smem:$0x3FD9]  }
0x89: {  	s3 =	sld [smem:$0x3FFE];
	_ =	sdelay $0x1  }
0x8a: {  	s1 =	srdreg.scid  }
0x8b: {  	s0 =	sand.u32 $0x1, s1  }
0x8c: {  	s17 =	sshll.u32 s0, $0xA;
	s2 =	sadd.s32 s3, s2  }
0x8d: {  	s2 =	sadd.s32 s2, s17  }
0x8e: {  	[smem:$0x3FC2] =	sst s2  }
0x8f: {  	_ = 	snop  }
0x90: {  	s2 =	sld [smem:$0x3FD0];
	(tm) =	ssettm $0x1  }
0x91: {  	s18 =	sld [smem:$0x3FFB];
	_ =	sdelay $0x3  }
0x92: {  	_ =	strace s18  }
0x93: {  	s3 =	sld [smem:$0x3FFC];
	_ =	sdelay $0x3  }
0x94: {  	_ =	strace s3  }
0x95: {  	s3 =	sld [smem:$0x3FFD];
	_ =	sdelay $0x3  }
0x96: {  	_ =	strace s3  }
0x97: {  	_ =	strace $0x8FFFFFFF  }
0x98: {  	s19 =	sld [smem:$0x3FDB];
	_ =	sdelay $0x1  }
0x99: {  	s4 =	simm.s32 $_scs_section_size  }
0x9a: {  	s5 =	simm.s32 $_size__tile_overlayer_lowered;
	s6 =	simm.s32 $_tile_overlayer_lowered  }
0x9b: {  	s22 =	simm.s32 $0x1BFF;
	s21 =	sshll.u32 s6, $0x1;
	s3 =	sadd.s32 s4, s19  }
0x9c: {  	s7 =	simm.s32 $0x0;
	s20 =	sshll.u32 s5, $0x1;
	s5 =	sadd.s32 s21, s3  }
0x9d: {  	[timem:s7], [sflag:s22] =	dma.local [hbm:s5], s20  }
0x9e: {  	_ =	swait.ge [sflag:s22], s20  }
0x9f: {  	s4 =	ssub.s32 $0x0, s20;
	[sflag:s22] =	ssyncset.done $0x0  }
0xa0: {  	[sflag:s22] =	ssyncadd.s32 s4;
	_ =	sdelay $0x1  }
0xa1: {  	s23 =	simm.s32 $0x1B8B  }
0xa2: {  	_ =	swait.ge [sflag:s23], $0x1  }
0xa3: {  	[sflag:s23] =	ssyncset.done $0x0  }
0xa4: {  	s25 =	simm.s32 $0x1B8E;
	s24 =	sld [smem:$0x3FFE];
	[sflag:s23] =	ssyncadd.s32 $0xFFFFFFFF  }
0xa5: {  	s26 =	simm.s32 $execute0_lowered;
	[smem:$0x3FD2] =	sst s25  }
0xa6: {  	s5 =	sshll.u32 s26, $0x1;
	_ =	strace $0x80000049;
	[dreg:$0x1] =	wrdreg $0xFFFFFFFF  }
0xa7: {  	s28 =	simm.s32 $_size_execute0_lowered;
	s3 =	sadd.s32 s3, s5;
	[dreg:$0x0] =	wrdreg $0x0  }
0xa8: {  	s5 =	sshll.u32 s28, $0x1;
	[dreg:$0x2] =	wrdreg s3  }
0xa9: {  	[dreg:$0x3] =	wrdreg s5  }
0xaa: {  	[dreg:$0x4] =	wrdreg $0xC0  }
0xab: {  	_ =	task [dreg:s7], $0x5FFFF  }
0xac: {  	[dreg:$0x1] =	wrdreg $0xFFFFFFFF  }
0xad: {  	[dreg:$0x0] =	wrdreg $0x60  }
0xae: {  	[dreg:$0x2] =	wrdreg s24  }
0xaf: {  	[dreg:$0x3] =	wrdreg s2  }
0xb0: {  	[dreg:$0x4] =	wrdreg $0x88000  }
0xb1: {  	[dreg:$0x5] =	wrdreg $0x9  }
0xb2: {  	_ =	task.clear_ibuf [dreg:s7], $0x6FFFF;
	_ =	strace $0x90000049  }
0xb3: {  	s29 =	simm.s32 $0x9;
	_ =	strace $0x8000004B  }
0xb4: {  	_ =	swait.ge [sflag:s29], $0x1  }
0xb5: {  	[sflag:s29] =	ssyncadd.s32 $0xFFFFFFFF  }
0xb6: {  	_ =	strace $0x9000004B  }
0xb7: {  	_ =	sfence  }
0xb8: {  	s30 =	sld [smem:$0x0];
	_ =	sdelay $0x2  }
0xb9: {  	s31 =	sshll.u32 s1, $0xD;
	s1 =	sshrl.u32 s1, $0x2  }
0xba: {  	s3 =	sand.u32 $0x4000, s31;
	s1 =	sadd.s32 s1, s30  }
0xbb: {  	s0 =	sor.u32 s3, s0;
	s1 =	sshll.u32 s1, $0x11  }
0xbc: {  	s0 =	sor.u32 s1, s0  }
0xbd: {  	s0 =	sadd.s32 $0x8F2B, s0  }
0xbe: {  	[sflag:s0] =	ssyncadd.remote.s32 $0x1  }
0xbf: {  	_ =	sfence.sel $0xFFFF  }
0xc0: {  	[dreg:$0x0] =	wrdreg $0xFFFFFFFF;
	(pc) =	sbr.abs _section_cstart, $3  }
0xc1: {  	[dreg:$0x1] =	wrdreg $0xFFFFFFFF  }
0xc2: {  	_ =	task.clear_ibuf [dreg:s7], $0x2FFFF;
	_ =	strace $0x9FFFFFFF  }
0xc3: {  	(tm) =	ssettm $0x7FFFFFFF  }
tec
execute0_lowered:
.L_overlay_start_1:
0x0: {  	(tag) =	ssettag $0x1  }
0x1: {  	s7 =	rddreg [dreg:$0x0]  }
0x2: {  	s1 =	rddreg [dreg:$0x1];
	s2 =	srdreg.scid  }
0x3: {  	s0 =	stileid.u32;
	[dreg:$0x4] =	wrdreg s1;
	s31 =	sand.u32 $0x1, s2  }
0x4: {  	s3 =	simm.s32 $0x0;
	s2 =	rddreg [dreg:$0x2];
	s4 =	sshll.u32 s31, $0x4  }
0x5: {  	[smem:$0x7FF] =	sst s3;
	s4 =	sor.u32 s0, s4  }
0x6: {  	_ =	strace $0x8000004A;
	s5 =	sshll.u32 s4, $0x8;
	s6 =	smul.u32 $0x3C000, s4  }
0x7: {  	s23 =	rddreg [dreg:$0x4];
	s4 =	smul.u32 $0x7800, s4;
	s5 =	sadd.s32 s5, s7  }
0x8: {  	s7 =	sadd.s32 $0xF5800, s7;
	s5 =	sadd.s32 $0xF3800, s5;
	s6 =	sshrl.u32 s6, $0x3  }
0x9: {  	s4 =	sadd.s32 s7, s4;
	[dreg:$0x5] =	wrdreg s5;
	s29 =	sadd.s32 s7, s6  }
0xa: {  	[dreg:$0x6] =	wrdreg s4;
	s16 =	sadd.s32 $0x800, s29  }
0xb: {  	s17 =	sadd.s32 $0x1000, s29;
	[dreg:$0x7] =	wrdreg s16  }
0xc: {  	s18 =	smul.u32 $0x4F000, s0;
	s19 =	sadd.s32 $0x1800, s29;
	[dreg:$0x8] =	wrdreg s17  }
0xd: {  	s22 =	sshll.u32 s0, $0x6;
	s20 =	sadd.s32 $0x2000, s29;
	[dreg:$0x9] =	wrdreg s19  }
0xe: {  	s5 =	sshrl.u32 s18, $0x2;
	s21 =	sadd.s32 $0x2800, s29;
	[dreg:$0xa] =	wrdreg s20  }
0xf: {  	s4 =	sor.u32 $0x1C01, s22;
	s6 =	sadd.s32 $0x3000, s29;
	[dreg:$0xb] =	wrdreg s21  }
0x10: {  	s5 =	sadd.s32 s5, s2;
	s24 =	sadd.s32 $0x3800, s29;
	[dreg:$0xc] =	wrdreg s6  }
0x11: {  	[dreg:$0xd] =	wrdreg s24;
	s6 =	sshrl.u32 s5, $0x3;
	s5 =	simm.s32 $0x1  }
0x12: {  	[spmem:s6], [sflag:s4] =	dma.local [hbm:s23], $0x2780  }
0x13: {  	_ =	swait.ge [sflag:s5], $0x2780  }
0x14: {  	[sflag:s5] =	ssyncset.done $0x0  }
0x15: {  	[sflag:s5] =	ssyncadd.s32 $0xFFFFD880  }
0x16: {  	[bflag:$0x0] =	sbarrier.arrive $0xFFFF  }
0x17: {  	s25 =	rddreg [dreg:$0x5]  }
0x18: {  	[tilespmem:s3], [sflag:$0x1] =	stream.linear.gather [hbm4b:s25+s3], $0x780, $0x38;
	[tilespmem:$0x1C400] =	vst v63  }
0x19: {  	_ =	swait.ge [sflag:s5], $0x780  }
0x1a: {  	[sflag:s5] =	ssyncset.done $0x0  }
0x1b: {  	s7 =	simm.s32 $0x800;
	s8 =	rddreg [dreg:$0x6];
	[sflag:s5] =	ssyncadd.s32 $0xFFFFF880  }
0x1c: {  	[tilespmem:s7], [sflag:$0x1] =	stream.linear.gather [hbm4b:s8+s3], $0x4000, $0x38;
	[tilespmem:$0x1C400] =	vst v63  }
0x1d: {  	_ =	swait.ge [sflag:s5], $0x4000  }
0x1e: {  	[sflag:s5] =	ssyncset.done $0x0  }
0x1f: {  	s8 =	simm.s32 $0x80;
	[sflag:s5] =	ssyncadd.s32 $0xFFFFC000  }
0x20: {  	[spmem:s2] =	stream.indirect.scatter.add.f32 [tilespmem:s7], [sflag:$0x1], $0x80, s3, s8, $0xb8;
	[tilespmem:$0x1C400] =	vst v63  }
0x21: {  	_ =	swait.ge [sflag:s5], $0x4000  }
0x22: {  	[sflag:s5] =	ssyncset.done $0x0  }
0x23: {  	s9 =	simm.s32 $0x4800;
	s10 =	rddreg [dreg:$0x7];
	[sflag:s5] =	ssyncadd.s32 $0xFFFFC000  }
0x24: {  	[tilespmem:s9], [sflag:$0x1] =	stream.linear.gather [hbm4b:s10+s3], $0x4000, $0x38;
	[tilespmem:$0x1C400] =	vst v63  }
0x25: {  	_ =	swait.ge [sflag:s5], $0x4000  }
0x26: {  	[sflag:s5] =	ssyncset.done $0x0  }
0x27: {  	[sflag:s5] =	ssyncadd.s32 $0xFFFFC000  }
0x28: {  	[spmem:s2] =	stream.indirect.scatter.add.f32 [tilespmem:s9], [sflag:$0x1], $0x80, s8, s8, $0xb8;
	[tilespmem:$0x1C400] =	vst v63  }
0x29: {  	_ =	swait.ge [sflag:s5], $0x4000  }
0x2a: {  	[sflag:s5] =	ssyncset.done $0x0  }
0x2b: {  	s26 =	rddreg [dreg:$0x8];
	[sflag:s5] =	ssyncadd.s32 $0xFFFFC000  }
0x2c: {  	[tilespmem:s7], [sflag:$0x1] =	stream.linear.gather [hbm4b:s26+s3], $0x4000, $0x38;
	[tilespmem:$0x1C400] =	vst v63  }
0x2d: {  	_ =	swait.ge [sflag:s5], $0x4000  }
0x2e: {  	[sflag:s5] =	ssyncset.done $0x0  }
0x2f: {  	s10 =	simm.s32 $0x100;
	[sflag:s5] =	ssyncadd.s32 $0xFFFFC000  }
0x30: {  	[spmem:s2] =	stream.indirect.scatter.add.f32 [tilespmem:s7], [sflag:$0x1], $0x80, s10, s8, $0xb8;
	[tilespmem:$0x1C400] =	vst v63  }
0x31: {  	_ =	swait.ge [sflag:s5], $0x4000  }
0x32: {  	[sflag:s5] =	ssyncset.done $0x0  }
0x33: {  	s11 =	rddreg [dreg:$0x9];
	[sflag:s5] =	ssyncadd.s32 $0xFFFFC000  }
0x34: {  	[tilespmem:s9], [sflag:$0x1] =	stream.linear.gather [hbm4b:s11+s3], $0x4000, $0x38;
	[tilespmem:$0x1C400] =	vst v63  }
0x35: {  	_ =	swait.ge [sflag:s5], $0x4000  }
0x36: {  	[sflag:s5] =	ssyncset.done $0x0  }
0x37: {  	s11 =	simm.s32 $0x180;
	[sflag:s5] =	ssyncadd.s32 $0xFFFFC000  }
0x38: {  	[spmem:s2] =	stream.indirect.scatter.add.f32 [tilespmem:s9], [sflag:$0x1], $0x80, s11, s8, $0xb8;
	[tilespmem:$0x1C400] =	vst v63  }
0x39: {  	_ =	swait.ge [sflag:s5], $0x4000  }
0x3a: {  	[sflag:s5] =	ssyncset.done $0x0  }
0x3b: {  	s12 =	rddreg [dreg:$0xa];
	[sflag:s5] =	ssyncadd.s32 $0xFFFFC000  }
0x3c: {  	[tilespmem:s7], [sflag:$0x1] =	stream.linear.gather [hbm4b:s12+s3], $0x4000, $0x38;
	[tilespmem:$0x1C400] =	vst v63  }
0x3d: {  	_ =	swait.ge [sflag:s5], $0x4000  }
0x3e: {  	[sflag:s5] =	ssyncset.done $0x0  }
0x3f: {  	s12 =	simm.s32 $0x200;
	[sflag:s5] =	ssyncadd.s32 $0xFFFFC000  }
0x40: {  	[spmem:s2] =	stream.indirect.scatter.add.f32 [tilespmem:s7], [sflag:$0x1], $0x80, s12, s8, $0xb8;
	[tilespmem:$0x1C400] =	vst v63  }
0x41: {  	_ =	swait.ge [sflag:s5], $0x4000  }
0x42: {  	[sflag:s5] =	ssyncset.done $0x0  }
0x43: {  	s13 =	rddreg [dreg:$0xb];
	[sflag:s5] =	ssyncadd.s32 $0xFFFFC000  }
0x44: {  	[tilespmem:s9], [sflag:$0x1] =	stream.linear.gather [hbm4b:s13+s3], $0x4000, $0x38;
	[tilespmem:$0x1C400] =	vst v63  }
0x45: {  	_ =	swait.ge [sflag:s5], $0x4000  }
0x46: {  	[sflag:s5] =	ssyncset.done $0x0  }
0x47: {  	s13 =	simm.s32 $0x280;
	[sflag:s5] =	ssyncadd.s32 $0xFFFFC000  }
0x48: {  	[spmem:s2] =	stream.indirect.scatter.add.f32 [tilespmem:s9], [sflag:$0x1], $0x80, s13, s8, $0xb8;
	[tilespmem:$0x1C400] =	vst v63  }
0x49: {  	_ =	swait.ge [sflag:s5], $0x4000  }
0x4a: {  	[sflag:s5] =	ssyncset.done $0x0  }
0x4b: {  	s14 =	rddreg [dreg:$0xc];
	[sflag:s5] =	ssyncadd.s32 $0xFFFFC000  }
0x4c: {  	[tilespmem:s7], [sflag:$0x1] =	stream.linear.gather [hbm4b:s14+s3], $0x4000, $0x38;
	[tilespmem:$0x1C400] =	vst v63  }
0x4d: {  	_ =	swait.ge [sflag:s5], $0x4000  }
0x4e: {  	[sflag:s5] =	ssyncset.done $0x0  }
0x4f: {  	s14 =	simm.s32 $0x300;
	[sflag:s5] =	ssyncadd.s32 $0xFFFFC000  }
0x50: {  	[spmem:s2] =	stream.indirect.scatter.add.f32 [tilespmem:s7], [sflag:$0x1], $0x80, s14, s8, $0xb8;
	[tilespmem:$0x1C400] =	vst v63  }
0x51: {  	_ =	swait.ge [sflag:s5], $0x4000  }
0x52: {  	[sflag:s5] =	ssyncset.done $0x0  }
0x53: {  	s15 =	rddreg [dreg:$0xd];
	[sflag:s5] =	ssyncadd.s32 $0xFFFFC000  }
0x54: {  	[tilespmem:s9], [sflag:$0x1] =	stream.linear.gather [hbm4b:s15+s3], $0x4000, $0x38;
	[tilespmem:$0x1C400] =	vst v63  }
0x55: {  	_ =	swait.ge [sflag:s5], $0x4000  }
0x56: {  	[sflag:s5] =	ssyncset.done $0x0  }
0x57: {  	s15 =	simm.s32 $0x380;
	[sflag:s5] =	ssyncadd.s32 $0xFFFFC000  }
0x58: {  	[spmem:s2] =	stream.indirect.scatter.add.f32 [tilespmem:s9], [sflag:$0x1], $0x80, s15, s8, $0xb8;
	[tilespmem:$0x1C400] =	vst v63  }
0x59: {  	_ =	swait.ge [sflag:s5], $0x4000  }
0x5a: {  	[sflag:s5] =	ssyncset.done $0x0  }
0x5b: {  	s16 =	sadd.s32 $0x4000, s29;
	[sflag:s5] =	ssyncadd.s32 $0xFFFFC000  }
0x5c: {  	[tilespmem:s7], [sflag:$0x1] =	stream.linear.gather [hbm4b:s16+s3], $0x4000, $0x38;
	[tilespmem:$0x1C400] =	vst v63  }
0x5d: {  	_ =	swait.ge [sflag:s5], $0x4000  }
0x5e: {  	[sflag:s5] =	ssyncset.done $0x0  }
0x5f: {  	s17 =	simm.s32 $0x400;
	[sflag:s5] =	ssyncadd.s32 $0xFFFFC000  }
0x60: {  	[spmem:s2] =	stream.indirect.scatter.add.f32 [tilespmem:s7], [sflag:$0x1], $0x80, s17, s8, $0xb8;
	[tilespmem:$0x1C400] =	vst v63  }
0x61: {  	_ =	swait.ge [sflag:s5], $0x4000  }
0x62: {  	[sflag:s5] =	ssyncset.done $0x0  }
0x63: {  	s18 =	sadd.s32 $0x4800, s29;
	[sflag:s5] =	ssyncadd.s32 $0xFFFFC000  }
0x64: {  	[tilespmem:s9], [sflag:$0x1] =	stream.linear.gather [hbm4b:s18+s3], $0x4000, $0x38;
	[tilespmem:$0x1C400] =	vst v63  }
0x65: {  	_ =	swait.ge [sflag:s5], $0x4000  }
0x66: {  	[sflag:s5] =	ssyncset.done $0x0  }
0x67: {  	s19 =	simm.s32 $0x480;
	[sflag:s5] =	ssyncadd.s32 $0xFFFFC000  }
0x68: {  	[spmem:s2] =	stream.indirect.scatter.add.f32 [tilespmem:s9], [sflag:$0x1], $0x80, s19, s8, $0xb8;
	[tilespmem:$0x1C400] =	vst v63  }
0x69: {  	_ =	swait.ge [sflag:s5], $0x4000  }
0x6a: {  	[sflag:s5] =	ssyncset.done $0x0  }
0x6b: {  	s20 =	sadd.s32 $0x5000, s29;
	[sflag:s5] =	ssyncadd.s32 $0xFFFFC000  }
0x6c: {  	[tilespmem:s7], [sflag:$0x1] =	stream.linear.gather [hbm4b:s20+s3], $0x4000, $0x38;
	[tilespmem:$0x1C400] =	vst v63  }
0x6d: {  	_ =	swait.ge [sflag:s5], $0x4000  }
0x6e: {  	[sflag:s5] =	ssyncset.done $0x0  }
0x6f: {  	s21 =	simm.s32 $0x500;
	[sflag:s5] =	ssyncadd.s32 $0xFFFFC000  }
0x70: {  	[spmem:s2] =	stream.indirect.scatter.add.f32 [tilespmem:s7], [sflag:$0x1], $0x80, s21, s8, $0xb8;
	[tilespmem:$0x1C400] =	vst v63  }
0x71: {  	_ =	swait.ge [sflag:s5], $0x4000  }
0x72: {  	[sflag:s5] =	ssyncset.done $0x0  }
0x73: {  	s22 =	sadd.s32 $0x5800, s29;
	[sflag:s5] =	ssyncadd.s32 $0xFFFFC000  }
0x74: {  	[tilespmem:s9], [sflag:$0x1] =	stream.linear.gather [hbm4b:s22+s3], $0x4000, $0x38;
	[tilespmem:$0x1C400] =	vst v63  }
0x75: {  	_ =	swait.ge [sflag:s5], $0x4000  }
0x76: {  	[sflag:s5] =	ssyncset.done $0x0  }
0x77: {  	s23 =	simm.s32 $0x580;
	[sflag:s5] =	ssyncadd.s32 $0xFFFFC000  }
0x78: {  	[spmem:s2] =	stream.indirect.scatter.add.f32 [tilespmem:s9], [sflag:$0x1], $0x80, s23, s8, $0xb8;
	[tilespmem:$0x1C400] =	vst v63  }
0x79: {  	_ =	swait.ge [sflag:s5], $0x4000  }
0x7a: {  	[sflag:s5] =	ssyncset.done $0x0  }
0x7b: {  	s24 =	sadd.s32 $0x6000, s29;
	[sflag:s5] =	ssyncadd.s32 $0xFFFFC000  }
0x7c: {  	[tilespmem:s7], [sflag:$0x1] =	stream.linear.gather [hbm4b:s24+s3], $0x4000, $0x38;
	[tilespmem:$0x1C400] =	vst v63  }
0x7d: {  	_ =	swait.ge [sflag:s5], $0x4000  }
0x7e: {  	[sflag:s5] =	ssyncset.done $0x0  }
0x7f: {  	s25 =	simm.s32 $0x600;
	[sflag:s5] =	ssyncadd.s32 $0xFFFFC000  }
0x80: {  	[spmem:s2] =	stream.indirect.scatter.add.f32 [tilespmem:s7], [sflag:$0x1], $0x80, s25, s8, $0xb8;
	[tilespmem:$0x1C400] =	vst v63  }
0x81: {  	_ =	swait.ge [sflag:s5], $0x4000  }
0x82: {  	[sflag:s5] =	ssyncset.done $0x0  }
0x83: {  	s26 =	sadd.s32 $0x6800, s29;
	[sflag:s5] =	ssyncadd.s32 $0xFFFFC000  }
0x84: {  	[tilespmem:s9], [sflag:$0x1] =	stream.linear.gather [hbm4b:s26+s3], $0x4000, $0x38;
	[tilespmem:$0x1C400] =	vst v63  }
0x85: {  	_ =	swait.ge [sflag:s5], $0x4000  }
0x86: {  	[sflag:s5] =	ssyncset.done $0x0  }
0x87: {  	s28 =	simm.s32 $0x680;
	[sflag:s5] =	ssyncadd.s32 $0xFFFFC000  }
0x88: {  	[spmem:s2] =	stream.indirect.scatter.add.f32 [tilespmem:s9], [sflag:$0x1], $0x80, s28, s8, $0xb8;
	[tilespmem:$0x1C400] =	vst v63  }
0x89: {  	_ =	swait.ge [sflag:s5], $0x4000  }
0x8a: {  	s1 =	smul.u32 $0x13C000, s31;
	[sflag:s5] =	ssyncset.done $0x0  }
0x8b: {  	s0 =	smul.u32 $0x13C00, s0;
	s29 =	sadd.s32 $0x7000, s29;
	[sflag:s5] =	ssyncadd.s32 $0xFFFFC000  }
0x8c: {  	[tilespmem:s7], [sflag:$0x1] =	stream.linear.gather [hbm4b:s29+s3], $0x4000, $0x38;
	[tilespmem:$0x1C400] =	vst v63  }
0x8d: {  	_ =	swait.ge [sflag:s5], $0x4000  }
0x8e: {  	s30 =	simm.s32 $0x700;
	s0 =	sadd.s32 s0, s1;
	[sflag:s5] =	ssyncset.done $0x0  }
0x8f: {  	s1 =	ssub.s32 $0x2, s31;
	s0 =	sshrl.u32 s0, $0x3;
	[sflag:s5] =	ssyncadd.s32 $0xFFFFC000  }
0x90: {  	[spmem:s2] =	stream.indirect.scatter.add.f32 [tilespmem:s7], [sflag:$0x1], $0x80, s30, s8, $0xb8;
	[tilespmem:$0x1C400] =	vst v63  }
0x91: {  	_ =	swait.ge [sflag:s5], $0x4000;
	[dreg:$0xe] =	wrdreg s0;
	s0 =	sshrl.u32 s1, $0x1  }
0x92: {  	[dreg:$0xf] =	wrdreg s0  }
0x93: {  	[sflag:s5] =	ssyncset.done $0x0;
	s31 =	rddreg [dreg:$0xe]  }
0x94: {  	s0 =	rddreg [dreg:$0x0]  }
0x95: {  	s0 =	sadd.s32 s31, s0;
	s31 =	rddreg [dreg:$0xf]  }
0x96: {  	s1 =	ssub.s32 s1, s31  }
0x97: {  	s1 =	smax.u32 s1, $0x1  }
0x98: {  	p0 =	sne.s32 s1, $0x1  }
.Ltmp0:
0x99: {  	_ = 	snop;
	(pc) =	sbr.rel @!p0 .LBB2_2-.Ltmp0, $4  }
0x9a: {  	[sflag:s5] =	ssyncadd.s32 $0xFFFFC000  }
0x9b: {  	[bflag:$0x0] =	sbarrier.arrive $0xFFFF;
	s31 =	sadd.s32 $0x1800, s0  }
0x9c: {  	[hbm:s31], [sflag:s4] =	dma.local [spmem:s6], $0x2780  }
0x9d: {  	s0 =	sadd.s32 $0xFFFFFFFF, s1;
	_ =	swait.ge [sflag:s5], $0x2780  }
.LBB2_1:
0x9e: {  	[sflag:s5] =	ssyncset.done $0x0  }
0x9f: {  	s1 =	rddreg [dreg:$0x4];
	[sflag:s5] =	ssyncadd.s32 $0xFFFFD880  }
0xa0: {  	[spmem:s6], [sflag:s4] =	dma.local [hbm:s1], $0x2780  }
0xa1: {  	_ =	swait.ge [sflag:s5], $0x2780  }
0xa2: {  	[sflag:s5] =	ssyncset.done $0x0  }
0xa3: {  	[sflag:s5] =	ssyncadd.s32 $0xFFFFD880  }
0xa4: {  	[bflag:$0x0] =	sbarrier.arrive $0xFFFF  }
0xa5: {  	s1 =	rddreg [dreg:$0x5]  }
0xa6: {  	[tilespmem:s3], [sflag:$0x1] =	stream.linear.gather [hbm4b:s1+s3], $0x780, $0x38;
	[tilespmem:$0x1C400] =	vst v63  }
0xa7: {  	_ =	swait.ge [sflag:s5], $0x780  }
0xa8: {  	[sflag:s5] =	ssyncset.done $0x0  }
0xa9: {  	s1 =	rddreg [dreg:$0x6];
	[sflag:s5] =	ssyncadd.s32 $0xFFFFF880  }
0xaa: {  	[tilespmem:s7], [sflag:$0x1] =	stream.linear.gather [hbm4b:s1+s3], $0x4000, $0x38;
	[tilespmem:$0x1C400] =	vst v63  }
0xab: {  	_ =	swait.ge [sflag:s5], $0x4000  }
0xac: {  	[sflag:s5] =	ssyncset.done $0x0  }
0xad: {  	[sflag:s5] =	ssyncadd.s32 $0xFFFFC000  }
0xae: {  	[spmem:s2] =	stream.indirect.scatter.add.f32 [tilespmem:s7], [sflag:$0x1], $0x80, s3, s8, $0xb8;
	[tilespmem:$0x1C400] =	vst v63  }
0xaf: {  	_ =	swait.ge [sflag:s5], $0x4000  }
0xb0: {  	[sflag:s5] =	ssyncset.done $0x0  }
0xb1: {  	s1 =	rddreg [dreg:$0x7];
	[sflag:s5] =	ssyncadd.s32 $0xFFFFC000  }
0xb2: {  	[tilespmem:s9], [sflag:$0x1] =	stream.linear.gather [hbm4b:s1+s3], $0x4000, $0x38;
	[tilespmem:$0x1C400] =	vst v63  }
0xb3: {  	_ =	swait.ge [sflag:s5], $0x4000  }
0xb4: {  	[sflag:s5] =	ssyncset.done $0x0  }
0xb5: {  	[sflag:s5] =	ssyncadd.s32 $0xFFFFC000  }
0xb6: {  	[spmem:s2] =	stream.indirect.scatter.add.f32 [tilespmem:s9], [sflag:$0x1], $0x80, s8, s8, $0xb8;
	[tilespmem:$0x1C400] =	vst v63  }
0xb7: {  	_ =	swait.ge [sflag:s5], $0x4000  }
0xb8: {  	[sflag:s5] =	ssyncset.done $0x0  }
0xb9: {  	s1 =	rddreg [dreg:$0x8];
	[sflag:s5] =	ssyncadd.s32 $0xFFFFC000  }
0xba: {  	[tilespmem:s7], [sflag:$0x1] =	stream.linear.gather [hbm4b:s1+s3], $0x4000, $0x38;
	[tilespmem:$0x1C400] =	vst v63  }
0xbb: {  	_ =	swait.ge [sflag:s5], $0x4000  }
0xbc: {  	[sflag:s5] =	ssyncset.done $0x0  }
0xbd: {  	[sflag:s5] =	ssyncadd.s32 $0xFFFFC000  }
0xbe: {  	[spmem:s2] =	stream.indirect.scatter.add.f32 [tilespmem:s7], [sflag:$0x1], $0x80, s10, s8, $0xb8;
	[tilespmem:$0x1C400] =	vst v63  }
0xbf: {  	_ =	swait.ge [sflag:s5], $0x4000  }
0xc0: {  	[sflag:s5] =	ssyncset.done $0x0  }
0xc1: {  	s1 =	rddreg [dreg:$0x9];
	[sflag:s5] =	ssyncadd.s32 $0xFFFFC000  }
0xc2: {  	[tilespmem:s9], [sflag:$0x1] =	stream.linear.gather [hbm4b:s1+s3], $0x4000, $0x38;
	[tilespmem:$0x1C400] =	vst v63  }
0xc3: {  	_ =	swait.ge [sflag:s5], $0x4000  }
0xc4: {  	[sflag:s5] =	ssyncset.done $0x0  }
0xc5: {  	[sflag:s5] =	ssyncadd.s32 $0xFFFFC000  }
0xc6: {  	[spmem:s2] =	stream.indirect.scatter.add.f32 [tilespmem:s9], [sflag:$0x1], $0x80, s11, s8, $0xb8;
	[tilespmem:$0x1C400] =	vst v63  }
0xc7: {  	_ =	swait.ge [sflag:s5], $0x4000  }
0xc8: {  	[sflag:s5] =	ssyncset.done $0x0  }
0xc9: {  	s1 =	rddreg [dreg:$0xa];
	[sflag:s5] =	ssyncadd.s32 $0xFFFFC000  }
0xca: {  	[tilespmem:s7], [sflag:$0x1] =	stream.linear.gather [hbm4b:s1+s3], $0x4000, $0x38;
	[tilespmem:$0x1C400] =	vst v63  }
0xcb: {  	_ =	swait.ge [sflag:s5], $0x4000  }
0xcc: {  	[sflag:s5] =	ssyncset.done $0x0  }
0xcd: {  	[sflag:s5] =	ssyncadd.s32 $0xFFFFC000  }
0xce: {  	[spmem:s2] =	stream.indirect.scatter.add.f32 [tilespmem:s7], [sflag:$0x1], $0x80, s12, s8, $0xb8;
	[tilespmem:$0x1C400] =	vst v63  }
0xcf: {  	_ =	swait.ge [sflag:s5], $0x4000  }
0xd0: {  	[sflag:s5] =	ssyncset.done $0x0  }
0xd1: {  	s1 =	rddreg [dreg:$0xb];
	[sflag:s5] =	ssyncadd.s32 $0xFFFFC000  }
0xd2: {  	[tilespmem:s9], [sflag:$0x1] =	stream.linear.gather [hbm4b:s1+s3], $0x4000, $0x38;
	[tilespmem:$0x1C400] =	vst v63  }
0xd3: {  	_ =	swait.ge [sflag:s5], $0x4000  }
0xd4: {  	[sflag:s5] =	ssyncset.done $0x0  }
0xd5: {  	[sflag:s5] =	ssyncadd.s32 $0xFFFFC000  }
0xd6: {  	[spmem:s2] =	stream.indirect.scatter.add.f32 [tilespmem:s9], [sflag:$0x1], $0x80, s13, s8, $0xb8;
	[tilespmem:$0x1C400] =	vst v63  }
0xd7: {  	_ =	swait.ge [sflag:s5], $0x4000  }
0xd8: {  	[sflag:s5] =	ssyncset.done $0x0  }
0xd9: {  	s1 =	rddreg [dreg:$0xc];
	[sflag:s5] =	ssyncadd.s32 $0xFFFFC000  }
0xda: {  	[tilespmem:s7], [sflag:$0x1] =	stream.linear.gather [hbm4b:s1+s3], $0x4000, $0x38;
	[tilespmem:$0x1C400] =	vst v63  }
0xdb: {  	_ =	swait.ge [sflag:s5], $0x4000  }
0xdc: {  	[sflag:s5] =	ssyncset.done $0x0  }
0xdd: {  	[sflag:s5] =	ssyncadd.s32 $0xFFFFC000  }
0xde: {  	[spmem:s2] =	stream.indirect.scatter.add.f32 [tilespmem:s7], [sflag:$0x1], $0x80, s14, s8, $0xb8;
	[tilespmem:$0x1C400] =	vst v63  }
0xdf: {  	_ =	swait.ge [sflag:s5], $0x4000  }
0xe0: {  	[sflag:s5] =	ssyncset.done $0x0  }
0xe1: {  	s1 =	rddreg [dreg:$0xd];
	[sflag:s5] =	ssyncadd.s32 $0xFFFFC000  }
0xe2: {  	[tilespmem:s9], [sflag:$0x1] =	stream.linear.gather [hbm4b:s1+s3], $0x4000, $0x38;
	[tilespmem:$0x1C400] =	vst v63  }
0xe3: {  	_ =	swait.ge [sflag:s5], $0x4000  }
0xe4: {  	[sflag:s5] =	ssyncset.done $0x0  }
0xe5: {  	[sflag:s5] =	ssyncadd.s32 $0xFFFFC000  }
0xe6: {  	[spmem:s2] =	stream.indirect.scatter.add.f32 [tilespmem:s9], [sflag:$0x1], $0x80, s15, s8, $0xb8;
	[tilespmem:$0x1C400] =	vst v63  }
0xe7: {  	_ =	swait.ge [sflag:s5], $0x4000  }
0xe8: {  	[sflag:s5] =	ssyncset.done $0x0  }
0xe9: {  	[sflag:s5] =	ssyncadd.s32 $0xFFFFC000  }
0xea: {  	[tilespmem:s7], [sflag:$0x1] =	stream.linear.gather [hbm4b:s16+s3], $0x4000, $0x38;
	[tilespmem:$0x1C400] =	vst v63  }
0xeb: {  	_ =	swait.ge [sflag:s5], $0x4000  }
0xec: {  	[sflag:s5] =	ssyncset.done $0x0  }
0xed: {  	[sflag:s5] =	ssyncadd.s32 $0xFFFFC000  }
0xee: {  	[spmem:s2] =	stream.indirect.scatter.add.f32 [tilespmem:s7], [sflag:$0x1], $0x80, s17, s8, $0xb8;
	[tilespmem:$0x1C400] =	vst v63  }
0xef: {  	_ =	swait.ge [sflag:s5], $0x4000  }
0xf0: {  	[sflag:s5] =	ssyncset.done $0x0  }
0xf1: {  	[sflag:s5] =	ssyncadd.s32 $0xFFFFC000  }
0xf2: {  	[tilespmem:s9], [sflag:$0x1] =	stream.linear.gather [hbm4b:s18+s3], $0x4000, $0x38;
	[tilespmem:$0x1C400] =	vst v63  }
0xf3: {  	_ =	swait.ge [sflag:s5], $0x4000  }
0xf4: {  	[sflag:s5] =	ssyncset.done $0x0  }
0xf5: {  	[sflag:s5] =	ssyncadd.s32 $0xFFFFC000  }
0xf6: {  	[spmem:s2] =	stream.indirect.scatter.add.f32 [tilespmem:s9], [sflag:$0x1], $0x80, s19, s8, $0xb8;
	[tilespmem:$0x1C400] =	vst v63  }
0xf7: {  	_ =	swait.ge [sflag:s5], $0x4000  }
0xf8: {  	[sflag:s5] =	ssyncset.done $0x0  }
0xf9: {  	[sflag:s5] =	ssyncadd.s32 $0xFFFFC000  }
0xfa: {  	[tilespmem:s7], [sflag:$0x1] =	stream.linear.gather [hbm4b:s20+s3], $0x4000, $0x38;
	[tilespmem:$0x1C400] =	vst v63  }
0xfb: {  	_ =	swait.ge [sflag:s5], $0x4000  }
0xfc: {  	[sflag:s5] =	ssyncset.done $0x0  }
0xfd: {  	[sflag:s5] =	ssyncadd.s32 $0xFFFFC000  }
0xfe: {  	[spmem:s2] =	stream.indirect.scatter.add.f32 [tilespmem:s7], [sflag:$0x1], $0x80, s21, s8, $0xb8;
	[tilespmem:$0x1C400] =	vst v63  }
0xff: {  	_ =	swait.ge [sflag:s5], $0x4000  }
0x100: {  	[sflag:s5] =	ssyncset.done $0x0  }
0x101: {  	[sflag:s5] =	ssyncadd.s32 $0xFFFFC000  }
0x102: {  	[tilespmem:s9], [sflag:$0x1] =	stream.linear.gather [hbm4b:s22+s3], $0x4000, $0x38;
	[tilespmem:$0x1C400] =	vst v63  }
0x103: {  	_ =	swait.ge [sflag:s5], $0x4000  }
0x104: {  	[sflag:s5] =	ssyncset.done $0x0  }
0x105: {  	[sflag:s5] =	ssyncadd.s32 $0xFFFFC000  }
0x106: {  	[spmem:s2] =	stream.indirect.scatter.add.f32 [tilespmem:s9], [sflag:$0x1], $0x80, s23, s8, $0xb8;
	[tilespmem:$0x1C400] =	vst v63  }
0x107: {  	_ =	swait.ge [sflag:s5], $0x4000  }
0x108: {  	[sflag:s5] =	ssyncset.done $0x0  }
0x109: {  	[sflag:s5] =	ssyncadd.s32 $0xFFFFC000  }
0x10a: {  	[tilespmem:s7], [sflag:$0x1] =	stream.linear.gather [hbm4b:s24+s3], $0x4000, $0x38;
	[tilespmem:$0x1C400] =	vst v63  }
0x10b: {  	_ =	swait.ge [sflag:s5], $0x4000  }
0x10c: {  	[sflag:s5] =	ssyncset.done $0x0  }
0x10d: {  	[sflag:s5] =	ssyncadd.s32 $0xFFFFC000  }
0x10e: {  	[spmem:s2] =	stream.indirect.scatter.add.f32 [tilespmem:s7], [sflag:$0x1], $0x80, s25, s8, $0xb8;
	[tilespmem:$0x1C400] =	vst v63  }
0x10f: {  	_ =	swait.ge [sflag:s5], $0x4000  }
0x110: {  	[sflag:s5] =	ssyncset.done $0x0  }
0x111: {  	[sflag:s5] =	ssyncadd.s32 $0xFFFFC000  }
0x112: {  	[tilespmem:s9], [sflag:$0x1] =	stream.linear.gather [hbm4b:s26+s3], $0x4000, $0x38;
	[tilespmem:$0x1C400] =	vst v63  }
0x113: {  	_ =	swait.ge [sflag:s5], $0x4000  }
0x114: {  	[sflag:s5] =	ssyncset.done $0x0  }
0x115: {  	[sflag:s5] =	ssyncadd.s32 $0xFFFFC000  }
0x116: {  	[spmem:s2] =	stream.indirect.scatter.add.f32 [tilespmem:s9], [sflag:$0x1], $0x80, s28, s8, $0xb8;
	[tilespmem:$0x1C400] =	vst v63  }
0x117: {  	_ =	swait.ge [sflag:s5], $0x4000  }
0x118: {  	[sflag:s5] =	ssyncset.done $0x0  }
0x119: {  	[sflag:s5] =	ssyncadd.s32 $0xFFFFC000  }
0x11a: {  	[tilespmem:s7], [sflag:$0x1] =	stream.linear.gather [hbm4b:s29+s3], $0x4000, $0x38;
	[tilespmem:$0x1C400] =	vst v63  }
0x11b: {  	_ =	swait.ge [sflag:s5], $0x4000  }
0x11c: {  	[sflag:s5] =	ssyncset.done $0x0  }
0x11d: {  	[sflag:s5] =	ssyncadd.s32 $0xFFFFC000  }
0x11e: {  	[spmem:s2] =	stream.indirect.scatter.add.f32 [tilespmem:s7], [sflag:$0x1], $0x80, s30, s8, $0xb8;
	[tilespmem:$0x1C400] =	vst v63  }
0x11f: {  	p0 =	sne.s32 s0, $0x1;
	_ =	swait.ge [sflag:s5], $0x4000  }
.Ltmp1:
0x120: {  	[sflag:s5] =	ssyncset.done $0x0;
	(pc) =	sbr.rel @p0 .LBB2_1-.Ltmp1, $4  }
0x121: {  	[sflag:s5] =	ssyncadd.s32 $0xFFFFC000  }
0x122: {  	[bflag:$0x0] =	sbarrier.arrive $0xFFFF  }
0x123: {  	[hbm:s31], [sflag:s4] =	dma.local [spmem:s6], $0x2780  }
0x124: {  	s0 =	sadd.s32 $0xFFFFFFFF, s0;
	_ =	swait.ge [sflag:s5], $0x2780  }
.LBB2_2:
0x125: {  	[sflag:s5] =	ssyncset.done $0x0  }
0x126: {  	[sflag:s5] =	ssyncadd.s32 $0xFFFFD880  }
0x127: {  	_ =	sfence.sel $0x180000  }
0x128: {  	[bflag:$0x0] =	sbarrier.arrive $0xFFFF  }
0x129: {  	_ =	strace $0x9000004A  }
0x12a: {  	s0 =	stileid.u32;
	[bflag:$0x2] =	sbarrier.arrive $0xFFFF  }
0x12b: {  	p0 =	sne.s32 s0, $0x0;
	s0 =	rddreg [dreg:$0x3]  }
0x12c: {  	s0 =	sadd.s32 @!p0 $0x100000, s0  }
0x12d: {  	[sflag:s0] =	ssyncadd.tile.s32 @!p0 $0x1;
	_ =	shalt  }
.Lfunc_end2:
_tile_overlayer_lowered:
.L_overlay_start_2:
0x12e: {  	(tag) =	ssettag $0x2  }
0x12f: {  	s0 =	rddreg [dreg:$0x0];
	s2 =	stileid.u32  }
0x130: {  	s1 =	rddreg [dreg:$0x1];
	p0 =	sne.s32 s2, $0x0  }
0x131: {  	s3 =	rddreg [dreg:$0x2];
	[bflag:$0x3] =	sbarrier.arrive $0xFFFF;
	s2 =	simm.s32 @!p0 $0x1C01  }
0x132: {  	[timem:s3], [sflag:s2] =	dma.local @!p0 [hbm:s0], s1  }
0x133: {  	s0 =	simm.s32 @!p0 $0x1  }
0x134: {  	_ =	swait.ge @!p0 [sflag:s0], s1  }
0x135: {  	s1 =	ssub.s32 @!p0 $0x0, s1;
	[sflag:s0] =	ssyncset.done @!p0 $0x0  }
0x136: {  	[sflag:s0] =	ssyncadd.s32 @!p0 s1  }
0x137: {  	[bflag:$0x3] =	sbarrier.arrive $0xFFFF  }
0x138: {  	_ =	shalt  }

</sc_bundles>
